<compile_context>
chip_gen: v7x
topology: tpu7x:2x2x1
jax: 0.10.2.dev20260603
libtpu: 0.0.44.dev20260713+nightly
codegen_flags: <defaults>
</compile_context>

<pallas_src>
import functools

import jax
import jax.numpy as jnp
from jax import lax
from jax.experimental import pallas as pl
from jax.experimental.pallas import tpu as pltpu
from jax.experimental.pallas import tpu_sc as plsc

N = 10000
E = 20000
D = 32
H = 4
HD = 8

NC = 2
NS = 16
NW = NC * NS
EP = 20480
EB = EP // NW
NCHUNK = 5
NPT = N // NS

BE = 512
GE = EP // BE
BN = 400
GN = N // BN

_mesh = plsc.VectorSubcoreMesh(core_axis_name="c", subcore_axis_name="s")
_sc_params = pltpu.CompilerParams(use_tc_tiling_on_sc=False)
_sc_params_nl = pltpu.CompilerParams(use_tc_tiling_on_sc=False,
                                     needs_layout_passes=False)


@functools.partial(
    pl.kernel,
    out_type=(
        jax.ShapeDtypeStruct((EP, D), jnp.float32),
        jax.ShapeDtypeStruct((EP, D), jnp.float32),
        jax.ShapeDtypeStruct((EP, D), jnp.float32),
    ),
    mesh=_mesh,
    compiler_params=_sc_params,
    scratch_types=(
        pltpu.VMEM((NCHUNK, 128), jnp.int32),
        pltpu.VMEM((NCHUNK, 128), jnp.int32),
        pltpu.VMEM((EB, D), jnp.float32),
        pltpu.VMEM((EB, D), jnp.float32),
        pltpu.VMEM((EB, D), jnp.float32),
        pltpu.SemaphoreType.DMA,
    ),
)
def _sc_gather(in_feat_hbm, qflat_hbm, src1_hbm, dst1_hbm,
               fu_hbm, fv_hbm, qd_hbm,
               sidx_v, didx_v, fu_v, fv_v, qd_v, sem):
    wid = lax.axis_index("s") * NC + lax.axis_index("c")
    for j in range(NCHUNK):
        pltpu.sync_copy(src1_hbm.at[pl.ds(wid * EB + j * 128, 128)], sidx_v.at[j])
        pltpu.sync_copy(dst1_hbm.at[pl.ds(wid * EB + j * 128, 128)], didx_v.at[j])
    descs = []
    for j in range(NCHUNK):
        r = pl.ds(j * 128, 128)
        descs.append(pltpu.async_copy(in_feat_hbm.at[sidx_v.at[j]], fu_v.at[r], sem))
        descs.append(pltpu.async_copy(in_feat_hbm.at[didx_v.at[j]], fv_v.at[r], sem))
        descs.append(pltpu.async_copy(qflat_hbm.at[didx_v.at[j]], qd_v.at[r], sem))
    for d in descs:
        d.wait()
    base = wid * EB
    pltpu.sync_copy(fu_v, fu_hbm.at[pl.ds(base, EB)])
    pltpu.sync_copy(fv_v, fv_hbm.at[pl.ds(base, EB)])
    pltpu.sync_copy(qd_v, qd_hbm.at[pl.ds(base, EB)])


def _rep_mat():
    r = lax.broadcasted_iota(jnp.int32, (D, D * D), 0)
    c = lax.broadcasted_iota(jnp.int32, (D, D * D), 1)
    return (c % D == r).astype(jnp.float32)


def _sel_mat():
    c = lax.broadcasted_iota(jnp.int32, (D * D, D), 0)
    d = lax.broadcasted_iota(jnp.int32, (D * D, D), 1)
    return (c // D == d).astype(jnp.float32)


def _tc_edge_body(skw, dkw, svw, dvw, skb, dkb, svb, dvb, fu, fv, qd,
                  k_o, v_o, vexc_o, ex_o):
    i = pl.program_id(0)
    rep = _rep_mat()
    sel = _sel_mat()
    fu_t = jnp.dot(fu[...], rep, preferred_element_type=jnp.float32)
    fv_t = jnp.dot(fv[...], rep, preferred_element_type=jnp.float32)
    pk = skw[...] * fu_t + dkw[...] * fv_t
    pv = svw[...] * fu_t + dvw[...] * fv_t
    k = jnp.dot(pk, sel, preferred_element_type=jnp.float32) + skb[...] + dkb[...]
    v = jnp.dot(pv, sel, preferred_element_type=jnp.float32) + svb[...] + dvb[...]
    k_o[...] = k
    v_o[...] = v
    prod = k * qd[...]
    r32 = lax.broadcasted_iota(jnp.int32, (D, H), 0)
    c4 = lax.broadcasted_iota(jnp.int32, (D, H), 1)
    e2 = (r32 // HD == c4).astype(jnp.float32)
    attn = jnp.dot(prod, e2, preferred_element_type=jnp.float32)
    ex = jnp.exp(attn)
    r4 = lax.broadcasted_iota(jnp.int32, (H, D), 0)
    c32 = lax.broadcasted_iota(jnp.int32, (H, D), 1)
    e2t = (r4 == c32 // HD).astype(jnp.float32)
    ex_rep = jnp.dot(ex, e2t, preferred_element_type=jnp.float32)
    vex = v * ex_rep
    raw = jnp.concatenate([vex, ex, jnp.zeros((BE, 12), jnp.float32)], axis=1)
    row = lax.broadcasted_iota(jnp.int32, (BE, 48), 0) + i * BE
    vexc_o[...] = jnp.where(row < E, raw, 0.0)
    rowe = lax.broadcasted_iota(jnp.int32, (BE, H), 0) + i * BE
    ex_o[...] = jnp.where(rowe < E, ex, 0.0)


def _tc_edge(skw, dkw, svw, dvw, skb, dkb, svb, dvb, fu, fv, qd):
    w_spec = pl.BlockSpec((BE, D * D), lambda i: (i, 0))
    b_spec = pl.BlockSpec((BE, D), lambda i: (i, 0))
    return pl.pallas_call(
        _tc_edge_body,
        grid=(GE,),
        in_specs=[w_spec, w_spec, w_spec, w_spec,
                  b_spec, b_spec, b_spec, b_spec,
                  b_spec, b_spec, b_spec],
        out_specs=[pl.BlockSpec((BE, D), lambda i: (i, 0)),
                   pl.BlockSpec((BE, D), lambda i: (i, 0)),
                   pl.BlockSpec((BE, 48), lambda i: (i, 0)),
                   pl.BlockSpec((BE, H), lambda i: (i, 0))],
        out_shape=[jax.ShapeDtypeStruct((EP, D), jnp.float32),
                   jax.ShapeDtypeStruct((EP, D), jnp.float32),
                   jax.ShapeDtypeStruct((EP, 48), jnp.float32),
                   jax.ShapeDtypeStruct((EP, H), jnp.float32)],
    )(skw, dkw, svw, dvw, skb, dkb, svb, dvb, fu, fv, qd)


@functools.partial(
    pl.kernel,
    out_type=jax.ShapeDtypeStruct((NC, N, 48), jnp.float32),
    mesh=_mesh,
    compiler_params=_sc_params,
    scratch_types=(
        pltpu.VMEM((NCHUNK, 128), jnp.int32),
        pltpu.VMEM((EB, 48), jnp.float32),
        pltpu.VMEM_SHARED((N, 48), jnp.float32),
    ),
)
def _sc_scatter(vexc_hbm, dst1_hbm, zeros_hbm, out_hbm, didx_v, rows_v, shared):
    c = lax.axis_index("c")
    s = lax.axis_index("s")
    wid = s * NC + c

    @pl.when(s == 0)
    def _():
        pltpu.sync_copy(zeros_hbm, shared)

    plsc.subcore_barrier()
    for j in range(NCHUNK):
        pltpu.sync_copy(dst1_hbm.at[pl.ds(wid * EB + j * 128, 128)], didx_v.at[j])
    pltpu.sync_copy(vexc_hbm.at[pl.ds(wid * EB, EB)], rows_v)
    for j in range(NCHUNK):
        pltpu.sync_copy(rows_v.at[pl.ds(j * 128, 128)],
                        shared.at[didx_v.at[j]], add=True)
    plsc.subcore_barrier()
    pltpu.sync_copy(shared.at[pl.ds(s * NPT, NPT)],
                    out_hbm.at[c, pl.ds(s * NPT, NPT)])


def _tc_node_body(parts, nw, nb, xf, g, b, out_o, den_o):
    sarr = parts[0] + parts[1]
    fs = sarr[:, :D]
    den = sarr[:, D:D + H]
    den_o[...] = den
    rcp = jnp.where(den > 0, 1.0 / den, 0.0)
    r4 = lax.broadcasted_iota(jnp.int32, (H, D), 0)
    c32 = lax.broadcasted_iota(jnp.int32, (H, D), 1)
    e2t = (r4 == c32 // HD).astype(jnp.float32)
    agg = fs * jnp.dot(rcp, e2t, preferred_element_type=jnp.float32)
    agg_t = jnp.dot(agg, _rep_mat(), preferred_element_type=jnp.float32)
    mv = jnp.dot(nw[...] * agg_t, _sel_mat(),
                 preferred_element_type=jnp.float32) + nb[...]
    o = jnp.maximum(mv, 0.0) + xf[...]
    mu = jnp.mean(o, axis=-1, keepdims=True)
    var = jnp.mean((o - mu) ** 2, axis=-1, keepdims=True)
    out_o[...] = (o - mu) / jnp.sqrt(var + 1e-5) * g[...] + b[...]


def _tc_node(parts, nw, nb, xf, g, b):
    return pl.pallas_call(
        _tc_node_body,
        grid=(GN,),
        in_specs=[pl.BlockSpec((NC, BN, 48), lambda i: (0, i, 0)),
                  pl.BlockSpec((BN, D * D), lambda i: (i, 0)),
                  pl.BlockSpec((BN, D), lambda i: (i, 0)),
                  pl.BlockSpec((BN, D), lambda i: (i, 0)),
                  pl.BlockSpec((1, D), lambda i: (0, 0)),
                  pl.BlockSpec((1, D), lambda i: (0, 0))],
        out_specs=[pl.BlockSpec((BN, D), lambda i: (i, 0)),
                   pl.BlockSpec((BN, H), lambda i: (i, 0))],
        out_shape=[jax.ShapeDtypeStruct((N, D), jnp.float32),
                   jax.ShapeDtypeStruct((N, H), jnp.float32)],
    )(parts, nw, nb, xf, g, b)


@functools.partial(
    pl.kernel,
    out_type=jax.ShapeDtypeStruct((EP * H,), jnp.float32),
    mesh=_mesh,
    compiler_params=_sc_params_nl,
    scratch_types=(
        pltpu.VMEM((EB * H,), jnp.float32),
        pltpu.VMEM((EB,), jnp.int32),
        pltpu.VMEM((N * H,), jnp.float32),
        pltpu.VMEM((EB * H,), jnp.float32),
    ),
)
def _sc_norm(ex_hbm, dst1_hbm, den_hbm, out_hbm, ex_v, dst_v, den_v, out_v):
    wid = lax.axis_index("s") * NC + lax.axis_index("c")
    pltpu.sync_copy(den_hbm, den_v)
    pltpu.sync_copy(ex_hbm.at[pl.ds(wid * EB * H, EB * H)], ex_v)
    pltpu.sync_copy(dst1_hbm.at[pl.ds(wid * EB, EB)], dst_v)
    lane = lax.broadcasted_iota(jnp.int32, (16,), 0)
    sub = lane >> 2
    hidx = lane & 3

    def body(n, _):
        off = pl.multiple_of(n * 16, 16)
        exv = ex_v[pl.ds(off, 16)]
        row = n * 4 + sub
        dstv = plsc.load_gather(dst_v, [row])
        denv = plsc.load_gather(den_v, [dstv * H + hidx])
        out_v[pl.ds(off, 16)] = exv / denv
        return 0

    lax.fori_loop(0, EB * H // 16, body, 0)
    pltpu.sync_copy(out_v, out_hbm.at[pl.ds(wid * EB * H, EB * H)])


def kernel(in_feat, edge_index, src_key_w, dst_key_w, src_key_b, dst_key_b,
           src_val_w, dst_val_w, src_val_b, dst_val_b, query, node_w, node_b,
           ln_g, ln_b):
    src = edge_index[0]
    dst = edge_index[1]
    src_p = jnp.pad(src, (0, EP - E))
    dst_p = jnp.pad(dst, (0, EP - E))
    qflat = query.reshape(N, H * HD)

    fu, fv, qd = _sc_gather(in_feat, qflat, src_p, dst_p)

    k, v, vexc, ex4 = _tc_edge(
        src_key_w.reshape(E, D * D), dst_key_w.reshape(E, D * D),
        src_val_w.reshape(E, D * D), dst_val_w.reshape(E, D * D),
        src_key_b.reshape(E, H * HD), dst_key_b.reshape(E, H * HD),
        src_val_b.reshape(E, H * HD), dst_val_b.reshape(E, H * HD),
        fu, fv, qd)

    parts = _sc_scatter(vexc, dst_p, jnp.zeros((N, 48), jnp.float32))

    out, den4 = _tc_node(parts, node_w.reshape(N, D * D), node_b, in_feat,
                         ln_g.reshape(1, D), ln_b.reshape(1, D))

    attn_flat = _sc_norm(ex4.reshape(EP * H), dst_p, den4.reshape(N * H))
    attn_sm = attn_flat.reshape(EP, H)[:E]

    return (out, k[:E], v[:E], attn_sm)

# --- scband reference (transcript-rebuilt; emitter-appended) ---
"""Pipeline reference for scband-hetero-attn-conv-18287970747042 (READ-ONLY COPY).

The authoritative reference and input builder live on the scoring server;
editing this copy changes nothing except your own understanding.
"""

import jax, jax.numpy as jnp
import numpy as np

N = 10000
E = 20000
D = 32
H = 4
HD = 8

def _layer_norm(x, g, b, eps=1e-5):
    mu = jnp.mean(x, axis=-1, keepdims=True)
    var = jnp.mean((x - mu) ** 2, axis=-1, keepdims=True)
    return (x - mu) / jnp.sqrt(var + eps) * g + b

def setup_inputs(seed: int = 0):
    key = jax.random.key(seed)
    ks = jax.random.split(key, 14)
    s = 1.0 / np.sqrt(D)
    in_feat = jax.random.normal(ks[0], (N, D), jnp.float32)
    edge_index = jax.random.randint(ks[1], (2, E), 0, N, dtype=jnp.int32)
    src_key_w = jax.random.normal(ks[2], (E, H, HD, D), jnp.float32) * s
    dst_key_w = jax.random.normal(ks[3], (E, H, HD, D), jnp.float32) * s
    src_key_b = jax.random.normal(ks[4], (E, H, HD), jnp.float32) * 0.02
    dst_key_b = jax.random.normal(ks[5], (E, H, HD), jnp.float32) * 0.02
    src_val_w = jax.random.normal(ks[6], (E, H, HD, D), jnp.float32) * s
    dst_val_w = jax.random.normal(ks[7], (E, H, HD, D), jnp.float32) * s
    src_val_b = jax.random.normal(ks[8], (E, H, HD), jnp.float32) * 0.02
    dst_val_b = jax.random.normal(ks[9], (E, H, HD), jnp.float32) * 0.02
    query = jax.random.normal(ks[10], (N, H, HD), jnp.float32) * s
    node_w = jax.random.normal(ks[11], (N, D, D), jnp.float32) * s
    node_b = jax.random.normal(ks[12], (N, D), jnp.float32) * 0.02
    ln_g = jnp.ones((D,), jnp.float32)
    ln_b = jnp.zeros((D,), jnp.float32)
    return {"in_feat": in_feat, "edge_index": edge_index, "src_key_w": src_key_w, "dst_key_w": dst_key_w, "src_key_b": src_key_b, "dst_key_b": dst_key_b, "src_val_w": src_val_w, "dst_val_w": dst_val_w, "src_val_b": src_val_b, "dst_val_b": dst_val_b, "query": query, "node_w": node_w, "node_b": node_b, "ln_g": ln_g, "ln_b": ln_b}

def reference(in_feat, edge_index, src_key_w, dst_key_w, src_key_b, dst_key_b, src_val_w, dst_val_w, src_val_b, dst_val_b, query, node_w, node_b, ln_g, ln_b):
    src = edge_index[0]
    dst = edge_index[1]
    fu = in_feat[src]
    fv = in_feat[dst]
    # edgewise_linear for K and V: per-edge weight matrices applied to src and dst features
    k = jnp.einsum('ehdi,ei->ehd', src_key_w, fu) + src_key_b + jnp.einsum('ehdi,ei->ehd', dst_key_w, fv) + dst_key_b
    v = jnp.einsum('ehdi,ei->ehd', src_val_w, fu) + src_val_b + jnp.einsum('ehdi,ei->ehd', dst_val_w, fv) + dst_val_b
    # fn.e_dot_v(KEY, QUERY): dot edge key with dst-node query per head -> (E, H, 1)
    attn = jnp.einsum('ehd,ehd->eh', k, query[dst])[..., None]
    # edge_softmax over incoming edges of each destination node
    m = jax.lax.stop_gradient(jax.ops.segment_max(attn, dst, num_segments=N))
    ex = jnp.exp(attn - m[dst])
    denom = jax.ops.segment_sum(ex, dst, num_segments=N)
    attn_sm = ex / denom[dst]
    # weight values and aggregate to dst nodes (copy_e + sum)
    feat = v * attn_sm
    agg = jax.ops.segment_sum(feat, dst, num_segments=N).reshape(N, H * HD)
    # nodewise_linear with per-node weight/bias, then relu
    out = jnp.einsum('noi,ni->no', node_w, agg) + node_b
    out = jax.nn.relu(out)
    out = in_feat + out
    out = _layer_norm(out, ln_g, ln_b)
    return (out, k.reshape(E, -1), v.reshape(E, -1), attn_sm.reshape(E, -1))

if __name__ == "__main__":
    import jax
    _d = setup_inputs()
    print(jax.jit(kernel)(*tuple(_d.values())))

</pallas_src>

<mosaic_0001>
#map = affine_map<(d0, d1) -> (0)>
module attributes {stable_mosaic.version = 14 : i64} {
  func.func @_sc_norm(%arg0: i32, %arg1: i32, %arg2: memref<81920xf32, #tpu.memory_space<hbm>>, %arg3: memref<20480xi32, #tpu.memory_space<hbm>>, %arg4: memref<40000xf32, #tpu.memory_space<hbm>>, %arg5: memref<81920xf32, #tpu.memory_space<hbm>>, %arg6: memref<2560xf32, #tpu.memory_space<vmem>>, %arg7: memref<640xi32, #tpu.memory_space<vmem>>, %arg8: memref<40000xf32, #tpu.memory_space<vmem>>, %arg9: memref<2560xf32, #tpu.memory_space<vmem>>) attributes {dimension_semantics = [#tpu.dimension_semantics<core_parallel>, #tpu.dimension_semantics<subcore_parallel>], iteration_bounds = array<i64: 2, 16>, scalar_prefetch = 0 : i64, scratch_operands = 4 : i64, tpu.core_type = #tpu.core_type<sc_vector_subcore>, window_params = [{transform_indices = #map}, {transform_indices = #map}, {transform_indices = #map}, {transform_indices = #map}]} {
    %mul3A = arith.constant 2 : i32
    %mul3A_0 = arith.muli %arg1, %mul3A : i32
    %add3A = arith.addi %mul3A_0, %arg0 : i32
    "tpu.region"() ({
      %run_scoped3A = tpu.sem_alloc : memref<!tpu.dma_semaphore, #tpu.memory_space<semaphore_mem>>
      tpu.enqueue_dma source(%arg4 : memref<40000xf32, #tpu.memory_space<hbm>>) target(%arg8 : memref<40000xf32, #tpu.memory_space<vmem>>) target_semaphore(%run_scoped3A : memref<!tpu.dma_semaphore, #tpu.memory_space<semaphore_mem>>)
      tpu.wait_dma2 semaphore(%run_scoped3A : memref<!tpu.dma_semaphore, #tpu.memory_space<semaphore_mem>>) src(%arg4 : memref<40000xf32, #tpu.memory_space<hbm>>) dst(%arg8 : memref<40000xf32, #tpu.memory_space<vmem>>)
      tpu.yield
    }) : () -> ()
    %mul3A_1 = arith.constant 640 : i32
    %mul3A_2 = arith.muli %add3A, %mul3A_1 : i32
    %mul3A_3 = arith.constant 4 : i32
    %mul3A_4 = arith.muli %mul3A_2, %mul3A_3 : i32
    "tpu.region"() ({
      %run_scoped3A = tpu.sem_alloc : memref<!tpu.dma_semaphore, #tpu.memory_space<semaphore_mem>>
      %dma_start3A = tpu.memref_slice %arg2[%mul3A_4] : memref<81920xf32, #tpu.memory_space<hbm>> -> memref<2560xf32, #tpu.memory_space<hbm>>
      %dma_start3A_21 = tpu.memref_slice %arg2[%mul3A_4] : memref<81920xf32, #tpu.memory_space<hbm>> -> memref<2560xf32, #tpu.memory_space<hbm>>
      tpu.enqueue_dma source(%dma_start3A_21 : memref<2560xf32, #tpu.memory_space<hbm>>) target(%arg6 : memref<2560xf32, #tpu.memory_space<vmem>>) target_semaphore(%run_scoped3A : memref<!tpu.dma_semaphore, #tpu.memory_space<semaphore_mem>>)
      %dma_wait3A = tpu.memref_slice %arg2[%mul3A_4] : memref<81920xf32, #tpu.memory_space<hbm>> -> memref<2560xf32, #tpu.memory_space<hbm>>
      %dma_wait3A_22 = tpu.memref_slice %arg2[%mul3A_4] : memref<81920xf32, #tpu.memory_space<hbm>> -> memref<2560xf32, #tpu.memory_space<hbm>>
      tpu.wait_dma2 semaphore(%run_scoped3A : memref<!tpu.dma_semaphore, #tpu.memory_space<semaphore_mem>>) src(%dma_wait3A_22 : memref<2560xf32, #tpu.memory_space<hbm>>) dst(%arg6 : memref<2560xf32, #tpu.memory_space<vmem>>)
      tpu.yield
    }) : () -> ()
    %mul3A_5 = arith.constant 640 : i32
    %mul3A_6 = arith.muli %add3A, %mul3A_5 : i32
    "tpu.region"() ({
      %run_scoped3A = tpu.sem_alloc : memref<!tpu.dma_semaphore, #tpu.memory_space<semaphore_mem>>
      %dma_start3A = tpu.memref_slice %arg3[%mul3A_6] : memref<20480xi32, #tpu.memory_space<hbm>> -> memref<640xi32, #tpu.memory_space<hbm>>
      %dma_start3A_21 = tpu.memref_slice %arg3[%mul3A_6] : memref<20480xi32, #tpu.memory_space<hbm>> -> memref<640xi32, #tpu.memory_space<hbm>>
      tpu.enqueue_dma source(%dma_start3A_21 : memref<640xi32, #tpu.memory_space<hbm>>) target(%arg7 : memref<640xi32, #tpu.memory_space<vmem>>) target_semaphore(%run_scoped3A : memref<!tpu.dma_semaphore, #tpu.memory_space<semaphore_mem>>)
      %dma_wait3A = tpu.memref_slice %arg3[%mul3A_6] : memref<20480xi32, #tpu.memory_space<hbm>> -> memref<640xi32, #tpu.memory_space<hbm>>
      %dma_wait3A_22 = tpu.memref_slice %arg3[%mul3A_6] : memref<20480xi32, #tpu.memory_space<hbm>> -> memref<640xi32, #tpu.memory_space<hbm>>
      tpu.wait_dma2 semaphore(%run_scoped3A : memref<!tpu.dma_semaphore, #tpu.memory_space<semaphore_mem>>) src(%dma_wait3A_22 : memref<640xi32, #tpu.memory_space<hbm>>) dst(%arg7 : memref<640xi32, #tpu.memory_space<vmem>>)
      tpu.yield
    }) : () -> ()
    %iota3A = tpu.iota {dimensions = array<i32: 0>} : vector<16xi32>
    %shift_right_arithmetic3A = arith.constant 2 : i32
    %shift_right_arithmetic3A_7 = vector.broadcast %shift_right_arithmetic3A : i32 to vector<16xi32>
    %shift_right_arithmetic3A_8 = arith.shrsi %iota3A, %shift_right_arithmetic3A_7 : vector<16xi32>
    %and3A = arith.constant 3 : i32
    %and3A_9 = vector.broadcast %and3A : i32 to vector<16xi32>
    %and3A_10 = arith.andi %iota3A, %and3A_9 : vector<16xi32>
    %scan3A = arith.constant 0 : i32
    %scan3A_11 = arith.constant 0 : i32
    %scan3A_12 = arith.constant 160 : i32
    %scan3A_13 = arith.addi %scan3A_11, %scan3A_12 : i32
    %scan3A_14 = arith.constant 1 : i32
    %scan3A_15 = scf.for %scan3A_21 = %scan3A_11 to %scan3A_13 step %scan3A_14 iter_args(%scan3A_22 = %scan3A) -> (i32)  : i32 {
      %mul3A_23 = arith.constant 16 : i32
      %mul3A_24 = arith.muli %scan3A_21, %mul3A_23 : i32
      %multiple_of3A = tpu.assume_multiple %mul3A_24, 16 : i32
      %get3A = arith.index_cast %multiple_of3A : i32 to index
      %get3A_25 = tpu.vector_load %arg6[%get3A] {strides = array<i32>} : memref<2560xf32, #tpu.memory_space<vmem>>, vector<16xf32>,
      %mul3A_26 = arith.constant 4 : i32
      %mul3A_27 = arith.muli %scan3A_21, %mul3A_26 : i32
      %add3A_28 = vector.broadcast %mul3A_27 : i32 to vector<16xi32>
      %add3A_29 = arith.addi %add3A_28, %shift_right_arithmetic3A_8 : vector<16xi32>
      %gather3A = tpu.vector_load_idx %arg7[%add3A_29] : memref<640xi32, #tpu.memory_space<vmem>>[vector<16xi32>], vector<16xi32>,
      %mul3A_30 = arith.constant 4 : i32
      %mul3A_31 = vector.broadcast %mul3A_30 : i32 to vector<16xi32>
      %mul3A_32 = arith.muli %gather3A, %mul3A_31 : vector<16xi32>
      %add3A_33 = arith.addi %mul3A_32, %and3A_10 : vector<16xi32>
      %gather3A_34 = tpu.vector_load_idx %arg8[%add3A_33] : memref<40000xf32, #tpu.memory_space<vmem>>[vector<16xi32>], vector<16xf32>,
      %div3A = arith.divf %get3A_25, %gather3A_34 : vector<16xf32>
      %swap3A = arith.index_cast %multiple_of3A : i32 to index
      %swap3A_35 = tpu.vector_load %arg9[%swap3A] {strides = array<i32>} : memref<2560xf32, #tpu.memory_space<vmem>>, vector<16xf32>,
      tpu.vector_store %arg9[%swap3A], %div3A {strides = array<i32>} : memref<2560xf32, #tpu.memory_space<vmem>>, vector<16xf32>,
      %scan3A_36 = arith.constant 0 : i32
      scf.yield %scan3A_36 : i32
    }
    %scan3A_16 = arith.constant 160 : i32
    %mul3A_17 = arith.constant 640 : i32
    %mul3A_18 = arith.muli %add3A, %mul3A_17 : i32
    %mul3A_19 = arith.constant 4 : i32
    %mul3A_20 = arith.muli %mul3A_18, %mul3A_19 : i32
    "tpu.region"() ({
      %run_scoped3A = tpu.sem_alloc : memref<!tpu.dma_semaphore, #tpu.memory_space<semaphore_mem>>
      %dma_start3A = tpu.memref_slice %arg5[%mul3A_20] : memref<81920xf32, #tpu.memory_space<hbm>> -> memref<2560xf32, #tpu.memory_space<hbm>>
      %dma_start3A_21 = tpu.memref_slice %arg5[%mul3A_20] : memref<81920xf32, #tpu.memory_space<hbm>> -> memref<2560xf32, #tpu.memory_space<hbm>>
      tpu.enqueue_dma source(%arg9 : memref<2560xf32, #tpu.memory_space<vmem>>) target(%dma_start3A_21 : memref<2560xf32, #tpu.memory_space<hbm>>) target_semaphore(%run_scoped3A : memref<!tpu.dma_semaphore, #tpu.memory_space<semaphore_mem>>)
      %dma_wait3A = tpu.memref_slice %arg5[%mul3A_20] : memref<81920xf32, #tpu.memory_space<hbm>> -> memref<2560xf32, #tpu.memory_space<hbm>>
      %dma_wait3A_22 = tpu.memref_slice %arg5[%mul3A_20] : memref<81920xf32, #tpu.memory_space<hbm>> -> memref<2560xf32, #tpu.memory_space<hbm>>
      tpu.wait_dma2 semaphore(%run_scoped3A : memref<!tpu.dma_semaphore, #tpu.memory_space<semaphore_mem>>) src(%arg9 : memref<2560xf32, #tpu.memory_space<vmem>>) dst(%dma_wait3A_22 : memref<2560xf32, #tpu.memory_space<hbm>>)
      tpu.yield
    }) : () -> ()
    return
  }
}

#map = affine_map<(d0, d1) -> (0, 0)>
#map1 = affine_map<(d0, d1) -> (0)>
module attributes {stable_mosaic.version = 14 : i64} {
  func.func @_sc_gather(%arg0: i32, %arg1: i32, %arg2: memref<10000x32xf32, #tpu.memory_space<hbm>>, %arg3: memref<10000x32xf32, #tpu.memory_space<hbm>>, %arg4: memref<20480xi32, #tpu.memory_space<hbm>>, %arg5: memref<20480xi32, #tpu.memory_space<hbm>>, %arg6: memref<20480x32xf32, #tpu.memory_space<hbm>>, %arg7: memref<20480x32xf32, #tpu.memory_space<hbm>>, %arg8: memref<20480x32xf32, #tpu.memory_space<hbm>>, %arg9: memref<5x128xi32, #tpu.memory_space<vmem>>, %arg10: memref<5x128xi32, #tpu.memory_space<vmem>>, %arg11: memref<640x32xf32, #tpu.memory_space<vmem>>, %arg12: memref<640x32xf32, #tpu.memory_space<vmem>>, %arg13: memref<640x32xf32, #tpu.memory_space<vmem>>, %arg14: memref<!tpu.dma_semaphore, #tpu.memory_space<semaphore_mem>>) attributes {dimension_semantics = [#tpu.dimension_semantics<core_parallel>, #tpu.dimension_semantics<subcore_parallel>], iteration_bounds = array<i64: 2, 16>, scalar_prefetch = 0 : i64, scratch_operands = 6 : i64, tpu.core_type = #tpu.core_type<sc_vector_subcore>, window_params = [{transform_indices = #map}, {transform_indices = #map}, {transform_indices = #map1}, {transform_indices = #map1}, {transform_indices = #map}, {transform_indices = #map}, {transform_indices = #map}]} {
    %mul3A = arith.constant 2 : i32
    %mul3A_0 = arith.muli %arg1, %mul3A : i32
    %add3A = arith.addi %mul3A_0, %arg0 : i32
    %mul3A_1 = arith.constant 640 : i32
    %mul3A_2 = arith.muli %add3A, %mul3A_1 : i32
    %add3A_3 = arith.constant 0 : i32
    %add3A_4 = arith.addi %mul3A_2, %add3A_3 : i32
    %run_scoped3A = arith.constant 0 : i32
    "tpu.region"() ({
      %run_scoped3A_350 = tpu.sem_alloc : memref<!tpu.dma_semaphore, #tpu.memory_space<semaphore_mem>>
      %dma_start3A_351 = arith.constant 0 : i32
      %dma_start3A_352 = tpu.memref_slice %arg9[%run_scoped3A, %dma_start3A_351] : memref<5x128xi32, #tpu.memory_space<vmem>> -> memref<1x128xi32, #tpu.memory_space<vmem>>
      %dma_start3A_353 = tpu.memref_squeeze %dma_start3A_352 : memref<1x128xi32, #tpu.memory_space<vmem>> -> memref<128xi32, #tpu.memory_space<vmem>>
      %dma_start3A_354 = tpu.memref_slice %arg4[%add3A_4] : memref<20480xi32, #tpu.memory_space<hbm>> -> memref<128xi32, #tpu.memory_space<hbm>>
      %dma_start3A_355 = arith.constant 0 : i32
      %dma_start3A_356 = tpu.memref_slice %arg9[%run_scoped3A, %dma_start3A_355] : memref<5x128xi32, #tpu.memory_space<vmem>> -> memref<1x128xi32, #tpu.memory_space<vmem>>
      %dma_start3A_357 = tpu.memref_squeeze %dma_start3A_356 : memref<1x128xi32, #tpu.memory_space<vmem>> -> memref<128xi32, #tpu.memory_space<vmem>>
      %dma_start3A_358 = tpu.memref_slice %arg4[%add3A_4] : memref<20480xi32, #tpu.memory_space<hbm>> -> memref<128xi32, #tpu.memory_space<hbm>>
      tpu.enqueue_dma source(%dma_start3A_358 : memref<128xi32, #tpu.memory_space<hbm>>) target(%dma_start3A_357 : memref<128xi32, #tpu.memory_space<vmem>>) target_semaphore(%run_scoped3A_350 : memref<!tpu.dma_semaphore, #tpu.memory_space<semaphore_mem>>)
      %dma_wait3A_359 = arith.constant 0 : i32
      %dma_wait3A_360 = tpu.memref_slice %arg9[%run_scoped3A, %dma_wait3A_359] : memref<5x128xi32, #tpu.memory_space<vmem>> -> memref<1x128xi32, #tpu.memory_space<vmem>>
      %dma_wait3A_361 = tpu.memref_squeeze %dma_wait3A_360 : memref<1x128xi32, #tpu.memory_space<vmem>> -> memref<128xi32, #tpu.memory_space<vmem>>
      %dma_wait3A_362 = tpu.memref_slice %arg4[%add3A_4] : memref<20480xi32, #tpu.memory_space<hbm>> -> memref<128xi32, #tpu.memory_space<hbm>>
      %dma_wait3A_363 = arith.constant 0 : i32
      %dma_wait3A_364 = tpu.memref_slice %arg9[%run_scoped3A, %dma_wait3A_363] : memref<5x128xi32, #tpu.memory_space<vmem>> -> memref<1x128xi32, #tpu.memory_space<vmem>>
      %dma_wait3A_365 = tpu.memref_squeeze %dma_wait3A_364 : memref<1x128xi32, #tpu.memory_space<vmem>> -> memref<128xi32, #tpu.memory_space<vmem>>
      %dma_wait3A_366 = tpu.memref_slice %arg4[%add3A_4] : memref<20480xi32, #tpu.memory_space<hbm>> -> memref<128xi32, #tpu.memory_space<hbm>>
      tpu.wait_dma2 semaphore(%run_scoped3A_350 : memref<!tpu.dma_semaphore, #tpu.memory_space<semaphore_mem>>) src(%dma_wait3A_366 : memref<128xi32, #tpu.memory_space<hbm>>) dst(%dma_wait3A_365 : memref<128xi32, #tpu.memory_space<vmem>>)
      tpu.yield
    }) : () -> ()
    %mul3A_5 = arith.constant 640 : i32
    %mul3A_6 = arith.muli %add3A, %mul3A_5 : i32
    %add3A_7 = arith.constant 0 : i32
    %add3A_8 = arith.addi %mul3A_6, %add3A_7 : i32
    %run_scoped3A_9 = arith.constant 0 : i32
    "tpu.region"() ({
      %run_scoped3A_350 = tpu.sem_alloc : memref<!tpu.dma_semaphore, #tpu.memory_space<semaphore_mem>>
      %dma_start3A_351 = arith.constant 0 : i32
      %dma_start3A_352 = tpu.memref_slice %arg10[%run_scoped3A_9, %dma_start3A_351] : memref<5x128xi32, #tpu.memory_space<vmem>> -> memref<1x128xi32, #tpu.memory_space<vmem>>
      %dma_start3A_353 = tpu.memref_squeeze %dma_start3A_352 : memref<1x128xi32, #tpu.memory_space<vmem>> -> memref<128xi32, #tpu.memory_space<vmem>>
      %dma_start3A_354 = tpu.memref_slice %arg5[%add3A_8] : memref<20480xi32, #tpu.memory_space<hbm>> -> memref<128xi32, #tpu.memory_space<hbm>>
      %dma_start3A_355 = arith.constant 0 : i32
      %dma_start3A_356 = tpu.memref_slice %arg10[%run_scoped3A_9, %dma_start3A_355] : memref<5x128xi32, #tpu.memory_space<vmem>> -> memref<1x128xi32, #tpu.memory_space<vmem>>
      %dma_start3A_357 = tpu.memref_squeeze %dma_start3A_356 : memref<1x128xi32, #tpu.memory_space<vmem>> -> memref<128xi32, #tpu.memory_space<vmem>>
      %dma_start3A_358 = tpu.memref_slice %arg5[%add3A_8] : memref<20480xi32, #tpu.memory_space<hbm>> -> memref<128xi32, #tpu.memory_space<hbm>>
      tpu.enqueue_dma source(%dma_start3A_358 : memref<128xi32, #tpu.memory_space<hbm>>) target(%dma_start3A_357 : memref<128xi32, #tpu.memory_space<vmem>>) target_semaphore(%run_scoped3A_350 : memref<!tpu.dma_semaphore, #tpu.memory_space<semaphore_mem>>)
      %dma_wait3A_359 = arith.constant 0 : i32
      %dma_wait3A_360 = tpu.memref_slice %arg10[%run_scoped3A_9, %dma_wait3A_359] : memref<5x128xi32, #tpu.memory_space<vmem>> -> memref<1x128xi32, #tpu.memory_space<vmem>>
      %dma_wait3A_361 = tpu.memref_squeeze %dma_wait3A_360 : memref<1x128xi32, #tpu.memory_space<vmem>> -> memref<128xi32, #tpu.memory_space<vmem>>
      %dma_wait3A_362 = tpu.memref_slice %arg5[%add3A_8] : memref<20480xi32, #tpu.memory_space<hbm>> -> memref<128xi32, #tpu.memory_space<hbm>>
      %dma_wait3A_363 = arith.constant 0 : i32
      %dma_wait3A_364 = tpu.memref_slice %arg10[%run_scoped3A_9, %dma_wait3A_363] : memref<5x128xi32, #tpu.memory_space<vmem>> -> memref<1x128xi32, #tpu.memory_space<vmem>>
      %dma_wait3A_365 = tpu.memref_squeeze %dma_wait3A_364 : memref<1x128xi32, #tpu.memory_space<vmem>> -> memref<128xi32, #tpu.memory_space<vmem>>
      %dma_wait3A_366 = tpu.memref_slice %arg5[%add3A_8] : memref<20480xi32, #tpu.memory_space<hbm>> -> memref<128xi32, #tpu.memory_space<hbm>>
      tpu.wait_dma2 semaphore(%run_scoped3A_350 : memref<!tpu.dma_semaphore, #tpu.memory_space<semaphore_mem>>) src(%dma_wait3A_366 : memref<128xi32, #tpu.memory_space<hbm>>) dst(%dma_wait3A_365 : memref<128xi32, #tpu.memory_space<vmem>>)
      tpu.yield
    }) : () -> ()
    %mul3A_10 = arith.constant 640 : i32
    %mul3A_11 = arith.muli %add3A, %mul3A_10 : i32
    %add3A_12 = arith.constant 128 : i32
    %add3A_13 = arith.addi %mul3A_11, %add3A_12 : i32
    %run_scoped3A_14 = arith.constant 1 : i32
    "tpu.region"() ({
      %run_scoped3A_350 = tpu.sem_alloc : memref<!tpu.dma_semaphore, #tpu.memory_space<semaphore_mem>>
      %dma_start3A_351 = arith.constant 0 : i32
      %dma_start3A_352 = tpu.memref_slice %arg9[%run_scoped3A_14, %dma_start3A_351] : memref<5x128xi32, #tpu.memory_space<vmem>> -> memref<1x128xi32, #tpu.memory_space<vmem>>
      %dma_start3A_353 = tpu.memref_squeeze %dma_start3A_352 : memref<1x128xi32, #tpu.memory_space<vmem>> -> memref<128xi32, #tpu.memory_space<vmem>>
      %dma_start3A_354 = tpu.memref_slice %arg4[%add3A_13] : memref<20480xi32, #tpu.memory_space<hbm>> -> memref<128xi32, #tpu.memory_space<hbm>>
      %dma_start3A_355 = arith.constant 0 : i32
      %dma_start3A_356 = tpu.memref_slice %arg9[%run_scoped3A_14, %dma_start3A_355] : memref<5x128xi32, #tpu.memory_space<vmem>> -> memref<1x128xi32, #tpu.memory_space<vmem>>
      %dma_start3A_357 = tpu.memref_squeeze %dma_start3A_356 : memref<1x128xi32, #tpu.memory_space<vmem>> -> memref<128xi32, #tpu.memory_space<vmem>>
      %dma_start3A_358 = tpu.memref_slice %arg4[%add3A_13] : memref<20480xi32, #tpu.memory_space<hbm>> -> memref<128xi32, #tpu.memory_space<hbm>>
      tpu.enqueue_dma source(%dma_start3A_358 : memref<128xi32, #tpu.memory_space<hbm>>) target(%dma_start3A_357 : memref<128xi32, #tpu.memory_space<vmem>>) target_semaphore(%run_scoped3A_350 : memref<!tpu.dma_semaphore, #tpu.memory_space<semaphore_mem>>)
      %dma_wait3A_359 = arith.constant 0 : i32
      %dma_wait3A_360 = tpu.memref_slice %arg9[%run_scoped3A_14, %dma_wait3A_359] : memref<5x128xi32, #tpu.memory_space<vmem>> -> memref<1x128xi32, #tpu.memory_space<vmem>>
      %dma_wait3A_361 = tpu.memref_squeeze %dma_wait3A_360 : memref<1x128xi32, #tpu.memory_space<vmem>> -> memref<128xi32, #tpu.memory_space<vmem>>
      %dma_wait3A_362 = tpu.memref_slice %arg4[%add3A_13] : memref<20480xi32, #tpu.memory_space<hbm>> -> memref<128xi32, #tpu.memory_space<hbm>>
      %dma_wait3A_363 = arith.constant 0 : i32
      %dma_wait3A_364 = tpu.memref_slice %arg9[%run_scoped3A_14, %dma_wait3A_363] : memref<5x128xi32, #tpu.memory_space<vmem>> -> memref<1x128xi32, #tpu.memory_space<vmem>>
      %dma_wait3A_365 = tpu.memref_squeeze %dma_wait3A_364 : memref<1x128xi32, #tpu.memory_space<vmem>> -> memref<128xi32, #tpu.memory_space<vmem>>
      %dma_wait3A_366 = tpu.memref_slice %arg4[%add3A_13] : memref<20480xi32, #tpu.memory_space<hbm>> -> memref<128xi32, #tpu.memory_space<hbm>>
      tpu.wait_dma2 semaphore(%run_scoped3A_350 : memref<!tpu.dma_semaphore, #tpu.memory_space<semaphore_mem>>) src(%dma_wait3A_366 : memref<128xi32, #tpu.memory_space<hbm>>) dst(%dma_wait3A_365 : memref<128xi32, #tpu.memory_space<vmem>>)
      tpu.yield
    }) : () -> ()
    %mul3A_15 = arith.constant 640 : i32
    %mul3A_16 = arith.muli %add3A, %mul3A_15 : i32
    %add3A_17 = arith.constant 128 : i32
    %add3A_18 = arith.addi %mul3A_16, %add3A_17 : i32
    %run_scoped3A_19 = arith.constant 1 : i32
    "tpu.region"() ({
      %run_scoped3A_350 = tpu.sem_alloc : memref<!tpu.dma_semaphore, #tpu.memory_space<semaphore_mem>>
      %dma_start3A_351 = arith.constant 0 : i32
      %dma_start3A_352 = tpu.memref_slice %arg10[%run_scoped3A_19, %dma_start3A_351] : memref<5x128xi32, #tpu.memory_space<vmem>> -> memref<1x128xi32, #tpu.memory_space<vmem>>
      %dma_start3A_353 = tpu.memref_squeeze %dma_start3A_352 : memref<1x128xi32, #tpu.memory_space<vmem>> -> memref<128xi32, #tpu.memory_space<vmem>>
      %dma_start3A_354 = tpu.memref_slice %arg5[%add3A_18] : memref<20480xi32, #tpu.memory_space<hbm>> -> memref<128xi32, #tpu.memory_space<hbm>>
      %dma_start3A_355 = arith.constant 0 : i32
      %dma_start3A_356 = tpu.memref_slice %arg10[%run_scoped3A_19, %dma_start3A_355] : memref<5x128xi32, #tpu.memory_space<vmem>> -> memref<1x128xi32, #tpu.memory_space<vmem>>
      %dma_start3A_357 = tpu.memref_squeeze %dma_start3A_356 : memref<1x128xi32, #tpu.memory_space<vmem>> -> memref<128xi32, #tpu.memory_space<vmem>>
      %dma_start3A_358 = tpu.memref_slice %arg5[%add3A_18] : memref<20480xi32, #tpu.memory_space<hbm>> -> memref<128xi32, #tpu.memory_space<hbm>>
      tpu.enqueue_dma source(%dma_start3A_358 : memref<128xi32, #tpu.memory_space<hbm>>) target(%dma_start3A_357 : memref<128xi32, #tpu.memory_space<vmem>>) target_semaphore(%run_scoped3A_350 : memref<!tpu.dma_semaphore, #tpu.memory_space<semaphore_mem>>)
      %dma_wait3A_359 = arith.constant 0 : i32
      %dma_wait3A_360 = tpu.memref_slice %arg10[%run_scoped3A_19, %dma_wait3A_359] : memref<5x128xi32, #tpu.memory_space<vmem>> -> memref<1x128xi32, #tpu.memory_space<vmem>>
      %dma_wait3A_361 = tpu.memref_squeeze %dma_wait3A_360 : memref<1x128xi32, #tpu.memory_space<vmem>> -> memref<128xi32, #tpu.memory_space<vmem>>
      %dma_wait3A_362 = tpu.memref_slice %arg5[%add3A_18] : memref<20480xi32, #tpu.memory_space<hbm>> -> memref<128xi32, #tpu.memory_space<hbm>>
      %dma_wait3A_363 = arith.constant 0 : i32
      %dma_wait3A_364 = tpu.memref_slice %arg10[%run_scoped3A_19, %dma_wait3A_363] : memref<5x128xi32, #tpu.memory_space<vmem>> -> memref<1x128xi32, #tpu.memory_space<vmem>>
      %dma_wait3A_365 = tpu.memref_squeeze %dma_wait3A_364 : memref<1x128xi32, #tpu.memory_space<vmem>> -> memref<128xi32, #tpu.memory_space<vmem>>
      %dma_wait3A_366 = tpu.memref_slice %arg5[%add3A_18] : memref<20480xi32, #tpu.memory_space<hbm>> -> memref<128xi32, #tpu.memory_space<hbm>>
      tpu.wait_dma2 semaphore(%run_scoped3A_350 : memref<!tpu.dma_semaphore, #tpu.memory_space<semaphore_mem>>) src(%dma_wait3A_366 : memref<128xi32, #tpu.memory_space<hbm>>) dst(%dma_wait3A_365 : memref<128xi32, #tpu.memory_space<vmem>>)
      tpu.yield
    }) : () -> ()
    %mul3A_20 = arith.constant 640 : i32
    %mul3A_21 = arith.muli %add3A, %mul3A_20 : i32
    %add3A_22 = arith.constant 256 : i32
    %add3A_23 = arith.addi %mul3A_21, %add3A_22 : i32
    %run_scoped3A_24 = arith.constant 2 : i32
    "tpu.region"() ({
      %run_scoped3A_350 = tpu.sem_alloc : memref<!tpu.dma_semaphore, #tpu.memory_space<semaphore_mem>>
      %dma_start3A_351 = arith.constant 0 : i32
      %dma_start3A_352 = tpu.memref_slice %arg9[%run_scoped3A_24, %dma_start3A_351] : memref<5x128xi32, #tpu.memory_space<vmem>> -> memref<1x128xi32, #tpu.memory_space<vmem>>
      %dma_start3A_353 = tpu.memref_squeeze %dma_start3A_352 : memref<1x128xi32, #tpu.memory_space<vmem>> -> memref<128xi32, #tpu.memory_space<vmem>>
      %dma_start3A_354 = tpu.memref_slice %arg4[%add3A_23] : memref<20480xi32, #tpu.memory_space<hbm>> -> memref<128xi32, #tpu.memory_space<hbm>>
      %dma_start3A_355 = arith.constant 0 : i32
      %dma_start3A_356 = tpu.memref_slice %arg9[%run_scoped3A_24, %dma_start3A_355] : memref<5x128xi32, #tpu.memory_space<vmem>> -> memref<1x128xi32, #tpu.memory_space<vmem>>
      %dma_start3A_357 = tpu.memref_squeeze %dma_start3A_356 : memref<1x128xi32, #tpu.memory_space<vmem>> -> memref<128xi32, #tpu.memory_space<vmem>>
      %dma_start3A_358 = tpu.memref_slice %arg4[%add3A_23] : memref<20480xi32, #tpu.memory_space<hbm>> -> memref<128xi32, #tpu.memory_space<hbm>>
      tpu.enqueue_dma source(%dma_start3A_358 : memref<128xi32, #tpu.memory_space<hbm>>) target(%dma_start3A_357 : memref<128xi32, #tpu.memory_space<vmem>>) target_semaphore(%run_scoped3A_350 : memref<!tpu.dma_semaphore, #tpu.memory_space<semaphore_mem>>)
      %dma_wait3A_359 = arith.constant 0 : i32
      %dma_wait3A_360 = tpu.memref_slice %arg9[%run_scoped3A_24, %dma_wait3A_359] : memref<5x128xi32, #tpu.memory_space<vmem>> -> memref<1x128xi32, #tpu.memory_space<vmem>>
      %dma_wait3A_361 = tpu.memref_squeeze %dma_wait3A_360 : memref<1x128xi32, #tpu.memory_space<vmem>> -> memref<128xi32, #tpu.memory_space<vmem>>
      %dma_wait3A_362 = tpu.memref_slice %arg4[%add3A_23] : memref<20480xi32, #tpu.memory_space<hbm>> -> memref<128xi32, #tpu.memory_space<hbm>>
      %dma_wait3A_363 = arith.constant 0 : i32
      %dma_wait3A_364 = tpu.memref_slice %arg9[%run_scoped3A_24, %dma_wait3A_363] : memref<5x128xi32, #tpu.memory_space<vmem>> -> memref<1x128xi32, #tpu.memory_space<vmem>>
      %dma_wait3A_365 = tpu.memref_squeeze %dma_wait3A_364 : memref<1x128xi32, #tpu.memory_space<vmem>> -> memref<128xi32, #tpu.memory_space<vmem>>
      %dma_wait3A_366 = tpu.memref_slice %arg4[%add3A_23] : memref<20480xi32, #tpu.memory_space<hbm>> -> memref<128xi32, #tpu.memory_space<hbm>>
      tpu.wait_dma2 semaphore(%run_scoped3A_350 : memref<!tpu.dma_semaphore, #tpu.memory_space<semaphore_mem>>) src(%dma_wait3A_366 : memref<128xi32, #tpu.memory_space<hbm>>) dst(%dma_wait3A_365 : memref<128xi32, #tpu.memory_space<vmem>>)
      tpu.yield
    }) : () -> ()
    %mul3A_25 = arith.constant 640 : i32
    %mul3A_26 = arith.muli %add3A, %mul3A_25 : i32
    %add3A_27 = arith.constant 256 : i32
    %add3A_28 = arith.addi %mul3A_26, %add3A_27 : i32
    %run_scoped3A_29 = arith.constant 2 : i32
    "tpu.region"() ({
      %run_scoped3A_350 = tpu.sem_alloc : memref<!tpu.dma_semaphore, #tpu.memory_space<semaphore_mem>>
      %dma_start3A_351 = arith.constant 0 : i32
      %dma_start3A_352 = tpu.memref_slice %arg10[%run_scoped3A_29, %dma_start3A_351] : memref<5x128xi32, #tpu.memory_space<vmem>> -> memref<1x128xi32, #tpu.memory_space<vmem>>
      %dma_start3A_353 = tpu.memref_squeeze %dma_start3A_352 : memref<1x128xi32, #tpu.memory_space<vmem>> -> memref<128xi32, #tpu.memory_space<vmem>>
      %dma_start3A_354 = tpu.memref_slice %arg5[%add3A_28] : memref<20480xi32, #tpu.memory_space<hbm>> -> memref<128xi32, #tpu.memory_space<hbm>>
      %dma_start3A_355 = arith.constant 0 : i32
      %dma_start3A_356 = tpu.memref_slice %arg10[%run_scoped3A_29, %dma_start3A_355] : memref<5x128xi32, #tpu.memory_space<vmem>> -> memref<1x128xi32, #tpu.memory_space<vmem>>
      %dma_start3A_357 = tpu.memref_squeeze %dma_start3A_356 : memref<1x128xi32, #tpu.memory_space<vmem>> -> memref<128xi32, #tpu.memory_space<vmem>>
      %dma_start3A_358 = tpu.memref_slice %arg5[%add3A_28] : memref<20480xi32, #tpu.memory_space<hbm>> -> memref<128xi32, #tpu.memory_space<hbm>>
      tpu.enqueue_dma source(%dma_start3A_358 : memref<128xi32, #tpu.memory_space<hbm>>) target(%dma_start3A_357 : memref<128xi32, #tpu.memory_space<vmem>>) target_semaphore(%run_scoped3A_350 : memref<!tpu.dma_semaphore, #tpu.memory_space<semaphore_mem>>)
      %dma_wait3A_359 = arith.constant 0 : i32
      %dma_wait3A_360 = tpu.memref_slice %arg10[%run_scoped3A_29, %dma_wait3A_359] : memref<5x128xi32, #tpu.memory_space<vmem>> -> memref<1x128xi32, #tpu.memory_space<vmem>>
      %dma_wait3A_361 = tpu.memref_squeeze %dma_wait3A_360 : memref<1x128xi32, #tpu.memory_space<vmem>> -> memref<128xi32, #tpu.memory_space<vmem>>
      %dma_wait3A_362 = tpu.memref_slice %arg5[%add3A_28] : memref<20480xi32, #tpu.memory_space<hbm>> -> memref<128xi32, #tpu.memory_space<hbm>>
      %dma_wait3A_363 = arith.constant 0 : i32
      %dma_wait3A_364 = tpu.memref_slice %arg10[%run_scoped3A_29, %dma_wait3A_363] : memref<5x128xi32, #tpu.memory_space<vmem>> -> memref<1x128xi32, #tpu.memory_space<vmem>>
      %dma_wait3A_365 = tpu.memref_squeeze %dma_wait3A_364 : memref<1x128xi32, #tpu.memory_space<vmem>> -> memref<128xi32, #tpu.memory_space<vmem>>
      %dma_wait3A_366 = tpu.memref_slice %arg5[%add3A_28] : memref<20480xi32, #tpu.memory_space<hbm>> -> memref<128xi32, #tpu.memory_space<hbm>>
      tpu.wait_dma2 semaphore(%run_scoped3A_350 : memref<!tpu.dma_semaphore, #tpu.memory_space<semaphore_mem>>) src(%dma_wait3A_366 : memref<128xi32, #tpu.memory_space<hbm>>) dst(%dma_wait3A_365 : memref<128xi32, #tpu.memory_space<vmem>>)
      tpu.yield
    }) : () -> ()
    %mul3A_30 = arith.constant 640 : i32
    %mul3A_31 = arith.muli %add3A, %mul3A_30 : i32
    %add3A_32 = arith.constant 384 : i32
    %add3A_33 = arith.addi %mul3A_31, %add3A_32 : i32
    %run_scoped3A_34 = arith.constant 3 : i32
    "tpu.region"() ({
      %run_scoped3A_350 = tpu.sem_alloc : memref<!tpu.dma_semaphore, #tpu.memory_space<semaphore_mem>>
      %dma_start3A_351 = arith.constant 0 : i32
      %dma_start3A_352 = tpu.memref_slice %arg9[%run_scoped3A_34, %dma_start3A_351] : memref<5x128xi32, #tpu.memory_space<vmem>> -> memref<1x128xi32, #tpu.memory_space<vmem>>
      %dma_start3A_353 = tpu.memref_squeeze %dma_start3A_352 : memref<1x128xi32, #tpu.memory_space<vmem>> -> memref<128xi32, #tpu.memory_space<vmem>>
      %dma_start3A_354 = tpu.memref_slice %arg4[%add3A_33] : memref<20480xi32, #tpu.memory_space<hbm>> -> memref<128xi32, #tpu.memory_space<hbm>>
      %dma_start3A_355 = arith.constant 0 : i32
      %dma_start3A_356 = tpu.memref_slice %arg9[%run_scoped3A_34, %dma_start3A_355] : memref<5x128xi32, #tpu.memory_space<vmem>> -> memref<1x128xi32, #tpu.memory_space<vmem>>
      %dma_start3A_357 = tpu.memref_squeeze %dma_start3A_356 : memref<1x128xi32, #tpu.memory_space<vmem>> -> memref<128xi32, #tpu.memory_space<vmem>>
      %dma_start3A_358 = tpu.memref_slice %arg4[%add3A_33] : memref<20480xi32, #tpu.memory_space<hbm>> -> memref<128xi32, #tpu.memory_space<hbm>>
      tpu.enqueue_dma source(%dma_start3A_358 : memref<128xi32, #tpu.memory_space<hbm>>) target(%dma_start3A_357 : memref<128xi32, #tpu.memory_space<vmem>>) target_semaphore(%run_scoped3A_350 : memref<!tpu.dma_semaphore, #tpu.memory_space<semaphore_mem>>)
      %dma_wait3A_359 = arith.constant 0 : i32
      %dma_wait3A_360 = tpu.memref_slice %arg9[%run_scoped3A_34, %dma_wait3A_359] : memref<5x128xi32, #tpu.memory_space<vmem>> -> memref<1x128xi32, #tpu.memory_space<vmem>>
      %dma_wait3A_361 = tpu.memref_squeeze %dma_wait3A_360 : memref<1x128xi32, #tpu.memory_space<vmem>> -> memref<128xi32, #tpu.memory_space<vmem>>
      %dma_wait3A_362 = tpu.memref_slice %arg4[%add3A_33] : memref<20480xi32, #tpu.memory_space<hbm>> -> memref<128xi32, #tpu.memory_space<hbm>>
      %dma_wait3A_363 = arith.constant 0 : i32
      %dma_wait3A_364 = tpu.memref_slice %arg9[%run_scoped3A_34, %dma_wait3A_363] : memref<5x128xi32, #tpu.memory_space<vmem>> -> memref<1x128xi32, #tpu.memory_space<vmem>>
      %dma_wait3A_365 = tpu.memref_squeeze %dma_wait3A_364 : memref<1x128xi32, #tpu.memory_space<vmem>> -> memref<128xi32, #tpu.memory_space<vmem>>
      %dma_wait3A_366 = tpu.memref_slice %arg4[%add3A_33] : memref<20480xi32, #tpu.memory_space<hbm>> -> memref<128xi32, #tpu.memory_space<hbm>>
      tpu.wait_dma2 semaphore(%run_scoped3A_350 : memref<!tpu.dma_semaphore, #tpu.memory_space<semaphore_mem>>) src(%dma_wait3A_366 : memref<128xi32, #tpu.memory_space<hbm>>) dst(%dma_wait3A_365 : memref<128xi32, #tpu.memory_space<vmem>>)
      tpu.yield
    }) : () -> ()
    %mul3A_35 = arith.constant 640 : i32
    %mul3A_36 = arith.muli %add3A, %mul3A_35 : i32
    %add3A_37 = arith.constant 384 : i32
    %add3A_38 = arith.addi %mul3A_36, %add3A_37 : i32
    %run_scoped3A_39 = arith.constant 3 : i32
    "tpu.region"() ({
      %run_scoped3A_350 = tpu.sem_alloc : memref<!tpu.dma_semaphore, #tpu.memory_space<semaphore_mem>>
      %dma_start3A_351 = arith.constant 0 : i32
      %dma_start3A_352 = tpu.memref_slice %arg10[%run_scoped3A_39, %dma_start3A_351] : memref<5x128xi32, #tpu.memory_space<vmem>> -> memref<1x128xi32, #tpu.memory_space<vmem>>
      %dma_start3A_353 = tpu.memref_squeeze %dma_start3A_352 : memref<1x128xi32, #tpu.memory_space<vmem>> -> memref<128xi32, #tpu.memory_space<vmem>>
      %dma_start3A_354 = tpu.memref_slice %arg5[%add3A_38] : memref<20480xi32, #tpu.memory_space<hbm>> -> memref<128xi32, #tpu.memory_space<hbm>>
      %dma_start3A_355 = arith.constant 0 : i32
      %dma_start3A_356 = tpu.memref_slice %arg10[%run_scoped3A_39, %dma_start3A_355] : memref<5x128xi32, #tpu.memory_space<vmem>> -> memref<1x128xi32, #tpu.memory_space<vmem>>
      %dma_start3A_357 = tpu.memref_squeeze %dma_start3A_356 : memref<1x128xi32, #tpu.memory_space<vmem>> -> memref<128xi32, #tpu.memory_space<vmem>>
      %dma_start3A_358 = tpu.memref_slice %arg5[%add3A_38] : memref<20480xi32, #tpu.memory_space<hbm>> -> memref<128xi32, #tpu.memory_space<hbm>>
      tpu.enqueue_dma source(%dma_start3A_358 : memref<128xi32, #tpu.memory_space<hbm>>) target(%dma_start3A_357 : memref<128xi32, #tpu.memory_space<vmem>>) target_semaphore(%run_scoped3A_350 : memref<!tpu.dma_semaphore, #tpu.memory_space<semaphore_mem>>)
      %dma_wait3A_359 = arith.constant 0 : i32
      %dma_wait3A_360 = tpu.memref_slice %arg10[%run_scoped3A_39, %dma_wait3A_359] : memref<5x128xi32, #tpu.memory_space<vmem>> -> memref<1x128xi32, #tpu.memory_space<vmem>>
      %dma_wait3A_361 = tpu.memref_squeeze %dma_wait3A_360 : memref<1x128xi32, #tpu.memory_space<vmem>> -> memref<128xi32, #tpu.memory_space<vmem>>
      %dma_wait3A_362 = tpu.memref_slice %arg5[%add3A_38] : memref<20480xi32, #tpu.memory_space<hbm>> -> memref<128xi32, #tpu.memory_space<hbm>>
      %dma_wait3A_363 = arith.constant 0 : i32
      %dma_wait3A_364 = tpu.memref_slice %arg10[%run_scoped3A_39, %dma_wait3A_363] : memref<5x128xi32, #tpu.memory_space<vmem>> -> memref<1x128xi32, #tpu.memory_space<vmem>>
      %dma_wait3A_365 = tpu.memref_squeeze %dma_wait3A_364 : memref<1x128xi32, #tpu.memory_space<vmem>> -> memref<128xi32, #tpu.memory_space<vmem>>
      %dma_wait3A_366 = tpu.memref_slice %arg5[%add3A_38] : memref<20480xi32, #tpu.memory_space<hbm>> -> memref<128xi32, #tpu.memory_space<hbm>>
      tpu.wait_dma2 semaphore(%run_scoped3A_350 : memref<!tpu.dma_semaphore, #tpu.memory_space<semaphore_mem>>) src(%dma_wait3A_366 : memref<128xi32, #tpu.memory_space<hbm>>) dst(%dma_wait3A_365 : memref<128xi32, #tpu.memory_space<vmem>>)
      tpu.yield
    }) : () -> ()
    %mul3A_40 = arith.constant 640 : i32
    %mul3A_41 = arith.muli %add3A, %mul3A_40 : i32
    %add3A_42 = arith.constant 512 : i32
    %add3A_43 = arith.addi %mul3A_41, %add3A_42 : i32
    %run_scoped3A_44 = arith.constant 4 : i32
    "tpu.region"() ({
      %run_scoped3A_350 = tpu.sem_alloc : memref<!tpu.dma_semaphore, #tpu.memory_space<semaphore_mem>>
      %dma_start3A_351 = arith.constant 0 : i32
      %dma_start3A_352 = tpu.memref_slice %arg9[%run_scoped3A_44, %dma_start3A_351] : memref<5x128xi32, #tpu.memory_space<vmem>> -> memref<1x128xi32, #tpu.memory_space<vmem>>
      %dma_start3A_353 = tpu.memref_squeeze %dma_start3A_352 : memref<1x128xi32, #tpu.memory_space<vmem>> -> memref<128xi32, #tpu.memory_space<vmem>>
      %dma_start3A_354 = tpu.memref_slice %arg4[%add3A_43] : memref<20480xi32, #tpu.memory_space<hbm>> -> memref<128xi32, #tpu.memory_space<hbm>>
      %dma_start3A_355 = arith.constant 0 : i32
      %dma_start3A_356 = tpu.memref_slice %arg9[%run_scoped3A_44, %dma_start3A_355] : memref<5x128xi32, #tpu.memory_space<vmem>> -> memref<1x128xi32, #tpu.memory_space<vmem>>
      %dma_start3A_357 = tpu.memref_squeeze %dma_start3A_356 : memref<1x128xi32, #tpu.memory_space<vmem>> -> memref<128xi32, #tpu.memory_space<vmem>>
      %dma_start3A_358 = tpu.memref_slice %arg4[%add3A_43] : memref<20480xi32, #tpu.memory_space<hbm>> -> memref<128xi32, #tpu.memory_space<hbm>>
      tpu.enqueue_dma source(%dma_start3A_358 : memref<128xi32, #tpu.memory_space<hbm>>) target(%dma_start3A_357 : memref<128xi32, #tpu.memory_space<vmem>>) target_semaphore(%run_scoped3A_350 : memref<!tpu.dma_semaphore, #tpu.memory_space<semaphore_mem>>)
      %dma_wait3A_359 = arith.constant 0 : i32
      %dma_wait3A_360 = tpu.memref_slice %arg9[%run_scoped3A_44, %dma_wait3A_359] : memref<5x128xi32, #tpu.memory_space<vmem>> -> memref<1x128xi32, #tpu.memory_space<vmem>>
      %dma_wait3A_361 = tpu.memref_squeeze %dma_wait3A_360 : memref<1x128xi32, #tpu.memory_space<vmem>> -> memref<128xi32, #tpu.memory_space<vmem>>
      %dma_wait3A_362 = tpu.memref_slice %arg4[%add3A_43] : memref<20480xi32, #tpu.memory_space<hbm>> -> memref<128xi32, #tpu.memory_space<hbm>>
      %dma_wait3A_363 = arith.constant 0 : i32
      %dma_wait3A_364 = tpu.memref_slice %arg9[%run_scoped3A_44, %dma_wait3A_363] : memref<5x128xi32, #tpu.memory_space<vmem>> -> memref<1x128xi32, #tpu.memory_space<vmem>>
      %dma_wait3A_365 = tpu.memref_squeeze %dma_wait3A_364 : memref<1x128xi32, #tpu.memory_space<vmem>> -> memref<128xi32, #tpu.memory_space<vmem>>
      %dma_wait3A_366 = tpu.memref_slice %arg4[%add3A_43] : memref<20480xi32, #tpu.memory_space<hbm>> -> memref<128xi32, #tpu.memory_space<hbm>>
      tpu.wait_dma2 semaphore(%run_scoped3A_350 : memref<!tpu.dma_semaphore, #tpu.memory_space<semaphore_mem>>) src(%dma_wait3A_366 : memref<128xi32, #tpu.memory_space<hbm>>) dst(%dma_wait3A_365 : memref<128xi32, #tpu.memory_space<vmem>>)
      tpu.yield
    }) : () -> ()
    %mul3A_45 = arith.constant 640 : i32
    %mul3A_46 = arith.muli %add3A, %mul3A_45 : i32
    %add3A_47 = arith.constant 512 : i32
    %add3A_48 = arith.addi %mul3A_46, %add3A_47 : i32
    %run_scoped3A_49 = arith.constant 4 : i32
    "tpu.region"() ({
      %run_scoped3A_350 = tpu.sem_alloc : memref<!tpu.dma_semaphore, #tpu.memory_space<semaphore_mem>>
      %dma_start3A_351 = arith.constant 0 : i32
      %dma_start3A_352 = tpu.memref_slice %arg10[%run_scoped3A_49, %dma_start3A_351] : memref<5x128xi32, #tpu.memory_space<vmem>> -> memref<1x128xi32, #tpu.memory_space<vmem>>
      %dma_start3A_353 = tpu.memref_squeeze %dma_start3A_352 : memref<1x128xi32, #tpu.memory_space<vmem>> -> memref<128xi32, #tpu.memory_space<vmem>>
      %dma_start3A_354 = tpu.memref_slice %arg5[%add3A_48] : memref<20480xi32, #tpu.memory_space<hbm>> -> memref<128xi32, #tpu.memory_space<hbm>>
      %dma_start3A_355 = arith.constant 0 : i32
      %dma_start3A_356 = tpu.memref_slice %arg10[%run_scoped3A_49, %dma_start3A_355] : memref<5x128xi32, #tpu.memory_space<vmem>> -> memref<1x128xi32, #tpu.memory_space<vmem>>
      %dma_start3A_357 = tpu.memref_squeeze %dma_start3A_356 : memref<1x128xi32, #tpu.memory_space<vmem>> -> memref<128xi32, #tpu.memory_space<vmem>>
      %dma_start3A_358 = tpu.memref_slice %arg5[%add3A_48] : memref<20480xi32, #tpu.memory_space<hbm>> -> memref<128xi32, #tpu.memory_space<hbm>>
      tpu.enqueue_dma source(%dma_start3A_358 : memref<128xi32, #tpu.memory_space<hbm>>) target(%dma_start3A_357 : memref<128xi32, #tpu.memory_space<vmem>>) target_semaphore(%run_scoped3A_350 : memref<!tpu.dma_semaphore, #tpu.memory_space<semaphore_mem>>)
      %dma_wait3A_359 = arith.constant 0 : i32
      %dma_wait3A_360 = tpu.memref_slice %arg10[%run_scoped3A_49, %dma_wait3A_359] : memref<5x128xi32, #tpu.memory_space<vmem>> -> memref<1x128xi32, #tpu.memory_space<vmem>>
      %dma_wait3A_361 = tpu.memref_squeeze %dma_wait3A_360 : memref<1x128xi32, #tpu.memory_space<vmem>> -> memref<128xi32, #tpu.memory_space<vmem>>
      %dma_wait3A_362 = tpu.memref_slice %arg5[%add3A_48] : memref<20480xi32, #tpu.memory_space<hbm>> -> memref<128xi32, #tpu.memory_space<hbm>>
      %dma_wait3A_363 = arith.constant 0 : i32
      %dma_wait3A_364 = tpu.memref_slice %arg10[%run_scoped3A_49, %dma_wait3A_363] : memref<5x128xi32, #tpu.memory_space<vmem>> -> memref<1x128xi32, #tpu.memory_space<vmem>>
      %dma_wait3A_365 = tpu.memref_squeeze %dma_wait3A_364 : memref<1x128xi32, #tpu.memory_space<vmem>> -> memref<128xi32, #tpu.memory_space<vmem>>
      %dma_wait3A_366 = tpu.memref_slice %arg5[%add3A_48] : memref<20480xi32, #tpu.memory_space<hbm>> -> memref<128xi32, #tpu.memory_space<hbm>>
      tpu.wait_dma2 semaphore(%run_scoped3A_350 : memref<!tpu.dma_semaphore, #tpu.memory_space<semaphore_mem>>) src(%dma_wait3A_366 : memref<128xi32, #tpu.memory_space<hbm>>) dst(%dma_wait3A_365 : memref<128xi32, #tpu.memory_space<vmem>>)
      tpu.yield
    }) : () -> ()
    %dma_start3A = arith.constant 0 : i32
    %dma_start3A_50 = arith.constant 0 : i32
    %dma_start3A_51 = arith.constant 0 : i32
    %dma_start3A_52 = tpu.memref_slice %arg11[%dma_start3A_50, %dma_start3A_51] : memref<640x32xf32, #tpu.memory_space<vmem>> -> memref<128x32xf32, #tpu.memory_space<vmem>>
    %dma_start3A_53 = arith.constant 0 : i32
    %dma_start3A_54 = tpu.memref_slice %arg9[%dma_start3A, %dma_start3A_53] : memref<5x128xi32, #tpu.memory_space<vmem>> -> memref<1x128xi32, #tpu.memory_space<vmem>>
    %dma_start3A_55 = tpu.memref_squeeze %dma_start3A_54 : memref<1x128xi32, #tpu.memory_space<vmem>> -> memref<128xi32, #tpu.memory_space<vmem>>
    %dma_start3A_56 = arith.constant 0 : i32
    %dma_start3A_57 = arith.constant 0 : i32
    %dma_start3A_58 = tpu.memref_slice %arg2[%dma_start3A_56, %dma_start3A_57] : memref<10000x32xf32, #tpu.memory_space<hbm>> -> memref<10000x32xf32, #tpu.memory_space<hbm>>
    tpu.enqueue_indirect_dma source(%dma_start3A_58 : memref<10000x32xf32, #tpu.memory_space<hbm>>) target(%dma_start3A_52 : memref<128x32xf32, #tpu.memory_space<vmem>>) offsets(%dma_start3A_55 : memref<128xi32, #tpu.memory_space<vmem>>) semaphore(%arg14 : memref<!tpu.dma_semaphore, #tpu.memory_space<semaphore_mem>>)
    %dma_start3A_59 = arith.constant 0 : i32
    %dma_start3A_60 = arith.constant 0 : i32
    %dma_start3A_61 = arith.constant 0 : i32
    %dma_start3A_62 = tpu.memref_slice %arg12[%dma_start3A_60, %dma_start3A_61] : memref<640x32xf32, #tpu.memory_space<vmem>> -> memref<128x32xf32, #tpu.memory_space<vmem>>
    %dma_start3A_63 = arith.constant 0 : i32
    %dma_start3A_64 = tpu.memref_slice %arg10[%dma_start3A_59, %dma_start3A_63] : memref<5x128xi32, #tpu.memory_space<vmem>> -> memref<1x128xi32, #tpu.memory_space<vmem>>
    %dma_start3A_65 = tpu.memref_squeeze %dma_start3A_64 : memref<1x128xi32, #tpu.memory_space<vmem>> -> memref<128xi32, #tpu.memory_space<vmem>>
    %dma_start3A_66 = arith.constant 0 : i32
    %dma_start3A_67 = arith.constant 0 : i32
    %dma_start3A_68 = tpu.memref_slice %arg2[%dma_start3A_66, %dma_start3A_67] : memref<10000x32xf32, #tpu.memory_space<hbm>> -> memref<10000x32xf32, #tpu.memory_space<hbm>>
    tpu.enqueue_indirect_dma source(%dma_start3A_68 : memref<10000x32xf32, #tpu.memory_space<hbm>>) target(%dma_start3A_62 : memref<128x32xf32, #tpu.memory_space<vmem>>) offsets(%dma_start3A_65 : memref<128xi32, #tpu.memory_space<vmem>>) semaphore(%arg14 : memref<!tpu.dma_semaphore, #tpu.memory_space<semaphore_mem>>)
    %dma_start3A_69 = arith.constant 0 : i32
    %dma_start3A_70 = arith.constant 0 : i32
    %dma_start3A_71 = arith.constant 0 : i32
    %dma_start3A_72 = tpu.memref_slice %arg13[%dma_start3A_70, %dma_start3A_71] : memref<640x32xf32, #tpu.memory_space<vmem>> -> memref<128x32xf32, #tpu.memory_space<vmem>>
    %dma_start3A_73 = arith.constant 0 : i32
    %dma_start3A_74 = tpu.memref_slice %arg10[%dma_start3A_69, %dma_start3A_73] : memref<5x128xi32, #tpu.memory_space<vmem>> -> memref<1x128xi32, #tpu.memory_space<vmem>>
    %dma_start3A_75 = tpu.memref_squeeze %dma_start3A_74 : memref<1x128xi32, #tpu.memory_space<vmem>> -> memref<128xi32, #tpu.memory_space<vmem>>
    %dma_start3A_76 = arith.constant 0 : i32
    %dma_start3A_77 = arith.constant 0 : i32
    %dma_start3A_78 = tpu.memref_slice %arg3[%dma_start3A_76, %dma_start3A_77] : memref<10000x32xf32, #tpu.memory_space<hbm>> -> memref<10000x32xf32, #tpu.memory_space<hbm>>
    tpu.enqueue_indirect_dma source(%dma_start3A_78 : memref<10000x32xf32, #tpu.memory_space<hbm>>) target(%dma_start3A_72 : memref<128x32xf32, #tpu.memory_space<vmem>>) offsets(%dma_start3A_75 : memref<128xi32, #tpu.memory_space<vmem>>) semaphore(%arg14 : memref<!tpu.dma_semaphore, #tpu.memory_space<semaphore_mem>>)
    %dma_start3A_79 = arith.constant 1 : i32
    %dma_start3A_80 = arith.constant 128 : i32
    %dma_start3A_81 = arith.constant 0 : i32
    %dma_start3A_82 = tpu.memref_slice %arg11[%dma_start3A_80, %dma_start3A_81] : memref<640x32xf32, #tpu.memory_space<vmem>> -> memref<128x32xf32, #tpu.memory_space<vmem>>
    %dma_start3A_83 = arith.constant 0 : i32
    %dma_start3A_84 = tpu.memref_slice %arg9[%dma_start3A_79, %dma_start3A_83] : memref<5x128xi32, #tpu.memory_space<vmem>> -> memref<1x128xi32, #tpu.memory_space<vmem>>
    %dma_start3A_85 = tpu.memref_squeeze %dma_start3A_84 : memref<1x128xi32, #tpu.memory_space<vmem>> -> memref<128xi32, #tpu.memory_space<vmem>>
    %dma_start3A_86 = arith.constant 0 : i32
    %dma_start3A_87 = arith.constant 0 : i32
    %dma_start3A_88 = tpu.memref_slice %arg2[%dma_start3A_86, %dma_start3A_87] : memref<10000x32xf32, #tpu.memory_space<hbm>> -> memref<10000x32xf32, #tpu.memory_space<hbm>>
    tpu.enqueue_indirect_dma source(%dma_start3A_88 : memref<10000x32xf32, #tpu.memory_space<hbm>>) target(%dma_start3A_82 : memref<128x32xf32, #tpu.memory_space<vmem>>) offsets(%dma_start3A_85 : memref<128xi32, #tpu.memory_space<vmem>>) semaphore(%arg14 : memref<!tpu.dma_semaphore, #tpu.memory_space<semaphore_mem>>)
    %dma_start3A_89 = arith.constant 1 : i32
    %dma_start3A_90 = arith.constant 128 : i32
    %dma_start3A_91 = arith.constant 0 : i32
    %dma_start3A_92 = tpu.memref_slice %arg12[%dma_start3A_90, %dma_start3A_91] : memref<640x32xf32, #tpu.memory_space<vmem>> -> memref<128x32xf32, #tpu.memory_space<vmem>>
    %dma_start3A_93 = arith.constant 0 : i32
    %dma_start3A_94 = tpu.memref_slice %arg10[%dma_start3A_89, %dma_start3A_93] : memref<5x128xi32, #tpu.memory_space<vmem>> -> memref<1x128xi32, #tpu.memory_space<vmem>>
    %dma_start3A_95 = tpu.memref_squeeze %dma_start3A_94 : memref<1x128xi32, #tpu.memory_space<vmem>> -> memref<128xi32, #tpu.memory_space<vmem>>
    %dma_start3A_96 = arith.constant 0 : i32
    %dma_start3A_97 = arith.constant 0 : i32
    %dma_start3A_98 = tpu.memref_slice %arg2[%dma_start3A_96, %dma_start3A_97] : memref<10000x32xf32, #tpu.memory_space<hbm>> -> memref<10000x32xf32, #tpu.memory_space<hbm>>
    tpu.enqueue_indirect_dma source(%dma_start3A_98 : memref<10000x32xf32, #tpu.memory_space<hbm>>) target(%dma_start3A_92 : memref<128x32xf32, #tpu.memory_space<vmem>>) offsets(%dma_start3A_95 : memref<128xi32, #tpu.memory_space<vmem>>) semaphore(%arg14 : memref<!tpu.dma_semaphore, #tpu.memory_space<semaphore_mem>>)
    %dma_start3A_99 = arith.constant 1 : i32
    %dma_start3A_100 = arith.constant 128 : i32
    %dma_start3A_101 = arith.constant 0 : i32
    %dma_start3A_102 = tpu.memref_slice %arg13[%dma_start3A_100, %dma_start3A_101] : memref<640x32xf32, #tpu.memory_space<vmem>> -> memref<128x32xf32, #tpu.memory_space<vmem>>
    %dma_start3A_103 = arith.constant 0 : i32
    %dma_start3A_104 = tpu.memref_slice %arg10[%dma_start3A_99, %dma_start3A_103] : memref<5x128xi32, #tpu.memory_space<vmem>> -> memref<1x128xi32, #tpu.memory_space<vmem>>
    %dma_start3A_105 = tpu.memref_squeeze %dma_start3A_104 : memref<1x128xi32, #tpu.memory_space<vmem>> -> memref<128xi32, #tpu.memory_space<vmem>>
    %dma_start3A_106 = arith.constant 0 : i32
    %dma_start3A_107 = arith.constant 0 : i32
    %dma_start3A_108 = tpu.memref_slice %arg3[%dma_start3A_106, %dma_start3A_107] : memref<10000x32xf32, #tpu.memory_space<hbm>> -> memref<10000x32xf32, #tpu.memory_space<hbm>>
    tpu.enqueue_indirect_dma source(%dma_start3A_108 : memref<10000x32xf32, #tpu.memory_space<hbm>>) target(%dma_start3A_102 : memref<128x32xf32, #tpu.memory_space<vmem>>) offsets(%dma_start3A_105 : memref<128xi32, #tpu.memory_space<vmem>>) semaphore(%arg14 : memref<!tpu.dma_semaphore, #tpu.memory_space<semaphore_mem>>)
    %dma_start3A_109 = arith.constant 2 : i32
    %dma_start3A_110 = arith.constant 256 : i32
    %dma_start3A_111 = arith.constant 0 : i32
    %dma_start3A_112 = tpu.memref_slice %arg11[%dma_start3A_110, %dma_start3A_111] : memref<640x32xf32, #tpu.memory_space<vmem>> -> memref<128x32xf32, #tpu.memory_space<vmem>>
    %dma_start3A_113 = arith.constant 0 : i32
    %dma_start3A_114 = tpu.memref_slice %arg9[%dma_start3A_109, %dma_start3A_113] : memref<5x128xi32, #tpu.memory_space<vmem>> -> memref<1x128xi32, #tpu.memory_space<vmem>>
    %dma_start3A_115 = tpu.memref_squeeze %dma_start3A_114 : memref<1x128xi32, #tpu.memory_space<vmem>> -> memref<128xi32, #tpu.memory_space<vmem>>
    %dma_start3A_116 = arith.constant 0 : i32
    %dma_start3A_117 = arith.constant 0 : i32
    %dma_start3A_118 = tpu.memref_slice %arg2[%dma_start3A_116, %dma_start3A_117] : memref<10000x32xf32, #tpu.memory_space<hbm>> -> memref<10000x32xf32, #tpu.memory_space<hbm>>
    tpu.enqueue_indirect_dma source(%dma_start3A_118 : memref<10000x32xf32, #tpu.memory_space<hbm>>) target(%dma_start3A_112 : memref<128x32xf32, #tpu.memory_space<vmem>>) offsets(%dma_start3A_115 : memref<128xi32, #tpu.memory_space<vmem>>) semaphore(%arg14 : memref<!tpu.dma_semaphore, #tpu.memory_space<semaphore_mem>>)
    %dma_start3A_119 = arith.constant 2 : i32
    %dma_start3A_120 = arith.constant 256 : i32
    %dma_start3A_121 = arith.constant 0 : i32
    %dma_start3A_122 = tpu.memref_slice %arg12[%dma_start3A_120, %dma_start3A_121] : memref<640x32xf32, #tpu.memory_space<vmem>> -> memref<128x32xf32, #tpu.memory_space<vmem>>
    %dma_start3A_123 = arith.constant 0 : i32
    %dma_start3A_124 = tpu.memref_slice %arg10[%dma_start3A_119, %dma_start3A_123] : memref<5x128xi32, #tpu.memory_space<vmem>> -> memref<1x128xi32, #tpu.memory_space<vmem>>
    %dma_start3A_125 = tpu.memref_squeeze %dma_start3A_124 : memref<1x128xi32, #tpu.memory_space<vmem>> -> memref<128xi32, #tpu.memory_space<vmem>>
    %dma_start3A_126 = arith.constant 0 : i32
    %dma_start3A_127 = arith.constant 0 : i32
    %dma_start3A_128 = tpu.memref_slice %arg2[%dma_start3A_126, %dma_start3A_127] : memref<10000x32xf32, #tpu.memory_space<hbm>> -> memref<10000x32xf32, #tpu.memory_space<hbm>>
    tpu.enqueue_indirect_dma source(%dma_start3A_128 : memref<10000x32xf32, #tpu.memory_space<hbm>>) target(%dma_start3A_122 : memref<128x32xf32, #tpu.memory_space<vmem>>) offsets(%dma_start3A_125 : memref<128xi32, #tpu.memory_space<vmem>>) semaphore(%arg14 : memref<!tpu.dma_semaphore, #tpu.memory_space<semaphore_mem>>)
    %dma_start3A_129 = arith.constant 2 : i32
    %dma_start3A_130 = arith.constant 256 : i32
    %dma_start3A_131 = arith.constant 0 : i32
    %dma_start3A_132 = tpu.memref_slice %arg13[%dma_start3A_130, %dma_start3A_131] : memref<640x32xf32, #tpu.memory_space<vmem>> -> memref<128x32xf32, #tpu.memory_space<vmem>>
    %dma_start3A_133 = arith.constant 0 : i32
    %dma_start3A_134 = tpu.memref_slice %arg10[%dma_start3A_129, %dma_start3A_133] : memref<5x128xi32, #tpu.memory_space<vmem>> -> memref<1x128xi32, #tpu.memory_space<vmem>>
    %dma_start3A_135 = tpu.memref_squeeze %dma_start3A_134 : memref<1x128xi32, #tpu.memory_space<vmem>> -> memref<128xi32, #tpu.memory_space<vmem>>
    %dma_start3A_136 = arith.constant 0 : i32
    %dma_start3A_137 = arith.constant 0 : i32
    %dma_start3A_138 = tpu.memref_slice %arg3[%dma_start3A_136, %dma_start3A_137] : memref<10000x32xf32, #tpu.memory_space<hbm>> -> memref<10000x32xf32, #tpu.memory_space<hbm>>
    tpu.enqueue_indirect_dma source(%dma_start3A_138 : memref<10000x32xf32, #tpu.memory_space<hbm>>) target(%dma_start3A_132 : memref<128x32xf32, #tpu.memory_space<vmem>>) offsets(%dma_start3A_135 : memref<128xi32, #tpu.memory_space<vmem>>) semaphore(%arg14 : memref<!tpu.dma_semaphore, #tpu.memory_space<semaphore_mem>>)
    %dma_start3A_139 = arith.constant 3 : i32
    %dma_start3A_140 = arith.constant 384 : i32
    %dma_start3A_141 = arith.constant 0 : i32
    %dma_start3A_142 = tpu.memref_slice %arg11[%dma_start3A_140, %dma_start3A_141] : memref<640x32xf32, #tpu.memory_space<vmem>> -> memref<128x32xf32, #tpu.memory_space<vmem>>
    %dma_start3A_143 = arith.constant 0 : i32
    %dma_start3A_144 = tpu.memref_slice %arg9[%dma_start3A_139, %dma_start3A_143] : memref<5x128xi32, #tpu.memory_space<vmem>> -> memref<1x128xi32, #tpu.memory_space<vmem>>
    %dma_start3A_145 = tpu.memref_squeeze %dma_start3A_144 : memref<1x128xi32, #tpu.memory_space<vmem>> -> memref<128xi32, #tpu.memory_space<vmem>>
    %dma_start3A_146 = arith.constant 0 : i32
    %dma_start3A_147 = arith.constant 0 : i32
    %dma_start3A_148 = tpu.memref_slice %arg2[%dma_start3A_146, %dma_start3A_147] : memref<10000x32xf32, #tpu.memory_space<hbm>> -> memref<10000x32xf32, #tpu.memory_space<hbm>>
    tpu.enqueue_indirect_dma source(%dma_start3A_148 : memref<10000x32xf32, #tpu.memory_space<hbm>>) target(%dma_start3A_142 : memref<128x32xf32, #tpu.memory_space<vmem>>) offsets(%dma_start3A_145 : memref<128xi32, #tpu.memory_space<vmem>>) semaphore(%arg14 : memref<!tpu.dma_semaphore, #tpu.memory_space<semaphore_mem>>)
    %dma_start3A_149 = arith.constant 3 : i32
    %dma_start3A_150 = arith.constant 384 : i32
    %dma_start3A_151 = arith.constant 0 : i32
    %dma_start3A_152 = tpu.memref_slice %arg12[%dma_start3A_150, %dma_start3A_151] : memref<640x32xf32, #tpu.memory_space<vmem>> -> memref<128x32xf32, #tpu.memory_space<vmem>>
    %dma_start3A_153 = arith.constant 0 : i32
    %dma_start3A_154 = tpu.memref_slice %arg10[%dma_start3A_149, %dma_start3A_153] : memref<5x128xi32, #tpu.memory_space<vmem>> -> memref<1x128xi32, #tpu.memory_space<vmem>>
    %dma_start3A_155 = tpu.memref_squeeze %dma_start3A_154 : memref<1x128xi32, #tpu.memory_space<vmem>> -> memref<128xi32, #tpu.memory_space<vmem>>
    %dma_start3A_156 = arith.constant 0 : i32
    %dma_start3A_157 = arith.constant 0 : i32
    %dma_start3A_158 = tpu.memref_slice %arg2[%dma_start3A_156, %dma_start3A_157] : memref<10000x32xf32, #tpu.memory_space<hbm>> -> memref<10000x32xf32, #tpu.memory_space<hbm>>
    tpu.enqueue_indirect_dma source(%dma_start3A_158 : memref<10000x32xf32, #tpu.memory_space<hbm>>) target(%dma_start3A_152 : memref<128x32xf32, #tpu.memory_space<vmem>>) offsets(%dma_start3A_155 : memref<128xi32, #tpu.memory_space<vmem>>) semaphore(%arg14 : memref<!tpu.dma_semaphore, #tpu.memory_space<semaphore_mem>>)
    %dma_start3A_159 = arith.constant 3 : i32
    %dma_start3A_160 = arith.constant 384 : i32
    %dma_start3A_161 = arith.constant 0 : i32
    %dma_start3A_162 = tpu.memref_slice %arg13[%dma_start3A_160, %dma_start3A_161] : memref<640x32xf32, #tpu.memory_space<vmem>> -> memref<128x32xf32, #tpu.memory_space<vmem>>
    %dma_start3A_163 = arith.constant 0 : i32
    %dma_start3A_164 = tpu.memref_slice %arg10[%dma_start3A_159, %dma_start3A_163] : memref<5x128xi32, #tpu.memory_space<vmem>> -> memref<1x128xi32, #tpu.memory_space<vmem>>
    %dma_start3A_165 = tpu.memref_squeeze %dma_start3A_164 : memref<1x128xi32, #tpu.memory_space<vmem>> -> memref<128xi32, #tpu.memory_space<vmem>>
    %dma_start3A_166 = arith.constant 0 : i32
    %dma_start3A_167 = arith.constant 0 : i32
    %dma_start3A_168 = tpu.memref_slice %arg3[%dma_start3A_166, %dma_start3A_167] : memref<10000x32xf32, #tpu.memory_space<hbm>> -> memref<10000x32xf32, #tpu.memory_space<hbm>>
    tpu.enqueue_indirect_dma source(%dma_start3A_168 : memref<10000x32xf32, #tpu.memory_space<hbm>>) target(%dma_start3A_162 : memref<128x32xf32, #tpu.memory_space<vmem>>) offsets(%dma_start3A_165 : memref<128xi32, #tpu.memory_space<vmem>>) semaphore(%arg14 : memref<!tpu.dma_semaphore, #tpu.memory_space<semaphore_mem>>)
    %dma_start3A_169 = arith.constant 4 : i32
    %dma_start3A_170 = arith.constant 512 : i32
    %dma_start3A_171 = arith.constant 0 : i32
    %dma_start3A_172 = tpu.memref_slice %arg11[%dma_start3A_170, %dma_start3A_171] : memref<640x32xf32, #tpu.memory_space<vmem>> -> memref<128x32xf32, #tpu.memory_space<vmem>>
    %dma_start3A_173 = arith.constant 0 : i32
    %dma_start3A_174 = tpu.memref_slice %arg9[%dma_start3A_169, %dma_start3A_173] : memref<5x128xi32, #tpu.memory_space<vmem>> -> memref<1x128xi32, #tpu.memory_space<vmem>>
    %dma_start3A_175 = tpu.memref_squeeze %dma_start3A_174 : memref<1x128xi32, #tpu.memory_space<vmem>> -> memref<128xi32, #tpu.memory_space<vmem>>
    %dma_start3A_176 = arith.constant 0 : i32
    %dma_start3A_177 = arith.constant 0 : i32
    %dma_start3A_178 = tpu.memref_slice %arg2[%dma_start3A_176, %dma_start3A_177] : memref<10000x32xf32, #tpu.memory_space<hbm>> -> memref<10000x32xf32, #tpu.memory_space<hbm>>
    tpu.enqueue_indirect_dma source(%dma_start3A_178 : memref<10000x32xf32, #tpu.memory_space<hbm>>) target(%dma_start3A_172 : memref<128x32xf32, #tpu.memory_space<vmem>>) offsets(%dma_start3A_175 : memref<128xi32, #tpu.memory_space<vmem>>) semaphore(%arg14 : memref<!tpu.dma_semaphore, #tpu.memory_space<semaphore_mem>>)
    %dma_start3A_179 = arith.constant 4 : i32
    %dma_start3A_180 = arith.constant 512 : i32
    %dma_start3A_181 = arith.constant 0 : i32
    %dma_start3A_182 = tpu.memref_slice %arg12[%dma_start3A_180, %dma_start3A_181] : memref<640x32xf32, #tpu.memory_space<vmem>> -> memref<128x32xf32, #tpu.memory_space<vmem>>
    %dma_start3A_183 = arith.constant 0 : i32
    %dma_start3A_184 = tpu.memref_slice %arg10[%dma_start3A_179, %dma_start3A_183] : memref<5x128xi32, #tpu.memory_space<vmem>> -> memref<1x128xi32, #tpu.memory_space<vmem>>
    %dma_start3A_185 = tpu.memref_squeeze %dma_start3A_184 : memref<1x128xi32, #tpu.memory_space<vmem>> -> memref<128xi32, #tpu.memory_space<vmem>>
    %dma_start3A_186 = arith.constant 0 : i32
    %dma_start3A_187 = arith.constant 0 : i32
    %dma_start3A_188 = tpu.memref_slice %arg2[%dma_start3A_186, %dma_start3A_187] : memref<10000x32xf32, #tpu.memory_space<hbm>> -> memref<10000x32xf32, #tpu.memory_space<hbm>>
    tpu.enqueue_indirect_dma source(%dma_start3A_188 : memref<10000x32xf32, #tpu.memory_space<hbm>>) target(%dma_start3A_182 : memref<128x32xf32, #tpu.memory_space<vmem>>) offsets(%dma_start3A_185 : memref<128xi32, #tpu.memory_space<vmem>>) semaphore(%arg14 : memref<!tpu.dma_semaphore, #tpu.memory_space<semaphore_mem>>)
    %dma_start3A_189 = arith.constant 4 : i32
    %dma_start3A_190 = arith.constant 512 : i32
    %dma_start3A_191 = arith.constant 0 : i32
    %dma_start3A_192 = tpu.memref_slice %arg13[%dma_start3A_190, %dma_start3A_191] : memref<640x32xf32, #tpu.memory_space<vmem>> -> memref<128x32xf32, #tpu.memory_space<vmem>>
    %dma_start3A_193 = arith.constant 0 : i32
    %dma_start3A_194 = tpu.memref_slice %arg10[%dma_start3A_189, %dma_start3A_193] : memref<5x128xi32, #tpu.memory_space<vmem>> -> memref<1x128xi32, #tpu.memory_space<vmem>>
    %dma_start3A_195 = tpu.memref_squeeze %dma_start3A_194 : memref<1x128xi32, #tpu.memory_space<vmem>> -> memref<128xi32, #tpu.memory_space<vmem>>
    %dma_start3A_196 = arith.constant 0 : i32
    %dma_start3A_197 = arith.constant 0 : i32
    %dma_start3A_198 = tpu.memref_slice %arg3[%dma_start3A_196, %dma_start3A_197] : memref<10000x32xf32, #tpu.memory_space<hbm>> -> memref<10000x32xf32, #tpu.memory_space<hbm>>
    tpu.enqueue_indirect_dma source(%dma_start3A_198 : memref<10000x32xf32, #tpu.memory_space<hbm>>) target(%dma_start3A_192 : memref<128x32xf32, #tpu.memory_space<vmem>>) offsets(%dma_start3A_195 : memref<128xi32, #tpu.memory_space<vmem>>) semaphore(%arg14 : memref<!tpu.dma_semaphore, #tpu.memory_space<semaphore_mem>>)
    %dma_wait3A = arith.constant 0 : i32
    %dma_wait3A_199 = arith.constant 0 : i32
    %dma_wait3A_200 = arith.constant 0 : i32
    %dma_wait3A_201 = tpu.memref_slice %arg11[%dma_wait3A_199, %dma_wait3A_200] : memref<640x32xf32, #tpu.memory_space<vmem>> -> memref<128x32xf32, #tpu.memory_space<vmem>>
    %dma_wait3A_202 = arith.constant 0 : i32
    %dma_wait3A_203 = tpu.memref_slice %arg9[%dma_wait3A, %dma_wait3A_202] : memref<5x128xi32, #tpu.memory_space<vmem>> -> memref<1x128xi32, #tpu.memory_space<vmem>>
    %dma_wait3A_204 = tpu.memref_squeeze %dma_wait3A_203 : memref<1x128xi32, #tpu.memory_space<vmem>> -> memref<128xi32, #tpu.memory_space<vmem>>
    %dma_wait3A_205 = arith.constant 0 : i32
    %dma_wait3A_206 = arith.constant 0 : i32
    %dma_wait3A_207 = tpu.memref_slice %arg2[%dma_wait3A_205, %dma_wait3A_206] : memref<10000x32xf32, #tpu.memory_space<hbm>> -> memref<10000x32xf32, #tpu.memory_space<hbm>>
    tpu.wait_indirect_dma semaphore(%arg14 : memref<!tpu.dma_semaphore, #tpu.memory_space<semaphore_mem>>) src(%dma_wait3A_207 : memref<10000x32xf32, #tpu.memory_space<hbm>>) dst(%dma_wait3A_201 : memref<128x32xf32, #tpu.memory_space<vmem>>)
    %dma_wait3A_208 = arith.constant 0 : i32
    %dma_wait3A_209 = arith.constant 0 : i32
    %dma_wait3A_210 = arith.constant 0 : i32
    %dma_wait3A_211 = tpu.memref_slice %arg12[%dma_wait3A_209, %dma_wait3A_210] : memref<640x32xf32, #tpu.memory_space<vmem>> -> memref<128x32xf32, #tpu.memory_space<vmem>>
    %dma_wait3A_212 = arith.constant 0 : i32
    %dma_wait3A_213 = tpu.memref_slice %arg10[%dma_wait3A_208, %dma_wait3A_212] : memref<5x128xi32, #tpu.memory_space<vmem>> -> memref<1x128xi32, #tpu.memory_space<vmem>>
    %dma_wait3A_214 = tpu.memref_squeeze %dma_wait3A_213 : memref<1x128xi32, #tpu.memory_space<vmem>> -> memref<128xi32, #tpu.memory_space<vmem>>
    %dma_wait3A_215 = arith.constant 0 : i32
    %dma_wait3A_216 = arith.constant 0 : i32
    %dma_wait3A_217 = tpu.memref_slice %arg2[%dma_wait3A_215, %dma_wait3A_216] : memref<10000x32xf32, #tpu.memory_space<hbm>> -> memref<10000x32xf32, #tpu.memory_space<hbm>>
    tpu.wait_indirect_dma semaphore(%arg14 : memref<!tpu.dma_semaphore, #tpu.memory_space<semaphore_mem>>) src(%dma_wait3A_217 : memref<10000x32xf32, #tpu.memory_space<hbm>>) dst(%dma_wait3A_211 : memref<128x32xf32, #tpu.memory_space<vmem>>)
    %dma_wait3A_218 = arith.constant 0 : i32
    %dma_wait3A_219 = arith.constant 0 : i32
    %dma_wait3A_220 = arith.constant 0 : i32
    %dma_wait3A_221 = tpu.memref_slice %arg13[%dma_wait3A_219, %dma_wait3A_220] : memref<640x32xf32, #tpu.memory_space<vmem>> -> memref<128x32xf32, #tpu.memory_space<vmem>>
    %dma_wait3A_222 = arith.constant 0 : i32
    %dma_wait3A_223 = tpu.memref_slice %arg10[%dma_wait3A_218, %dma_wait3A_222] : memref<5x128xi32, #tpu.memory_space<vmem>> -> memref<1x128xi32, #tpu.memory_space<vmem>>
    %dma_wait3A_224 = tpu.memref_squeeze %dma_wait3A_223 : memref<1x128xi32, #tpu.memory_space<vmem>> -> memref<128xi32, #tpu.memory_space<vmem>>
    %dma_wait3A_225 = arith.constant 0 : i32
    %dma_wait3A_226 = arith.constant 0 : i32
    %dma_wait3A_227 = tpu.memref_slice %arg3[%dma_wait3A_225, %dma_wait3A_226] : memref<10000x32xf32, #tpu.memory_space<hbm>> -> memref<10000x32xf32, #tpu.memory_space<hbm>>
    tpu.wait_indirect_dma semaphore(%arg14 : memref<!tpu.dma_semaphore, #tpu.memory_space<semaphore_mem>>) src(%dma_wait3A_227 : memref<10000x32xf32, #tpu.memory_space<hbm>>) dst(%dma_wait3A_221 : memref<128x32xf32, #tpu.memory_space<vmem>>)
    %dma_wait3A_228 = arith.constant 1 : i32
    %dma_wait3A_229 = arith.constant 128 : i32
    %dma_wait3A_230 = arith.constant 0 : i32
    %dma_wait3A_231 = tpu.memref_slice %arg11[%dma_wait3A_229, %dma_wait3A_230] : memref<640x32xf32, #tpu.memory_space<vmem>> -> memref<128x32xf32, #tpu.memory_space<vmem>>
    %dma_wait3A_232 = arith.constant 0 : i32
    %dma_wait3A_233 = tpu.memref_slice %arg9[%dma_wait3A_228, %dma_wait3A_232] : memref<5x128xi32, #tpu.memory_space<vmem>> -> memref<1x128xi32, #tpu.memory_space<vmem>>
    %dma_wait3A_234 = tpu.memref_squeeze %dma_wait3A_233 : memref<1x128xi32, #tpu.memory_space<vmem>> -> memref<128xi32, #tpu.memory_space<vmem>>
    %dma_wait3A_235 = arith.constant 0 : i32
    %dma_wait3A_236 = arith.constant 0 : i32
    %dma_wait3A_237 = tpu.memref_slice %arg2[%dma_wait3A_235, %dma_wait3A_236] : memref<10000x32xf32, #tpu.memory_space<hbm>> -> memref<10000x32xf32, #tpu.memory_space<hbm>>
    tpu.wait_indirect_dma semaphore(%arg14 : memref<!tpu.dma_semaphore, #tpu.memory_space<semaphore_mem>>) src(%dma_wait3A_237 : memref<10000x32xf32, #tpu.memory_space<hbm>>) dst(%dma_wait3A_231 : memref<128x32xf32, #tpu.memory_space<vmem>>)
    %dma_wait3A_238 = arith.constant 1 : i32
    %dma_wait3A_239 = arith.constant 128 : i32
    %dma_wait3A_240 = arith.constant 0 : i32
    %dma_wait3A_241 = tpu.memref_slice %arg12[%dma_wait3A_239, %dma_wait3A_240] : memref<640x32xf32, #tpu.memory_space<vmem>> -> memref<128x32xf32, #tpu.memory_space<vmem>>
    %dma_wait3A_242 = arith.constant 0 : i32
    %dma_wait3A_243 = tpu.memref_slice %arg10[%dma_wait3A_238, %dma_wait3A_242] : memref<5x128xi32, #tpu.memory_space<vmem>> -> memref<1x128xi32, #tpu.memory_space<vmem>>
    %dma_wait3A_244 = tpu.memref_squeeze %dma_wait3A_243 : memref<1x128xi32, #tpu.memory_space<vmem>> -> memref<128xi32, #tpu.memory_space<vmem>>
    %dma_wait3A_245 = arith.constant 0 : i32
    %dma_wait3A_246 = arith.constant 0 : i32
    %dma_wait3A_247 = tpu.memref_slice %arg2[%dma_wait3A_245, %dma_wait3A_246] : memref<10000x32xf32, #tpu.memory_space<hbm>> -> memref<10000x32xf32, #tpu.memory_space<hbm>>
    tpu.wait_indirect_dma semaphore(%arg14 : memref<!tpu.dma_semaphore, #tpu.memory_space<semaphore_mem>>) src(%dma_wait3A_247 : memref<10000x32xf32, #tpu.memory_space<hbm>>) dst(%dma_wait3A_241 : memref<128x32xf32, #tpu.memory_space<vmem>>)
    %dma_wait3A_248 = arith.constant 1 : i32
    %dma_wait3A_249 = arith.constant 128 : i32
    %dma_wait3A_250 = arith.constant 0 : i32
    %dma_wait3A_251 = tpu.memref_slice %arg13[%dma_wait3A_249, %dma_wait3A_250] : memref<640x32xf32, #tpu.memory_space<vmem>> -> memref<128x32xf32, #tpu.memory_space<vmem>>
    %dma_wait3A_252 = arith.constant 0 : i32
    %dma_wait3A_253 = tpu.memref_slice %arg10[%dma_wait3A_248, %dma_wait3A_252] : memref<5x128xi32, #tpu.memory_space<vmem>> -> memref<1x128xi32, #tpu.memory_space<vmem>>
    %dma_wait3A_254 = tpu.memref_squeeze %dma_wait3A_253 : memref<1x128xi32, #tpu.memory_space<vmem>> -> memref<128xi32, #tpu.memory_space<vmem>>
    %dma_wait3A_255 = arith.constant 0 : i32
    %dma_wait3A_256 = arith.constant 0 : i32
    %dma_wait3A_257 = tpu.memref_slice %arg3[%dma_wait3A_255, %dma_wait3A_256] : memref<10000x32xf32, #tpu.memory_space<hbm>> -> memref<10000x32xf32, #tpu.memory_space<hbm>>
    tpu.wait_indirect_dma semaphore(%arg14 : memref<!tpu.dma_semaphore, #tpu.memory_space<semaphore_mem>>) src(%dma_wait3A_257 : memref<10000x32xf32, #tpu.memory_space<hbm>>) dst(%dma_wait3A_251 : memref<128x32xf32, #tpu.memory_space<vmem>>)
    %dma_wait3A_258 = arith.constant 2 : i32
    %dma_wait3A_259 = arith.constant 256 : i32
    %dma_wait3A_260 = arith.constant 0 : i32
    %dma_wait3A_261 = tpu.memref_slice %arg11[%dma_wait3A_259, %dma_wait3A_260] : memref<640x32xf32, #tpu.memory_space<vmem>> -> memref<128x32xf32, #tpu.memory_space<vmem>>
    %dma_wait3A_262 = arith.constant 0 : i32
    %dma_wait3A_263 = tpu.memref_slice %arg9[%dma_wait3A_258, %dma_wait3A_262] : memref<5x128xi32, #tpu.memory_space<vmem>> -> memref<1x128xi32, #tpu.memory_space<vmem>>
    %dma_wait3A_264 = tpu.memref_squeeze %dma_wait3A_263 : memref<1x128xi32, #tpu.memory_space<vmem>> -> memref<128xi32, #tpu.memory_space<vmem>>
    %dma_wait3A_265 = arith.constant 0 : i32
    %dma_wait3A_266 = arith.constant 0 : i32
    %dma_wait3A_267 = tpu.memref_slice %arg2[%dma_wait3A_265, %dma_wait3A_266] : memref<10000x32xf32, #tpu.memory_space<hbm>> -> memref<10000x32xf32, #tpu.memory_space<hbm>>
    tpu.wait_indirect_dma semaphore(%arg14 : memref<!tpu.dma_semaphore, #tpu.memory_space<semaphore_mem>>) src(%dma_wait3A_267 : memref<10000x32xf32, #tpu.memory_space<hbm>>) dst(%dma_wait3A_261 : memref<128x32xf32, #tpu.memory_space<vmem>>)
    %dma_wait3A_268 = arith.constant 2 : i32
    %dma_wait3A_269 = arith.constant 256 : i32
    %dma_wait3A_270 = arith.constant 0 : i32
    %dma_wait3A_271 = tpu.memref_slice %arg12[%dma_wait3A_269, %dma_wait3A_270] : memref<640x32xf32, #tpu.memory_space<vmem>> -> memref<128x32xf32, #tpu.memory_space<vmem>>
    %dma_wait3A_272 = arith.constant 0 : i32
    %dma_wait3A_273 = tpu.memref_slice %arg10[%dma_wait3A_268, %dma_wait3A_272] : memref<5x128xi32, #tpu.memory_space<vmem>> -> memref<1x128xi32, #tpu.memory_space<vmem>>
    %dma_wait3A_274 = tpu.memref_squeeze %dma_wait3A_273 : memref<1x128xi32, #tpu.memory_space<vmem>> -> memref<128xi32, #tpu.memory_space<vmem>>
    %dma_wait3A_275 = arith.constant 0 : i32
    %dma_wait3A_276 = arith.constant 0 : i32
    %dma_wait3A_277 = tpu.memref_slice %arg2[%dma_wait3A_275, %dma_wait3A_276] : memref<10000x32xf32, #tpu.memory_space<hbm>> -> memref<10000x32xf32, #tpu.memory_space<hbm>>
    tpu.wait_indirect_dma semaphore(%arg14 : memref<!tpu.dma_semaphore, #tpu.memory_space<semaphore_mem>>) src(%dma_wait3A_277 : memref<10000x32xf32, #tpu.memory_space<hbm>>) dst(%dma_wait3A_271 : memref<128x32xf32, #tpu.memory_space<vmem>>)
    %dma_wait3A_278 = arith.constant 2 : i32
    %dma_wait3A_279 = arith.constant 256 : i32
    %dma_wait3A_280 = arith.constant 0 : i32
    %dma_wait3A_281 = tpu.memref_slice %arg13[%dma_wait3A_279, %dma_wait3A_280] : memref<640x32xf32, #tpu.memory_space<vmem>> -> memref<128x32xf32, #tpu.memory_space<vmem>>
    %dma_wait3A_282 = arith.constant 0 : i32
    %dma_wait3A_283 = tpu.memref_slice %arg10[%dma_wait3A_278, %dma_wait3A_282] : memref<5x128xi32, #tpu.memory_space<vmem>> -> memref<1x128xi32, #tpu.memory_space<vmem>>
    %dma_wait3A_284 = tpu.memref_squeeze %dma_wait3A_283 : memref<1x128xi32, #tpu.memory_space<vmem>> -> memref<128xi32, #tpu.memory_space<vmem>>
    %dma_wait3A_285 = arith.constant 0 : i32
    %dma_wait3A_286 = arith.constant 0 : i32
    %dma_wait3A_287 = tpu.memref_slice %arg3[%dma_wait3A_285, %dma_wait3A_286] : memref<10000x32xf32, #tpu.memory_space<hbm>> -> memref<10000x32xf32, #tpu.memory_space<hbm>>
    tpu.wait_indirect_dma semaphore(%arg14 : memref<!tpu.dma_semaphore, #tpu.memory_space<semaphore_mem>>) src(%dma_wait3A_287 : memref<10000x32xf32, #tpu.memory_space<hbm>>) dst(%dma_wait3A_281 : memref<128x32xf32, #tpu.memory_space<vmem>>)
    %dma_wait3A_288 = arith.constant 3 : i32
    %dma_wait3A_289 = arith.constant 384 : i32
    %dma_wait3A_290 = arith.constant 0 : i32
    %dma_wait3A_291 = tpu.memref_slice %arg11[%dma_wait3A_289, %dma_wait3A_290] : memref<640x32xf32, #tpu.memory_space<vmem>> -> memref<128x32xf32, #tpu.memory_space<vmem>>
    %dma_wait3A_292 = arith.constant 0 : i32
    %dma_wait3A_293 = tpu.memref_slice %arg9[%dma_wait3A_288, %dma_wait3A_292] : memref<5x128xi32, #tpu.memory_space<vmem>> -> memref<1x128xi32, #tpu.memory_space<vmem>>
    %dma_wait3A_294 = tpu.memref_squeeze %dma_wait3A_293 : memref<1x128xi32, #tpu.memory_space<vmem>> -> memref<128xi32, #tpu.memory_space<vmem>>
    %dma_wait3A_295 = arith.constant 0 : i32
    %dma_wait3A_296 = arith.constant 0 : i32
    %dma_wait3A_297 = tpu.memref_slice %arg2[%dma_wait3A_295, %dma_wait3A_296] : memref<10000x32xf32, #tpu.memory_space<hbm>> -> memref<10000x32xf32, #tpu.memory_space<hbm>>
    tpu.wait_indirect_dma semaphore(%arg14 : memref<!tpu.dma_semaphore, #tpu.memory_space<semaphore_mem>>) src(%dma_wait3A_297 : memref<10000x32xf32, #tpu.memory_space<hbm>>) dst(%dma_wait3A_291 : memref<128x32xf32, #tpu.memory_space<vmem>>)
    %dma_wait3A_298 = arith.constant 3 : i32
    %dma_wait3A_299 = arith.constant 384 : i32
    %dma_wait3A_300 = arith.constant 0 : i32
    %dma_wait3A_301 = tpu.memref_slice %arg12[%dma_wait3A_299, %dma_wait3A_300] : memref<640x32xf32, #tpu.memory_space<vmem>> -> memref<128x32xf32, #tpu.memory_space<vmem>>
    %dma_wait3A_302 = arith.constant 0 : i32
    %dma_wait3A_303 = tpu.memref_slice %arg10[%dma_wait3A_298, %dma_wait3A_302] : memref<5x128xi32, #tpu.memory_space<vmem>> -> memref<1x128xi32, #tpu.memory_space<vmem>>
    %dma_wait3A_304 = tpu.memref_squeeze %dma_wait3A_303 : memref<1x128xi32, #tpu.memory_space<vmem>> -> memref<128xi32, #tpu.memory_space<vmem>>
    %dma_wait3A_305 = arith.constant 0 : i32
    %dma_wait3A_306 = arith.constant 0 : i32
    %dma_wait3A_307 = tpu.memref_slice %arg2[%dma_wait3A_305, %dma_wait3A_306] : memref<10000x32xf32, #tpu.memory_space<hbm>> -> memref<10000x32xf32, #tpu.memory_space<hbm>>
    tpu.wait_indirect_dma semaphore(%arg14 : memref<!tpu.dma_semaphore, #tpu.memory_space<semaphore_mem>>) src(%dma_wait3A_307 : memref<10000x32xf32, #tpu.memory_space<hbm>>) dst(%dma_wait3A_301 : memref<128x32xf32, #tpu.memory_space<vmem>>)
    %dma_wait3A_308 = arith.constant 3 : i32
    %dma_wait3A_309 = arith.constant 384 : i32
    %dma_wait3A_310 = arith.constant 0 : i32
    %dma_wait3A_311 = tpu.memref_slice %arg13[%dma_wait3A_309, %dma_wait3A_310] : memref<640x32xf32, #tpu.memory_space<vmem>> -> memref<128x32xf32, #tpu.memory_space<vmem>>
    %dma_wait3A_312 = arith.constant 0 : i32
    %dma_wait3A_313 = tpu.memref_slice %arg10[%dma_wait3A_308, %dma_wait3A_312] : memref<5x128xi32, #tpu.memory_space<vmem>> -> memref<1x128xi32, #tpu.memory_space<vmem>>
    %dma_wait3A_314 = tpu.memref_squeeze %dma_wait3A_313 : memref<1x128xi32, #tpu.memory_space<vmem>> -> memref<128xi32, #tpu.memory_space<vmem>>
    %dma_wait3A_315 = arith.constant 0 : i32
    %dma_wait3A_316 = arith.constant 0 : i32
    %dma_wait3A_317 = tpu.memref_slice %arg3[%dma_wait3A_315, %dma_wait3A_316] : memref<10000x32xf32, #tpu.memory_space<hbm>> -> memref<10000x32xf32, #tpu.memory_space<hbm>>
    tpu.wait_indirect_dma semaphore(%arg14 : memref<!tpu.dma_semaphore, #tpu.memory_space<semaphore_mem>>) src(%dma_wait3A_317 : memref<10000x32xf32, #tpu.memory_space<hbm>>) dst(%dma_wait3A_311 : memref<128x32xf32, #tpu.memory_space<vmem>>)
    %dma_wait3A_318 = arith.constant 4 : i32
    %dma_wait3A_319 = arith.constant 512 : i32
    %dma_wait3A_320 = arith.constant 0 : i32
    %dma_wait3A_321 = tpu.memref_slice %arg11[%dma_wait3A_319, %dma_wait3A_320] : memref<640x32xf32, #tpu.memory_space<vmem>> -> memref<128x32xf32, #tpu.memory_space<vmem>>
    %dma_wait3A_322 = arith.constant 0 : i32
    %dma_wait3A_323 = tpu.memref_slice %arg9[%dma_wait3A_318, %dma_wait3A_322] : memref<5x128xi32, #tpu.memory_space<vmem>> -> memref<1x128xi32, #tpu.memory_space<vmem>>
    %dma_wait3A_324 = tpu.memref_squeeze %dma_wait3A_323 : memref<1x128xi32, #tpu.memory_space<vmem>> -> memref<128xi32, #tpu.memory_space<vmem>>
    %dma_wait3A_325 = arith.constant 0 : i32
    %dma_wait3A_326 = arith.constant 0 : i32
    %dma_wait3A_327 = tpu.memref_slice %arg2[%dma_wait3A_325, %dma_wait3A_326] : memref<10000x32xf32, #tpu.memory_space<hbm>> -> memref<10000x32xf32, #tpu.memory_space<hbm>>
    tpu.wait_indirect_dma semaphore(%arg14 : memref<!tpu.dma_semaphore, #tpu.memory_space<semaphore_mem>>) src(%dma_wait3A_327 : memref<10000x32xf32, #tpu.memory_space<hbm>>) dst(%dma_wait3A_321 : memref<128x32xf32, #tpu.memory_space<vmem>>)
    %dma_wait3A_328 = arith.constant 4 : i32
    %dma_wait3A_329 = arith.constant 512 : i32
    %dma_wait3A_330 = arith.constant 0 : i32
    %dma_wait3A_331 = tpu.memref_slice %arg12[%dma_wait3A_329, %dma_wait3A_330] : memref<640x32xf32, #tpu.memory_space<vmem>> -> memref<128x32xf32, #tpu.memory_space<vmem>>
    %dma_wait3A_332 = arith.constant 0 : i32
    %dma_wait3A_333 = tpu.memref_slice %arg10[%dma_wait3A_328, %dma_wait3A_332] : memref<5x128xi32, #tpu.memory_space<vmem>> -> memref<1x128xi32, #tpu.memory_space<vmem>>
    %dma_wait3A_334 = tpu.memref_squeeze %dma_wait3A_333 : memref<1x128xi32, #tpu.memory_space<vmem>> -> memref<128xi32, #tpu.memory_space<vmem>>
    %dma_wait3A_335 = arith.constant 0 : i32
    %dma_wait3A_336 = arith.constant 0 : i32
    %dma_wait3A_337 = tpu.memref_slice %arg2[%dma_wait3A_335, %dma_wait3A_336] : memref<10000x32xf32, #tpu.memory_space<hbm>> -> memref<10000x32xf32, #tpu.memory_space<hbm>>
    tpu.wait_indirect_dma semaphore(%arg14 : memref<!tpu.dma_semaphore, #tpu.memory_space<semaphore_mem>>) src(%dma_wait3A_337 : memref<10000x32xf32, #tpu.memory_space<hbm>>) dst(%dma_wait3A_331 : memref<128x32xf32, #tpu.memory_space<vmem>>)
    %dma_wait3A_338 = arith.constant 4 : i32
    %dma_wait3A_339 = arith.constant 512 : i32
    %dma_wait3A_340 = arith.constant 0 : i32
    %dma_wait3A_341 = tpu.memref_slice %arg13[%dma_wait3A_339, %dma_wait3A_340] : memref<640x32xf32, #tpu.memory_space<vmem>> -> memref<128x32xf32, #tpu.memory_space<vmem>>
    %dma_wait3A_342 = arith.constant 0 : i32
    %dma_wait3A_343 = tpu.memref_slice %arg10[%dma_wait3A_338, %dma_wait3A_342] : memref<5x128xi32, #tpu.memory_space<vmem>> -> memref<1x128xi32, #tpu.memory_space<vmem>>
    %dma_wait3A_344 = tpu.memref_squeeze %dma_wait3A_343 : memref<1x128xi32, #tpu.memory_space<vmem>> -> memref<128xi32, #tpu.memory_space<vmem>>
    %dma_wait3A_345 = arith.constant 0 : i32
    %dma_wait3A_346 = arith.constant 0 : i32
    %dma_wait3A_347 = tpu.memref_slice %arg3[%dma_wait3A_345, %dma_wait3A_346] : memref<10000x32xf32, #tpu.memory_space<hbm>> -> memref<10000x32xf32, #tpu.memory_space<hbm>>
    tpu.wait_indirect_dma semaphore(%arg14 : memref<!tpu.dma_semaphore, #tpu.memory_space<semaphore_mem>>) src(%dma_wait3A_347 : memref<10000x32xf32, #tpu.memory_space<hbm>>) dst(%dma_wait3A_341 : memref<128x32xf32, #tpu.memory_space<vmem>>)
    %mul3A_348 = arith.constant 640 : i32
    %mul3A_349 = arith.muli %add3A, %mul3A_348 : i32
    "tpu.region"() ({
      %run_scoped3A_350 = tpu.sem_alloc : memref<!tpu.dma_semaphore, #tpu.memory_space<semaphore_mem>>
      %dma_start3A_351 = arith.constant 0 : i32
      %dma_start3A_352 = tpu.memref_slice %arg6[%mul3A_349, %dma_start3A_351] : memref<20480x32xf32, #tpu.memory_space<hbm>> -> memref<640x32xf32, #tpu.memory_space<hbm>>
      %dma_start3A_353 = arith.constant 0 : i32
      %dma_start3A_354 = tpu.memref_slice %arg6[%mul3A_349, %dma_start3A_353] : memref<20480x32xf32, #tpu.memory_space<hbm>> -> memref<640x32xf32, #tpu.memory_space<hbm>>
      tpu.enqueue_dma source(%arg11 : memref<640x32xf32, #tpu.memory_space<vmem>>) target(%dma_start3A_354 : memref<640x32xf32, #tpu.memory_space<hbm>>) target_semaphore(%run_scoped3A_350 : memref<!tpu.dma_semaphore, #tpu.memory_space<semaphore_mem>>)
      %dma_wait3A_355 = arith.constant 0 : i32
      %dma_wait3A_356 = tpu.memref_slice %arg6[%mul3A_349, %dma_wait3A_355] : memref<20480x32xf32, #tpu.memory_space<hbm>> -> memref<640x32xf32, #tpu.memory_space<hbm>>
      %dma_wait3A_357 = arith.constant 0 : i32
      %dma_wait3A_358 = tpu.memref_slice %arg6[%mul3A_349, %dma_wait3A_357] : memref<20480x32xf32, #tpu.memory_space<hbm>> -> memref<640x32xf32, #tpu.memory_space<hbm>>
      tpu.wait_dma2 semaphore(%run_scoped3A_350 : memref<!tpu.dma_semaphore, #tpu.memory_space<semaphore_mem>>) src(%arg11 : memref<640x32xf32, #tpu.memory_space<vmem>>) dst(%dma_wait3A_358 : memref<640x32xf32, #tpu.memory_space<hbm>>)
      tpu.yield
    }) : () -> ()
    "tpu.region"() ({
      %run_scoped3A_350 = tpu.sem_alloc : memref<!tpu.dma_semaphore, #tpu.memory_space<semaphore_mem>>
      %dma_start3A_351 = arith.constant 0 : i32
      %dma_start3A_352 = tpu.memref_slice %arg7[%mul3A_349, %dma_start3A_351] : memref<20480x32xf32, #tpu.memory_space<hbm>> -> memref<640x32xf32, #tpu.memory_space<hbm>>
      %dma_start3A_353 = arith.constant 0 : i32
      %dma_start3A_354 = tpu.memref_slice %arg7[%mul3A_349, %dma_start3A_353] : memref<20480x32xf32, #tpu.memory_space<hbm>> -> memref<640x32xf32, #tpu.memory_space<hbm>>
      tpu.enqueue_dma source(%arg12 : memref<640x32xf32, #tpu.memory_space<vmem>>) target(%dma_start3A_354 : memref<640x32xf32, #tpu.memory_space<hbm>>) target_semaphore(%run_scoped3A_350 : memref<!tpu.dma_semaphore, #tpu.memory_space<semaphore_mem>>)
      %dma_wait3A_355 = arith.constant 0 : i32
      %dma_wait3A_356 = tpu.memref_slice %arg7[%mul3A_349, %dma_wait3A_355] : memref<20480x32xf32, #tpu.memory_space<hbm>> -> memref<640x32xf32, #tpu.memory_space<hbm>>
      %dma_wait3A_357 = arith.constant 0 : i32
      %dma_wait3A_358 = tpu.memref_slice %arg7[%mul3A_349, %dma_wait3A_357] : memref<20480x32xf32, #tpu.memory_space<hbm>> -> memref<640x32xf32, #tpu.memory_space<hbm>>
      tpu.wait_dma2 semaphore(%run_scoped3A_350 : memref<!tpu.dma_semaphore, #tpu.memory_space<semaphore_mem>>) src(%arg12 : memref<640x32xf32, #tpu.memory_space<vmem>>) dst(%dma_wait3A_358 : memref<640x32xf32, #tpu.memory_space<hbm>>)
      tpu.yield
    }) : () -> ()
    "tpu.region"() ({
      %run_scoped3A_350 = tpu.sem_alloc : memref<!tpu.dma_semaphore, #tpu.memory_space<semaphore_mem>>
      %dma_start3A_351 = arith.constant 0 : i32
      %dma_start3A_352 = tpu.memref_slice %arg8[%mul3A_349, %dma_start3A_351] : memref<20480x32xf32, #tpu.memory_space<hbm>> -> memref<640x32xf32, #tpu.memory_space<hbm>>
      %dma_start3A_353 = arith.constant 0 : i32
      %dma_start3A_354 = tpu.memref_slice %arg8[%mul3A_349, %dma_start3A_353] : memref<20480x32xf32, #tpu.memory_space<hbm>> -> memref<640x32xf32, #tpu.memory_space<hbm>>
      tpu.enqueue_dma source(%arg13 : memref<640x32xf32, #tpu.memory_space<vmem>>) target(%dma_start3A_354 : memref<640x32xf32, #tpu.memory_space<hbm>>) target_semaphore(%run_scoped3A_350 : memref<!tpu.dma_semaphore, #tpu.memory_space<semaphore_mem>>)
      %dma_wait3A_355 = arith.constant 0 : i32
      %dma_wait3A_356 = tpu.memref_slice %arg8[%mul3A_349, %dma_wait3A_355] : memref<20480x32xf32, #tpu.memory_space<hbm>> -> memref<640x32xf32, #tpu.memory_space<hbm>>
      %dma_wait3A_357 = arith.constant 0 : i32
      %dma_wait3A_358 = tpu.memref_slice %arg8[%mul3A_349, %dma_wait3A_357] : memref<20480x32xf32, #tpu.memory_space<hbm>> -> memref<640x32xf32, #tpu.memory_space<hbm>>
      tpu.wait_dma2 semaphore(%run_scoped3A_350 : memref<!tpu.dma_semaphore, #tpu.memory_space<semaphore_mem>>) src(%arg13 : memref<640x32xf32, #tpu.memory_space<vmem>>) dst(%dma_wait3A_358 : memref<640x32xf32, #tpu.memory_space<hbm>>)
      tpu.yield
    }) : () -> ()
    return
  }
}

#map = affine_map<(d0, d1) -> (0, 0)>
#map1 = affine_map<(d0, d1) -> (0)>
#map2 = affine_map<(d0, d1) -> (0, 0, 0)>
module attributes {stable_mosaic.version = 14 : i64} {
  func.func @_sc_scatter(%arg0: i32, %arg1: i32, %arg2: memref<20480x48xf32, #tpu.memory_space<hbm>>, %arg3: memref<20480xi32, #tpu.memory_space<hbm>>, %arg4: memref<10000x48xf32, #tpu.memory_space<hbm>>, %arg5: memref<2x10000x48xf32, #tpu.memory_space<hbm>>, %arg6: memref<5x128xi32, #tpu.memory_space<vmem>>, %arg7: memref<640x48xf32, #tpu.memory_space<vmem>>, %arg8: memref<10000x48xf32, #tpu.memory_space<vmem_shared>>) attributes {dimension_semantics = [#tpu.dimension_semantics<core_parallel>, #tpu.dimension_semantics<subcore_parallel>], iteration_bounds = array<i64: 2, 16>, scalar_prefetch = 0 : i64, scratch_operands = 3 : i64, tpu.core_type = #tpu.core_type<sc_vector_subcore>, window_params = [{transform_indices = #map}, {transform_indices = #map1}, {transform_indices = #map}, {transform_indices = #map2}]} {
    %mul3A = arith.constant 2 : i32
    %mul3A_0 = arith.muli %arg1, %mul3A : i32
    %add3A = arith.addi %mul3A_0, %arg0 : i32
    %eq3A = arith.constant 0 : i32
    %eq3A_1 = arith.cmpi eq, %arg1, %eq3A : i32
    %convert_element_type3A = arith.extui %eq3A_1 : i1 to i32
    %cond3A = arith.constant 0 : i32
    %cond3A_2 = arith.cmpi ne, %convert_element_type3A, %cond3A : i32
    scf.if %cond3A_2 {
      "tpu.region"() ({
        %run_scoped3A_39 = tpu.sem_alloc : memref<!tpu.dma_semaphore, #tpu.memory_space<semaphore_mem>>
        tpu.enqueue_dma source(%arg4 : memref<10000x48xf32, #tpu.memory_space<hbm>>) target(%arg8 : memref<10000x48xf32, #tpu.memory_space<vmem_shared>>) target_semaphore(%run_scoped3A_39 : memref<!tpu.dma_semaphore, #tpu.memory_space<semaphore_mem>>)
        tpu.wait_dma2 semaphore(%run_scoped3A_39 : memref<!tpu.dma_semaphore, #tpu.memory_space<semaphore_mem>>) src(%arg4 : memref<10000x48xf32, #tpu.memory_space<hbm>>) dst(%arg8 : memref<10000x48xf32, #tpu.memory_space<vmem_shared>>)
        tpu.yield
      }) : () -> ()
    } else {
    }
    %barrier3A = arith.constant 0 : index
    tpu.barrier barrier_id(%barrier3A)
    %mul3A_3 = arith.constant 640 : i32
    %mul3A_4 = arith.muli %add3A, %mul3A_3 : i32
    %add3A_5 = arith.constant 0 : i32
    %add3A_6 = arith.addi %mul3A_4, %add3A_5 : i32
    %run_scoped3A = arith.constant 0 : i32
    "tpu.region"() ({
      %run_scoped3A_39 = tpu.sem_alloc : memref<!tpu.dma_semaphore, #tpu.memory_space<semaphore_mem>>
      %dma_start3A = arith.constant 0 : i32
      %dma_start3A_40 = tpu.memref_slice %arg6[%run_scoped3A, %dma_start3A] : memref<5x128xi32, #tpu.memory_space<vmem>> -> memref<1x128xi32, #tpu.memory_space<vmem>>
      %dma_start3A_41 = tpu.memref_squeeze %dma_start3A_40 : memref<1x128xi32, #tpu.memory_space<vmem>> -> memref<128xi32, #tpu.memory_space<vmem>>
      %dma_start3A_42 = tpu.memref_slice %arg3[%add3A_6] : memref<20480xi32, #tpu.memory_space<hbm>> -> memref<128xi32, #tpu.memory_space<hbm>>
      %dma_start3A_43 = arith.constant 0 : i32
      %dma_start3A_44 = tpu.memref_slice %arg6[%run_scoped3A, %dma_start3A_43] : memref<5x128xi32, #tpu.memory_space<vmem>> -> memref<1x128xi32, #tpu.memory_space<vmem>>
      %dma_start3A_45 = tpu.memref_squeeze %dma_start3A_44 : memref<1x128xi32, #tpu.memory_space<vmem>> -> memref<128xi32, #tpu.memory_space<vmem>>
      %dma_start3A_46 = tpu.memref_slice %arg3[%add3A_6] : memref<20480xi32, #tpu.memory_space<hbm>> -> memref<128xi32, #tpu.memory_space<hbm>>
      tpu.enqueue_dma source(%dma_start3A_46 : memref<128xi32, #tpu.memory_space<hbm>>) target(%dma_start3A_45 : memref<128xi32, #tpu.memory_space<vmem>>) target_semaphore(%run_scoped3A_39 : memref<!tpu.dma_semaphore, #tpu.memory_space<semaphore_mem>>)
      %dma_wait3A = arith.constant 0 : i32
      %dma_wait3A_47 = tpu.memref_slice %arg6[%run_scoped3A, %dma_wait3A] : memref<5x128xi32, #tpu.memory_space<vmem>> -> memref<1x128xi32, #tpu.memory_space<vmem>>
      %dma_wait3A_48 = tpu.memref_squeeze %dma_wait3A_47 : memref<1x128xi32, #tpu.memory_space<vmem>> -> memref<128xi32, #tpu.memory_space<vmem>>
      %dma_wait3A_49 = tpu.memref_slice %arg3[%add3A_6] : memref<20480xi32, #tpu.memory_space<hbm>> -> memref<128xi32, #tpu.memory_space<hbm>>
      %dma_wait3A_50 = arith.constant 0 : i32
      %dma_wait3A_51 = tpu.memref_slice %arg6[%run_scoped3A, %dma_wait3A_50] : memref<5x128xi32, #tpu.memory_space<vmem>> -> memref<1x128xi32, #tpu.memory_space<vmem>>
      %dma_wait3A_52 = tpu.memref_squeeze %dma_wait3A_51 : memref<1x128xi32, #tpu.memory_space<vmem>> -> memref<128xi32, #tpu.memory_space<vmem>>
      %dma_wait3A_53 = tpu.memref_slice %arg3[%add3A_6] : memref<20480xi32, #tpu.memory_space<hbm>> -> memref<128xi32, #tpu.memory_space<hbm>>
      tpu.wait_dma2 semaphore(%run_scoped3A_39 : memref<!tpu.dma_semaphore, #tpu.memory_space<semaphore_mem>>) src(%dma_wait3A_53 : memref<128xi32, #tpu.memory_space<hbm>>) dst(%dma_wait3A_52 : memref<128xi32, #tpu.memory_space<vmem>>)
      tpu.yield
    }) : () -> ()
    %mul3A_7 = arith.constant 640 : i32
    %mul3A_8 = arith.muli %add3A, %mul3A_7 : i32
    %add3A_9 = arith.constant 128 : i32
    %add3A_10 = arith.addi %mul3A_8, %add3A_9 : i32
    %run_scoped3A_11 = arith.constant 1 : i32
    "tpu.region"() ({
      %run_scoped3A_39 = tpu.sem_alloc : memref<!tpu.dma_semaphore, #tpu.memory_space<semaphore_mem>>
      %dma_start3A = arith.constant 0 : i32
      %dma_start3A_40 = tpu.memref_slice %arg6[%run_scoped3A_11, %dma_start3A] : memref<5x128xi32, #tpu.memory_space<vmem>> -> memref<1x128xi32, #tpu.memory_space<vmem>>
      %dma_start3A_41 = tpu.memref_squeeze %dma_start3A_40 : memref<1x128xi32, #tpu.memory_space<vmem>> -> memref<128xi32, #tpu.memory_space<vmem>>
      %dma_start3A_42 = tpu.memref_slice %arg3[%add3A_10] : memref<20480xi32, #tpu.memory_space<hbm>> -> memref<128xi32, #tpu.memory_space<hbm>>
      %dma_start3A_43 = arith.constant 0 : i32
      %dma_start3A_44 = tpu.memref_slice %arg6[%run_scoped3A_11, %dma_start3A_43] : memref<5x128xi32, #tpu.memory_space<vmem>> -> memref<1x128xi32, #tpu.memory_space<vmem>>
      %dma_start3A_45 = tpu.memref_squeeze %dma_start3A_44 : memref<1x128xi32, #tpu.memory_space<vmem>> -> memref<128xi32, #tpu.memory_space<vmem>>
      %dma_start3A_46 = tpu.memref_slice %arg3[%add3A_10] : memref<20480xi32, #tpu.memory_space<hbm>> -> memref<128xi32, #tpu.memory_space<hbm>>
      tpu.enqueue_dma source(%dma_start3A_46 : memref<128xi32, #tpu.memory_space<hbm>>) target(%dma_start3A_45 : memref<128xi32, #tpu.memory_space<vmem>>) target_semaphore(%run_scoped3A_39 : memref<!tpu.dma_semaphore, #tpu.memory_space<semaphore_mem>>)
      %dma_wait3A = arith.constant 0 : i32
      %dma_wait3A_47 = tpu.memref_slice %arg6[%run_scoped3A_11, %dma_wait3A] : memref<5x128xi32, #tpu.memory_space<vmem>> -> memref<1x128xi32, #tpu.memory_space<vmem>>
      %dma_wait3A_48 = tpu.memref_squeeze %dma_wait3A_47 : memref<1x128xi32, #tpu.memory_space<vmem>> -> memref<128xi32, #tpu.memory_space<vmem>>
      %dma_wait3A_49 = tpu.memref_slice %arg3[%add3A_10] : memref<20480xi32, #tpu.memory_space<hbm>> -> memref<128xi32, #tpu.memory_space<hbm>>
      %dma_wait3A_50 = arith.constant 0 : i32
      %dma_wait3A_51 = tpu.memref_slice %arg6[%run_scoped3A_11, %dma_wait3A_50] : memref<5x128xi32, #tpu.memory_space<vmem>> -> memref<1x128xi32, #tpu.memory_space<vmem>>
      %dma_wait3A_52 = tpu.memref_squeeze %dma_wait3A_51 : memref<1x128xi32, #tpu.memory_space<vmem>> -> memref<128xi32, #tpu.memory_space<vmem>>
      %dma_wait3A_53 = tpu.memref_slice %arg3[%add3A_10] : memref<20480xi32, #tpu.memory_space<hbm>> -> memref<128xi32, #tpu.memory_space<hbm>>
      tpu.wait_dma2 semaphore(%run_scoped3A_39 : memref<!tpu.dma_semaphore, #tpu.memory_space<semaphore_mem>>) src(%dma_wait3A_53 : memref<128xi32, #tpu.memory_space<hbm>>) dst(%dma_wait3A_52 : memref<128xi32, #tpu.memory_space<vmem>>)
      tpu.yield
    }) : () -> ()
    %mul3A_12 = arith.constant 640 : i32
    %mul3A_13 = arith.muli %add3A, %mul3A_12 : i32
    %add3A_14 = arith.constant 256 : i32
    %add3A_15 = arith.addi %mul3A_13, %add3A_14 : i32
    %run_scoped3A_16 = arith.constant 2 : i32
    "tpu.region"() ({
      %run_scoped3A_39 = tpu.sem_alloc : memref<!tpu.dma_semaphore, #tpu.memory_space<semaphore_mem>>
      %dma_start3A = arith.constant 0 : i32
      %dma_start3A_40 = tpu.memref_slice %arg6[%run_scoped3A_16, %dma_start3A] : memref<5x128xi32, #tpu.memory_space<vmem>> -> memref<1x128xi32, #tpu.memory_space<vmem>>
      %dma_start3A_41 = tpu.memref_squeeze %dma_start3A_40 : memref<1x128xi32, #tpu.memory_space<vmem>> -> memref<128xi32, #tpu.memory_space<vmem>>
      %dma_start3A_42 = tpu.memref_slice %arg3[%add3A_15] : memref<20480xi32, #tpu.memory_space<hbm>> -> memref<128xi32, #tpu.memory_space<hbm>>
      %dma_start3A_43 = arith.constant 0 : i32
      %dma_start3A_44 = tpu.memref_slice %arg6[%run_scoped3A_16, %dma_start3A_43] : memref<5x128xi32, #tpu.memory_space<vmem>> -> memref<1x128xi32, #tpu.memory_space<vmem>>
      %dma_start3A_45 = tpu.memref_squeeze %dma_start3A_44 : memref<1x128xi32, #tpu.memory_space<vmem>> -> memref<128xi32, #tpu.memory_space<vmem>>
      %dma_start3A_46 = tpu.memref_slice %arg3[%add3A_15] : memref<20480xi32, #tpu.memory_space<hbm>> -> memref<128xi32, #tpu.memory_space<hbm>>
      tpu.enqueue_dma source(%dma_start3A_46 : memref<128xi32, #tpu.memory_space<hbm>>) target(%dma_start3A_45 : memref<128xi32, #tpu.memory_space<vmem>>) target_semaphore(%run_scoped3A_39 : memref<!tpu.dma_semaphore, #tpu.memory_space<semaphore_mem>>)
      %dma_wait3A = arith.constant 0 : i32
      %dma_wait3A_47 = tpu.memref_slice %arg6[%run_scoped3A_16, %dma_wait3A] : memref<5x128xi32, #tpu.memory_space<vmem>> -> memref<1x128xi32, #tpu.memory_space<vmem>>
      %dma_wait3A_48 = tpu.memref_squeeze %dma_wait3A_47 : memref<1x128xi32, #tpu.memory_space<vmem>> -> memref<128xi32, #tpu.memory_space<vmem>>
      %dma_wait3A_49 = tpu.memref_slice %arg3[%add3A_15] : memref<20480xi32, #tpu.memory_space<hbm>> -> memref<128xi32, #tpu.memory_space<hbm>>
      %dma_wait3A_50 = arith.constant 0 : i32
      %dma_wait3A_51 = tpu.memref_slice %arg6[%run_scoped3A_16, %dma_wait3A_50] : memref<5x128xi32, #tpu.memory_space<vmem>> -> memref<1x128xi32, #tpu.memory_space<vmem>>
      %dma_wait3A_52 = tpu.memref_squeeze %dma_wait3A_51 : memref<1x128xi32, #tpu.memory_space<vmem>> -> memref<128xi32, #tpu.memory_space<vmem>>
      %dma_wait3A_53 = tpu.memref_slice %arg3[%add3A_15] : memref<20480xi32, #tpu.memory_space<hbm>> -> memref<128xi32, #tpu.memory_space<hbm>>
      tpu.wait_dma2 semaphore(%run_scoped3A_39 : memref<!tpu.dma_semaphore, #tpu.memory_space<semaphore_mem>>) src(%dma_wait3A_53 : memref<128xi32, #tpu.memory_space<hbm>>) dst(%dma_wait3A_52 : memref<128xi32, #tpu.memory_space<vmem>>)
      tpu.yield
    }) : () -> ()
    %mul3A_17 = arith.constant 640 : i32
    %mul3A_18 = arith.muli %add3A, %mul3A_17 : i32
    %add3A_19 = arith.constant 384 : i32
    %add3A_20 = arith.addi %mul3A_18, %add3A_19 : i32
    %run_scoped3A_21 = arith.constant 3 : i32
    "tpu.region"() ({
      %run_scoped3A_39 = tpu.sem_alloc : memref<!tpu.dma_semaphore, #tpu.memory_space<semaphore_mem>>
      %dma_start3A = arith.constant 0 : i32
      %dma_start3A_40 = tpu.memref_slice %arg6[%run_scoped3A_21, %dma_start3A] : memref<5x128xi32, #tpu.memory_space<vmem>> -> memref<1x128xi32, #tpu.memory_space<vmem>>
      %dma_start3A_41 = tpu.memref_squeeze %dma_start3A_40 : memref<1x128xi32, #tpu.memory_space<vmem>> -> memref<128xi32, #tpu.memory_space<vmem>>
      %dma_start3A_42 = tpu.memref_slice %arg3[%add3A_20] : memref<20480xi32, #tpu.memory_space<hbm>> -> memref<128xi32, #tpu.memory_space<hbm>>
      %dma_start3A_43 = arith.constant 0 : i32
      %dma_start3A_44 = tpu.memref_slice %arg6[%run_scoped3A_21, %dma_start3A_43] : memref<5x128xi32, #tpu.memory_space<vmem>> -> memref<1x128xi32, #tpu.memory_space<vmem>>
      %dma_start3A_45 = tpu.memref_squeeze %dma_start3A_44 : memref<1x128xi32, #tpu.memory_space<vmem>> -> memref<128xi32, #tpu.memory_space<vmem>>
      %dma_start3A_46 = tpu.memref_slice %arg3[%add3A_20] : memref<20480xi32, #tpu.memory_space<hbm>> -> memref<128xi32, #tpu.memory_space<hbm>>
      tpu.enqueue_dma source(%dma_start3A_46 : memref<128xi32, #tpu.memory_space<hbm>>) target(%dma_start3A_45 : memref<128xi32, #tpu.memory_space<vmem>>) target_semaphore(%run_scoped3A_39 : memref<!tpu.dma_semaphore, #tpu.memory_space<semaphore_mem>>)
      %dma_wait3A = arith.constant 0 : i32
      %dma_wait3A_47 = tpu.memref_slice %arg6[%run_scoped3A_21, %dma_wait3A] : memref<5x128xi32, #tpu.memory_space<vmem>> -> memref<1x128xi32, #tpu.memory_space<vmem>>
      %dma_wait3A_48 = tpu.memref_squeeze %dma_wait3A_47 : memref<1x128xi32, #tpu.memory_space<vmem>> -> memref<128xi32, #tpu.memory_space<vmem>>
      %dma_wait3A_49 = tpu.memref_slice %arg3[%add3A_20] : memref<20480xi32, #tpu.memory_space<hbm>> -> memref<128xi32, #tpu.memory_space<hbm>>
      %dma_wait3A_50 = arith.constant 0 : i32
      %dma_wait3A_51 = tpu.memref_slice %arg6[%run_scoped3A_21, %dma_wait3A_50] : memref<5x128xi32, #tpu.memory_space<vmem>> -> memref<1x128xi32, #tpu.memory_space<vmem>>
      %dma_wait3A_52 = tpu.memref_squeeze %dma_wait3A_51 : memref<1x128xi32, #tpu.memory_space<vmem>> -> memref<128xi32, #tpu.memory_space<vmem>>
      %dma_wait3A_53 = tpu.memref_slice %arg3[%add3A_20] : memref<20480xi32, #tpu.memory_space<hbm>> -> memref<128xi32, #tpu.memory_space<hbm>>
      tpu.wait_dma2 semaphore(%run_scoped3A_39 : memref<!tpu.dma_semaphore, #tpu.memory_space<semaphore_mem>>) src(%dma_wait3A_53 : memref<128xi32, #tpu.memory_space<hbm>>) dst(%dma_wait3A_52 : memref<128xi32, #tpu.memory_space<vmem>>)
      tpu.yield
    }) : () -> ()
    %mul3A_22 = arith.constant 640 : i32
    %mul3A_23 = arith.muli %add3A, %mul3A_22 : i32
    %add3A_24 = arith.constant 512 : i32
    %add3A_25 = arith.addi %mul3A_23, %add3A_24 : i32
    %run_scoped3A_26 = arith.constant 4 : i32
    "tpu.region"() ({
      %run_scoped3A_39 = tpu.sem_alloc : memref<!tpu.dma_semaphore, #tpu.memory_space<semaphore_mem>>
      %dma_start3A = arith.constant 0 : i32
      %dma_start3A_40 = tpu.memref_slice %arg6[%run_scoped3A_26, %dma_start3A] : memref<5x128xi32, #tpu.memory_space<vmem>> -> memref<1x128xi32, #tpu.memory_space<vmem>>
      %dma_start3A_41 = tpu.memref_squeeze %dma_start3A_40 : memref<1x128xi32, #tpu.memory_space<vmem>> -> memref<128xi32, #tpu.memory_space<vmem>>
      %dma_start3A_42 = tpu.memref_slice %arg3[%add3A_25] : memref<20480xi32, #tpu.memory_space<hbm>> -> memref<128xi32, #tpu.memory_space<hbm>>
      %dma_start3A_43 = arith.constant 0 : i32
      %dma_start3A_44 = tpu.memref_slice %arg6[%run_scoped3A_26, %dma_start3A_43] : memref<5x128xi32, #tpu.memory_space<vmem>> -> memref<1x128xi32, #tpu.memory_space<vmem>>
      %dma_start3A_45 = tpu.memref_squeeze %dma_start3A_44 : memref<1x128xi32, #tpu.memory_space<vmem>> -> memref<128xi32, #tpu.memory_space<vmem>>
      %dma_start3A_46 = tpu.memref_slice %arg3[%add3A_25] : memref<20480xi32, #tpu.memory_space<hbm>> -> memref<128xi32, #tpu.memory_space<hbm>>
      tpu.enqueue_dma source(%dma_start3A_46 : memref<128xi32, #tpu.memory_space<hbm>>) target(%dma_start3A_45 : memref<128xi32, #tpu.memory_space<vmem>>) target_semaphore(%run_scoped3A_39 : memref<!tpu.dma_semaphore, #tpu.memory_space<semaphore_mem>>)
      %dma_wait3A = arith.constant 0 : i32
      %dma_wait3A_47 = tpu.memref_slice %arg6[%run_scoped3A_26, %dma_wait3A] : memref<5x128xi32, #tpu.memory_space<vmem>> -> memref<1x128xi32, #tpu.memory_space<vmem>>
      %dma_wait3A_48 = tpu.memref_squeeze %dma_wait3A_47 : memref<1x128xi32, #tpu.memory_space<vmem>> -> memref<128xi32, #tpu.memory_space<vmem>>
      %dma_wait3A_49 = tpu.memref_slice %arg3[%add3A_25] : memref<20480xi32, #tpu.memory_space<hbm>> -> memref<128xi32, #tpu.memory_space<hbm>>
      %dma_wait3A_50 = arith.constant 0 : i32
      %dma_wait3A_51 = tpu.memref_slice %arg6[%run_scoped3A_26, %dma_wait3A_50] : memref<5x128xi32, #tpu.memory_space<vmem>> -> memref<1x128xi32, #tpu.memory_space<vmem>>
      %dma_wait3A_52 = tpu.memref_squeeze %dma_wait3A_51 : memref<1x128xi32, #tpu.memory_space<vmem>> -> memref<128xi32, #tpu.memory_space<vmem>>
      %dma_wait3A_53 = tpu.memref_slice %arg3[%add3A_25] : memref<20480xi32, #tpu.memory_space<hbm>> -> memref<128xi32, #tpu.memory_space<hbm>>
      tpu.wait_dma2 semaphore(%run_scoped3A_39 : memref<!tpu.dma_semaphore, #tpu.memory_space<semaphore_mem>>) src(%dma_wait3A_53 : memref<128xi32, #tpu.memory_space<hbm>>) dst(%dma_wait3A_52 : memref<128xi32, #tpu.memory_space<vmem>>)
      tpu.yield
    }) : () -> ()
    %mul3A_27 = arith.constant 640 : i32
    %mul3A_28 = arith.muli %add3A, %mul3A_27 : i32
    "tpu.region"() ({
      %run_scoped3A_39 = tpu.sem_alloc : memref<!tpu.dma_semaphore, #tpu.memory_space<semaphore_mem>>
      %dma_start3A = arith.constant 0 : i32
      %dma_start3A_40 = tpu.memref_slice %arg2[%mul3A_28, %dma_start3A] : memref<20480x48xf32, #tpu.memory_space<hbm>> -> memref<640x48xf32, #tpu.memory_space<hbm>>
      %dma_start3A_41 = arith.constant 0 : i32
      %dma_start3A_42 = tpu.memref_slice %arg2[%mul3A_28, %dma_start3A_41] : memref<20480x48xf32, #tpu.memory_space<hbm>> -> memref<640x48xf32, #tpu.memory_space<hbm>>
      tpu.enqueue_dma source(%dma_start3A_42 : memref<640x48xf32, #tpu.memory_space<hbm>>) target(%arg7 : memref<640x48xf32, #tpu.memory_space<vmem>>) target_semaphore(%run_scoped3A_39 : memref<!tpu.dma_semaphore, #tpu.memory_space<semaphore_mem>>)
      %dma_wait3A = arith.constant 0 : i32
      %dma_wait3A_43 = tpu.memref_slice %arg2[%mul3A_28, %dma_wait3A] : memref<20480x48xf32, #tpu.memory_space<hbm>> -> memref<640x48xf32, #tpu.memory_space<hbm>>
      %dma_wait3A_44 = arith.constant 0 : i32
      %dma_wait3A_45 = tpu.memref_slice %arg2[%mul3A_28, %dma_wait3A_44] : memref<20480x48xf32, #tpu.memory_space<hbm>> -> memref<640x48xf32, #tpu.memory_space<hbm>>
      tpu.wait_dma2 semaphore(%run_scoped3A_39 : memref<!tpu.dma_semaphore, #tpu.memory_space<semaphore_mem>>) src(%dma_wait3A_45 : memref<640x48xf32, #tpu.memory_space<hbm>>) dst(%arg7 : memref<640x48xf32, #tpu.memory_space<vmem>>)
      tpu.yield
    }) : () -> ()
    %run_scoped3A_29 = arith.constant 0 : i32
    "tpu.region"() ({
      %run_scoped3A_39 = tpu.sem_alloc : memref<!tpu.dma_semaphore, #tpu.memory_space<semaphore_mem>>
      %dma_start3A = arith.constant 0 : i32
      %dma_start3A_40 = arith.constant 0 : i32
      %dma_start3A_41 = tpu.memref_slice %arg7[%dma_start3A, %dma_start3A_40] : memref<640x48xf32, #tpu.memory_space<vmem>> -> memref<128x48xf32, #tpu.memory_space<vmem>>
      %dma_start3A_42 = arith.constant 0 : i32
      %dma_start3A_43 = tpu.memref_slice %arg6[%run_scoped3A_29, %dma_start3A_42] : memref<5x128xi32, #tpu.memory_space<vmem>> -> memref<1x128xi32, #tpu.memory_space<vmem>>
      %dma_start3A_44 = tpu.memref_squeeze %dma_start3A_43 : memref<1x128xi32, #tpu.memory_space<vmem>> -> memref<128xi32, #tpu.memory_space<vmem>>
      %dma_start3A_45 = arith.constant 0 : i32
      %dma_start3A_46 = arith.constant 0 : i32
      %dma_start3A_47 = tpu.memref_slice %arg8[%dma_start3A_45, %dma_start3A_46] : memref<10000x48xf32, #tpu.memory_space<vmem_shared>> -> memref<10000x48xf32, #tpu.memory_space<vmem_shared>>
      tpu.enqueue_indirect_dma source(%dma_start3A_41 : memref<128x48xf32, #tpu.memory_space<vmem>>) target(%dma_start3A_47 : memref<10000x48xf32, #tpu.memory_space<vmem_shared>>) offsets(%dma_start3A_44 : memref<128xi32, #tpu.memory_space<vmem>>) semaphore(%run_scoped3A_39 : memref<!tpu.dma_semaphore, #tpu.memory_space<semaphore_mem>>) {add = true}
      %dma_wait3A = arith.constant 0 : i32
      %dma_wait3A_48 = arith.constant 0 : i32
      %dma_wait3A_49 = tpu.memref_slice %arg7[%dma_wait3A, %dma_wait3A_48] : memref<640x48xf32, #tpu.memory_space<vmem>> -> memref<128x48xf32, #tpu.memory_space<vmem>>
      %dma_wait3A_50 = arith.constant 0 : i32
      %dma_wait3A_51 = tpu.memref_slice %arg6[%run_scoped3A_29, %dma_wait3A_50] : memref<5x128xi32, #tpu.memory_space<vmem>> -> memref<1x128xi32, #tpu.memory_space<vmem>>
      %dma_wait3A_52 = tpu.memref_squeeze %dma_wait3A_51 : memref<1x128xi32, #tpu.memory_space<vmem>> -> memref<128xi32, #tpu.memory_space<vmem>>
      %dma_wait3A_53 = arith.constant 0 : i32
      %dma_wait3A_54 = arith.constant 0 : i32
      %dma_wait3A_55 = tpu.memref_slice %arg8[%dma_wait3A_53, %dma_wait3A_54] : memref<10000x48xf32, #tpu.memory_space<vmem_shared>> -> memref<10000x48xf32, #tpu.memory_space<vmem_shared>>
      tpu.wait_indirect_dma semaphore(%run_scoped3A_39 : memref<!tpu.dma_semaphore, #tpu.memory_space<semaphore_mem>>) src(%dma_wait3A_49 : memref<128x48xf32, #tpu.memory_space<vmem>>) dst(%dma_wait3A_55 : memref<10000x48xf32, #tpu.memory_space<vmem_shared>>)
      tpu.yield
    }) : () -> ()
    %run_scoped3A_30 = arith.constant 1 : i32
    "tpu.region"() ({
      %run_scoped3A_39 = tpu.sem_alloc : memref<!tpu.dma_semaphore, #tpu.memory_space<semaphore_mem>>
      %dma_start3A = arith.constant 128 : i32
      %dma_start3A_40 = arith.constant 0 : i32
      %dma_start3A_41 = tpu.memref_slice %arg7[%dma_start3A, %dma_start3A_40] : memref<640x48xf32, #tpu.memory_space<vmem>> -> memref<128x48xf32, #tpu.memory_space<vmem>>
      %dma_start3A_42 = arith.constant 0 : i32
      %dma_start3A_43 = tpu.memref_slice %arg6[%run_scoped3A_30, %dma_start3A_42] : memref<5x128xi32, #tpu.memory_space<vmem>> -> memref<1x128xi32, #tpu.memory_space<vmem>>
      %dma_start3A_44 = tpu.memref_squeeze %dma_start3A_43 : memref<1x128xi32, #tpu.memory_space<vmem>> -> memref<128xi32, #tpu.memory_space<vmem>>
      %dma_start3A_45 = arith.constant 0 : i32
      %dma_start3A_46 = arith.constant 0 : i32
      %dma_start3A_47 = tpu.memref_slice %arg8[%dma_start3A_45, %dma_start3A_46] : memref<10000x48xf32, #tpu.memory_space<vmem_shared>> -> memref<10000x48xf32, #tpu.memory_space<vmem_shared>>
      tpu.enqueue_indirect_dma source(%dma_start3A_41 : memref<128x48xf32, #tpu.memory_space<vmem>>) target(%dma_start3A_47 : memref<10000x48xf32, #tpu.memory_space<vmem_shared>>) offsets(%dma_start3A_44 : memref<128xi32, #tpu.memory_space<vmem>>) semaphore(%run_scoped3A_39 : memref<!tpu.dma_semaphore, #tpu.memory_space<semaphore_mem>>) {add = true}
      %dma_wait3A = arith.constant 128 : i32
      %dma_wait3A_48 = arith.constant 0 : i32
      %dma_wait3A_49 = tpu.memref_slice %arg7[%dma_wait3A, %dma_wait3A_48] : memref<640x48xf32, #tpu.memory_space<vmem>> -> memref<128x48xf32, #tpu.memory_space<vmem>>
      %dma_wait3A_50 = arith.constant 0 : i32
      %dma_wait3A_51 = tpu.memref_slice %arg6[%run_scoped3A_30, %dma_wait3A_50] : memref<5x128xi32, #tpu.memory_space<vmem>> -> memref<1x128xi32, #tpu.memory_space<vmem>>
      %dma_wait3A_52 = tpu.memref_squeeze %dma_wait3A_51 : memref<1x128xi32, #tpu.memory_space<vmem>> -> memref<128xi32, #tpu.memory_space<vmem>>
      %dma_wait3A_53 = arith.constant 0 : i32
      %dma_wait3A_54 = arith.constant 0 : i32
      %dma_wait3A_55 = tpu.memref_slice %arg8[%dma_wait3A_53, %dma_wait3A_54] : memref<10000x48xf32, #tpu.memory_space<vmem_shared>> -> memref<10000x48xf32, #tpu.memory_space<vmem_shared>>
      tpu.wait_indirect_dma semaphore(%run_scoped3A_39 : memref<!tpu.dma_semaphore, #tpu.memory_space<semaphore_mem>>) src(%dma_wait3A_49 : memref<128x48xf32, #tpu.memory_space<vmem>>) dst(%dma_wait3A_55 : memref<10000x48xf32, #tpu.memory_space<vmem_shared>>)
      tpu.yield
    }) : () -> ()
    %run_scoped3A_31 = arith.constant 2 : i32
    "tpu.region"() ({
      %run_scoped3A_39 = tpu.sem_alloc : memref<!tpu.dma_semaphore, #tpu.memory_space<semaphore_mem>>
      %dma_start3A = arith.constant 256 : i32
      %dma_start3A_40 = arith.constant 0 : i32
      %dma_start3A_41 = tpu.memref_slice %arg7[%dma_start3A, %dma_start3A_40] : memref<640x48xf32, #tpu.memory_space<vmem>> -> memref<128x48xf32, #tpu.memory_space<vmem>>
      %dma_start3A_42 = arith.constant 0 : i32
      %dma_start3A_43 = tpu.memref_slice %arg6[%run_scoped3A_31, %dma_start3A_42] : memref<5x128xi32, #tpu.memory_space<vmem>> -> memref<1x128xi32, #tpu.memory_space<vmem>>
      %dma_start3A_44 = tpu.memref_squeeze %dma_start3A_43 : memref<1x128xi32, #tpu.memory_space<vmem>> -> memref<128xi32, #tpu.memory_space<vmem>>
      %dma_start3A_45 = arith.constant 0 : i32
      %dma_start3A_46 = arith.constant 0 : i32
      %dma_start3A_47 = tpu.memref_slice %arg8[%dma_start3A_45, %dma_start3A_46] : memref<10000x48xf32, #tpu.memory_space<vmem_shared>> -> memref<10000x48xf32, #tpu.memory_space<vmem_shared>>
      tpu.enqueue_indirect_dma source(%dma_start3A_41 : memref<128x48xf32, #tpu.memory_space<vmem>>) target(%dma_start3A_47 : memref<10000x48xf32, #tpu.memory_space<vmem_shared>>) offsets(%dma_start3A_44 : memref<128xi32, #tpu.memory_space<vmem>>) semaphore(%run_scoped3A_39 : memref<!tpu.dma_semaphore, #tpu.memory_space<semaphore_mem>>) {add = true}
      %dma_wait3A = arith.constant 256 : i32
      %dma_wait3A_48 = arith.constant 0 : i32
      %dma_wait3A_49 = tpu.memref_slice %arg7[%dma_wait3A, %dma_wait3A_48] : memref<640x48xf32, #tpu.memory_space<vmem>> -> memref<128x48xf32, #tpu.memory_space<vmem>>
      %dma_wait3A_50 = arith.constant 0 : i32
      %dma_wait3A_51 = tpu.memref_slice %arg6[%run_scoped3A_31, %dma_wait3A_50] : memref<5x128xi32, #tpu.memory_space<vmem>> -> memref<1x128xi32, #tpu.memory_space<vmem>>
      %dma_wait3A_52 = tpu.memref_squeeze %dma_wait3A_51 : memref<1x128xi32, #tpu.memory_space<vmem>> -> memref<128xi32, #tpu.memory_space<vmem>>
      %dma_wait3A_53 = arith.constant 0 : i32
      %dma_wait3A_54 = arith.constant 0 : i32
      %dma_wait3A_55 = tpu.memref_slice %arg8[%dma_wait3A_53, %dma_wait3A_54] : memref<10000x48xf32, #tpu.memory_space<vmem_shared>> -> memref<10000x48xf32, #tpu.memory_space<vmem_shared>>
      tpu.wait_indirect_dma semaphore(%run_scoped3A_39 : memref<!tpu.dma_semaphore, #tpu.memory_space<semaphore_mem>>) src(%dma_wait3A_49 : memref<128x48xf32, #tpu.memory_space<vmem>>) dst(%dma_wait3A_55 : memref<10000x48xf32, #tpu.memory_space<vmem_shared>>)
      tpu.yield
    }) : () -> ()
    %run_scoped3A_32 = arith.constant 3 : i32
    "tpu.region"() ({
      %run_scoped3A_39 = tpu.sem_alloc : memref<!tpu.dma_semaphore, #tpu.memory_space<semaphore_mem>>
      %dma_start3A = arith.constant 384 : i32
      %dma_start3A_40 = arith.constant 0 : i32
      %dma_start3A_41 = tpu.memref_slice %arg7[%dma_start3A, %dma_start3A_40] : memref<640x48xf32, #tpu.memory_space<vmem>> -> memref<128x48xf32, #tpu.memory_space<vmem>>
      %dma_start3A_42 = arith.constant 0 : i32
      %dma_start3A_43 = tpu.memref_slice %arg6[%run_scoped3A_32, %dma_start3A_42] : memref<5x128xi32, #tpu.memory_space<vmem>> -> memref<1x128xi32, #tpu.memory_space<vmem>>
      %dma_start3A_44 = tpu.memref_squeeze %dma_start3A_43 : memref<1x128xi32, #tpu.memory_space<vmem>> -> memref<128xi32, #tpu.memory_space<vmem>>
      %dma_start3A_45 = arith.constant 0 : i32
      %dma_start3A_46 = arith.constant 0 : i32
      %dma_start3A_47 = tpu.memref_slice %arg8[%dma_start3A_45, %dma_start3A_46] : memref<10000x48xf32, #tpu.memory_space<vmem_shared>> -> memref<10000x48xf32, #tpu.memory_space<vmem_shared>>
      tpu.enqueue_indirect_dma source(%dma_start3A_41 : memref<128x48xf32, #tpu.memory_space<vmem>>) target(%dma_start3A_47 : memref<10000x48xf32, #tpu.memory_space<vmem_shared>>) offsets(%dma_start3A_44 : memref<128xi32, #tpu.memory_space<vmem>>) semaphore(%run_scoped3A_39 : memref<!tpu.dma_semaphore, #tpu.memory_space<semaphore_mem>>) {add = true}
      %dma_wait3A = arith.constant 384 : i32
      %dma_wait3A_48 = arith.constant 0 : i32
      %dma_wait3A_49 = tpu.memref_slice %arg7[%dma_wait3A, %dma_wait3A_48] : memref<640x48xf32, #tpu.memory_space<vmem>> -> memref<128x48xf32, #tpu.memory_space<vmem>>
      %dma_wait3A_50 = arith.constant 0 : i32
      %dma_wait3A_51 = tpu.memref_slice %arg6[%run_scoped3A_32, %dma_wait3A_50] : memref<5x128xi32, #tpu.memory_space<vmem>> -> memref<1x128xi32, #tpu.memory_space<vmem>>
      %dma_wait3A_52 = tpu.memref_squeeze %dma_wait3A_51 : memref<1x128xi32, #tpu.memory_space<vmem>> -> memref<128xi32, #tpu.memory_space<vmem>>
      %dma_wait3A_53 = arith.constant 0 : i32
      %dma_wait3A_54 = arith.constant 0 : i32
      %dma_wait3A_55 = tpu.memref_slice %arg8[%dma_wait3A_53, %dma_wait3A_54] : memref<10000x48xf32, #tpu.memory_space<vmem_shared>> -> memref<10000x48xf32, #tpu.memory_space<vmem_shared>>
      tpu.wait_indirect_dma semaphore(%run_scoped3A_39 : memref<!tpu.dma_semaphore, #tpu.memory_space<semaphore_mem>>) src(%dma_wait3A_49 : memref<128x48xf32, #tpu.memory_space<vmem>>) dst(%dma_wait3A_55 : memref<10000x48xf32, #tpu.memory_space<vmem_shared>>)
      tpu.yield
    }) : () -> ()
    %run_scoped3A_33 = arith.constant 4 : i32
    "tpu.region"() ({
      %run_scoped3A_39 = tpu.sem_alloc : memref<!tpu.dma_semaphore, #tpu.memory_space<semaphore_mem>>
      %dma_start3A = arith.constant 512 : i32
      %dma_start3A_40 = arith.constant 0 : i32
      %dma_start3A_41 = tpu.memref_slice %arg7[%dma_start3A, %dma_start3A_40] : memref<640x48xf32, #tpu.memory_space<vmem>> -> memref<128x48xf32, #tpu.memory_space<vmem>>
      %dma_start3A_42 = arith.constant 0 : i32
      %dma_start3A_43 = tpu.memref_slice %arg6[%run_scoped3A_33, %dma_start3A_42] : memref<5x128xi32, #tpu.memory_space<vmem>> -> memref<1x128xi32, #tpu.memory_space<vmem>>
      %dma_start3A_44 = tpu.memref_squeeze %dma_start3A_43 : memref<1x128xi32, #tpu.memory_space<vmem>> -> memref<128xi32, #tpu.memory_space<vmem>>
      %dma_start3A_45 = arith.constant 0 : i32
      %dma_start3A_46 = arith.constant 0 : i32
      %dma_start3A_47 = tpu.memref_slice %arg8[%dma_start3A_45, %dma_start3A_46] : memref<10000x48xf32, #tpu.memory_space<vmem_shared>> -> memref<10000x48xf32, #tpu.memory_space<vmem_shared>>
      tpu.enqueue_indirect_dma source(%dma_start3A_41 : memref<128x48xf32, #tpu.memory_space<vmem>>) target(%dma_start3A_47 : memref<10000x48xf32, #tpu.memory_space<vmem_shared>>) offsets(%dma_start3A_44 : memref<128xi32, #tpu.memory_space<vmem>>) semaphore(%run_scoped3A_39 : memref<!tpu.dma_semaphore, #tpu.memory_space<semaphore_mem>>) {add = true}
      %dma_wait3A = arith.constant 512 : i32
      %dma_wait3A_48 = arith.constant 0 : i32
      %dma_wait3A_49 = tpu.memref_slice %arg7[%dma_wait3A, %dma_wait3A_48] : memref<640x48xf32, #tpu.memory_space<vmem>> -> memref<128x48xf32, #tpu.memory_space<vmem>>
      %dma_wait3A_50 = arith.constant 0 : i32
      %dma_wait3A_51 = tpu.memref_slice %arg6[%run_scoped3A_33, %dma_wait3A_50] : memref<5x128xi32, #tpu.memory_space<vmem>> -> memref<1x128xi32, #tpu.memory_space<vmem>>
      %dma_wait3A_52 = tpu.memref_squeeze %dma_wait3A_51 : memref<1x128xi32, #tpu.memory_space<vmem>> -> memref<128xi32, #tpu.memory_space<vmem>>
      %dma_wait3A_53 = arith.constant 0 : i32
      %dma_wait3A_54 = arith.constant 0 : i32
      %dma_wait3A_55 = tpu.memref_slice %arg8[%dma_wait3A_53, %dma_wait3A_54] : memref<10000x48xf32, #tpu.memory_space<vmem_shared>> -> memref<10000x48xf32, #tpu.memory_space<vmem_shared>>
      tpu.wait_indirect_dma semaphore(%run_scoped3A_39 : memref<!tpu.dma_semaphore, #tpu.memory_space<semaphore_mem>>) src(%dma_wait3A_49 : memref<128x48xf32, #tpu.memory_space<vmem>>) dst(%dma_wait3A_55 : memref<10000x48xf32, #tpu.memory_space<vmem_shared>>)
      tpu.yield
    }) : () -> ()
    %barrier3A_34 = arith.constant 0 : index
    tpu.barrier barrier_id(%barrier3A_34)
    %mul3A_35 = arith.constant 625 : i32
    %mul3A_36 = arith.muli %arg1, %mul3A_35 : i32
    %mul3A_37 = arith.constant 625 : i32
    %mul3A_38 = arith.muli %arg1, %mul3A_37 : i32
    "tpu.region"() ({
      %run_scoped3A_39 = tpu.sem_alloc : memref<!tpu.dma_semaphore, #tpu.memory_space<semaphore_mem>>
      %dma_start3A = arith.constant 0 : i32
      %dma_start3A_40 = tpu.memref_slice %arg5[%arg0, %mul3A_38, %dma_start3A] : memref<2x10000x48xf32, #tpu.memory_space<hbm>> -> memref<1x625x48xf32, #tpu.memory_space<hbm>>
      %dma_start3A_41 = tpu.memref_squeeze %dma_start3A_40 : memref<1x625x48xf32, #tpu.memory_space<hbm>> -> memref<625x48xf32, #tpu.memory_space<hbm>>
      %dma_start3A_42 = arith.constant 0 : i32
      %dma_start3A_43 = tpu.memref_slice %arg8[%mul3A_36, %dma_start3A_42] : memref<10000x48xf32, #tpu.memory_space<vmem_shared>> -> memref<625x48xf32, #tpu.memory_space<vmem_shared>>
      tpu.enqueue_dma source(%dma_start3A_43 : memref<625x48xf32, #tpu.memory_space<vmem_shared>>) target(%dma_start3A_41 : memref<625x48xf32, #tpu.memory_space<hbm>>) target_semaphore(%run_scoped3A_39 : memref<!tpu.dma_semaphore, #tpu.memory_space<semaphore_mem>>)
      %dma_wait3A = arith.constant 0 : i32
      %dma_wait3A_44 = tpu.memref_slice %arg5[%arg0, %mul3A_38, %dma_wait3A] : memref<2x10000x48xf32, #tpu.memory_space<hbm>> -> memref<1x625x48xf32, #tpu.memory_space<hbm>>
      %dma_wait3A_45 = tpu.memref_squeeze %dma_wait3A_44 : memref<1x625x48xf32, #tpu.memory_space<hbm>> -> memref<625x48xf32, #tpu.memory_space<hbm>>
      %dma_wait3A_46 = arith.constant 0 : i32
      %dma_wait3A_47 = tpu.memref_slice %arg8[%mul3A_36, %dma_wait3A_46] : memref<10000x48xf32, #tpu.memory_space<vmem_shared>> -> memref<625x48xf32, #tpu.memory_space<vmem_shared>>
      tpu.wait_dma2 semaphore(%run_scoped3A_39 : memref<!tpu.dma_semaphore, #tpu.memory_space<semaphore_mem>>) src(%dma_wait3A_47 : memref<625x48xf32, #tpu.memory_space<vmem_shared>>) dst(%dma_wait3A_45 : memref<625x48xf32, #tpu.memory_space<hbm>>)
      tpu.yield
    }) : () -> ()
    return
  }
}

module attributes {stable_mosaic.version = 14 : i64} {
  func.func @_tc_edge_body(%arg0: i32, %arg1: memref<512x1024xf32, #tpu.memory_space<vmem>>, %arg2: memref<512x1024xf32, #tpu.memory_space<vmem>>, %arg3: memref<512x1024xf32, #tpu.memory_space<vmem>>, %arg4: memref<512x1024xf32, #tpu.memory_space<vmem>>, %arg5: memref<512x32xf32, #tpu.memory_space<vmem>>, %arg6: memref<512x32xf32, #tpu.memory_space<vmem>>, %arg7: memref<512x32xf32, #tpu.memory_space<vmem>>, %arg8: memref<512x32xf32, #tpu.memory_space<vmem>>, %arg9: memref<512x32xf32, #tpu.memory_space<vmem>>, %arg10: memref<512x32xf32, #tpu.memory_space<vmem>>, %arg11: memref<512x32xf32, #tpu.memory_space<vmem>>, %arg12: memref<512x32xf32, #tpu.memory_space<vmem>>, %arg13: memref<512x32xf32, #tpu.memory_space<vmem>>, %arg14: memref<512x48xf32, #tpu.memory_space<vmem>>, %arg15: memref<512x4xf32, #tpu.memory_space<vmem>>) attributes {dimension_semantics = [#tpu.dimension_semantics<arbitrary>], iteration_bounds = array<i64: 40>, scalar_prefetch = 0 : i64, scratch_operands = 0 : i64, tpu.core_type = #tpu.core_type<tc>, window_params = [{transform_indices = @transform_0, window_bounds = array<i64: 512, 1024>}, {transform_indices = @transform_1, window_bounds = array<i64: 512, 1024>}, {transform_indices = @transform_2, window_bounds = array<i64: 512, 1024>}, {transform_indices = @transform_3, window_bounds = array<i64: 512, 1024>}, {transform_indices = @transform_4, window_bounds = array<i64: 512, 32>}, {transform_indices = @transform_5, window_bounds = array<i64: 512, 32>}, {transform_indices = @transform_6, window_bounds = array<i64: 512, 32>}, {transform_indices = @transform_7, window_bounds = array<i64: 512, 32>}, {transform_indices = @transform_8, window_bounds = array<i64: 512, 32>}, {transform_indices = @transform_9, window_bounds = array<i64: 512, 32>}, {transform_indices = @transform_10, window_bounds = array<i64: 512, 32>}, {transform_indices = @transform_11, window_bounds = array<i64: 512, 32>}, {transform_indices = @transform_12, window_bounds = array<i64: 512, 32>}, {transform_indices = @transform_13, window_bounds = array<i64: 512, 48>}, {transform_indices = @transform_14, window_bounds = array<i64: 512, 4>}]} {
    %iota3A = tpu.iota {dimensions = array<i32: 0>} : vector<32x1024xi32>
    %iota3A_0 = tpu.iota {dimensions = array<i32: 1>} : vector<32x1024xi32>
    %jit3A = arith.constant 32 : i32
    %eq3A = arith.constant 0 : i32
    %eq3A_1 = arith.cmpi eq, %jit3A, %eq3A : i32
    %jit3A_2 = arith.constant 1 : i32
    %select_n3A = arith.select %eq3A_1, %jit3A_2, %jit3A : i32
    %rem3A = vector.broadcast %select_n3A : i32 to vector<32x1024xi32>
    %rem3A_3 = arith.remsi %iota3A_0, %rem3A : vector<32x1024xi32>
    %ne3A = arith.constant 0 : i32
    %ne3A_4 = vector.broadcast %ne3A : i32 to vector<32x1024xi32>
    %ne3A_5 = arith.cmpi ne, %rem3A_3, %ne3A_4 : vector<32x1024xi32>
    %lt3A = arith.constant 0 : i32
    %lt3A_6 = vector.broadcast %lt3A : i32 to vector<32x1024xi32>
    %lt3A_7 = arith.cmpi slt, %rem3A_3, %lt3A_6 : vector<32x1024xi32>
    %lt3A_8 = arith.constant 0 : i32
    %lt3A_9 = arith.cmpi slt, %select_n3A, %lt3A_8 : i32
    %ne3A_10 = vector.broadcast %lt3A_9 : i1 to vector<32x1024xi1>
    %ne3A_11 = vector.broadcast %ne3A_10 : vector<32x1024xi1> to vector<32x1024xi1>
    %ne3A_12 = arith.xori %lt3A_7, %ne3A_11 : vector<32x1024xi1>
    %and3A = arith.andi %ne3A_12, %ne3A_5 : vector<32x1024xi1>
    %add3A = vector.broadcast %select_n3A : i32 to vector<32x1024xi32>
    %add3A_13 = arith.addi %rem3A_3, %add3A : vector<32x1024xi32>
    %select_n3A_14 = arith.select %and3A, %add3A_13, %rem3A_3 : vector<32x1024xi1>, vector<32x1024xi32>
    %eq3A_15 = arith.cmpi eq, %select_n3A_14, %iota3A : vector<32x1024xi32>
    %convert_element_type3A = arith.extui %eq3A_15 : vector<32x1024xi1> to vector<32x1024xi32>
    %convert_element_type3A_16 = arith.sitofp %convert_element_type3A : vector<32x1024xi32> to vector<32x1024xf32>
    %iota3A_17 = tpu.iota {dimensions = array<i32: 0>} : vector<1024x32xi32>
    %iota3A_18 = tpu.iota {dimensions = array<i32: 1>} : vector<1024x32xi32>
    %jit3A_19 = arith.constant 32 : i32
    %div3A = vector.broadcast %jit3A_19 : i32 to vector<1024x32xi32>
    %div3A_20 = arith.divsi %iota3A_17, %div3A : vector<1024x32xi32>
    %sign3A = arith.constant 0 : i32
    %sign3A_21 = vector.broadcast %sign3A : i32 to vector<1024x32xi32>
    %sign3A_22 = arith.cmpi sgt, %iota3A_17, %sign3A_21 : vector<1024x32xi32>
    %sign3A_23 = arith.extui %sign3A_22 : vector<1024x32xi1> to vector<1024x32xi32>
    %sign3A_24 = arith.constant 0 : i32
    %sign3A_25 = vector.broadcast %sign3A_24 : i32 to vector<1024x32xi32>
    %sign3A_26 = arith.cmpi slt, %iota3A_17, %sign3A_25 : vector<1024x32xi32>
    %sign3A_27 = arith.extui %sign3A_26 : vector<1024x32xi1> to vector<1024x32xi32>
    %sign3A_28 = arith.subi %sign3A_23, %sign3A_27 : vector<1024x32xi32>
    %sign3A_29 = arith.constant 0 : i32
    %sign3A_30 = arith.cmpi sgt, %jit3A_19, %sign3A_29 : i32
    %sign3A_31 = arith.extui %sign3A_30 : i1 to i32
    %sign3A_32 = arith.constant 0 : i32
    %sign3A_33 = arith.cmpi slt, %jit3A_19, %sign3A_32 : i32
    %sign3A_34 = arith.extui %sign3A_33 : i1 to i32
    %sign3A_35 = arith.subi %sign3A_31, %sign3A_34 : i32
    %ne3A_36 = vector.broadcast %sign3A_35 : i32 to vector<1024x32xi32>
    %ne3A_37 = arith.cmpi ne, %sign3A_28, %ne3A_36 : vector<1024x32xi32>
    %rem3A_38 = vector.broadcast %jit3A_19 : i32 to vector<1024x32xi32>
    %rem3A_39 = arith.remsi %iota3A_17, %rem3A_38 : vector<1024x32xi32>
    %ne3A_40 = arith.constant 0 : i32
    %ne3A_41 = vector.broadcast %ne3A_40 : i32 to vector<1024x32xi32>
    %ne3A_42 = arith.cmpi ne, %rem3A_39, %ne3A_41 : vector<1024x32xi32>
    %and3A_43 = arith.andi %ne3A_37, %ne3A_42 : vector<1024x32xi1>
    %sub3A = arith.constant 1 : i32
    %sub3A_44 = vector.broadcast %sub3A : i32 to vector<1024x32xi32>
    %sub3A_45 = arith.subi %div3A_20, %sub3A_44 : vector<1024x32xi32>
    %select_n3A_46 = arith.select %and3A_43, %sub3A_45, %div3A_20 : vector<1024x32xi1>, vector<1024x32xi32>
    %eq3A_47 = arith.cmpi eq, %select_n3A_46, %iota3A_18 : vector<1024x32xi32>
    %convert_element_type3A_48 = arith.extui %eq3A_47 : vector<1024x32xi1> to vector<1024x32xi32>
    %convert_element_type3A_49 = arith.sitofp %convert_element_type3A_48 : vector<1024x32xi32> to vector<1024x32xf32>
    %get3A = arith.constant 0 : index
    %get3A_50 = arith.constant 0 : index
    %get3A_51 = vector.load %arg9[%get3A, %get3A_50] : memref<512x32xf32, #tpu.memory_space<vmem>>, vector<512x32xf32>
    %dot_general3A = arith.constant dense<0.000000e+00> : vector<512x1024xf32>
    %dot_general3A_52 = tpu.matmul %get3A_51, %convert_element_type3A_16, %dot_general3A {dimension_numbers = #tpu.dot_dimension_numbers<[1], [0], [0], [1], [0, 0, 1, 1], [], []>, transpose_lhs_hint = false} : vector<512x32xf32>, vector<32x1024xf32>, vector<512x1024xf32> -> vector<512x1024xf32>
    %get3A_53 = arith.constant 0 : index
    %get3A_54 = arith.constant 0 : index
    %get3A_55 = vector.load %arg10[%get3A_53, %get3A_54] : memref<512x32xf32, #tpu.memory_space<vmem>>, vector<512x32xf32>
    %dot_general3A_56 = arith.constant dense<0.000000e+00> : vector<512x1024xf32>
    %dot_general3A_57 = tpu.matmul %get3A_55, %convert_element_type3A_16, %dot_general3A_56 {dimension_numbers = #tpu.dot_dimension_numbers<[1], [0], [0], [1], [0, 0, 1, 1], [], []>, transpose_lhs_hint = false} : vector<512x32xf32>, vector<32x1024xf32>, vector<512x1024xf32> -> vector<512x1024xf32>
    %get3A_58 = arith.constant 0 : index
    %get3A_59 = arith.constant 0 : index
    %get3A_60 = vector.load %arg1[%get3A_58, %get3A_59] : memref<512x1024xf32, #tpu.memory_space<vmem>>, vector<512x1024xf32>
    %mul3A = arith.mulf %get3A_60, %dot_general3A_52 : vector<512x1024xf32>
    %get3A_61 = arith.constant 0 : index
    %get3A_62 = arith.constant 0 : index
    %get3A_63 = vector.load %arg2[%get3A_61, %get3A_62] : memref<512x1024xf32, #tpu.memory_space<vmem>>, vector<512x1024xf32>
    %mul3A_64 = arith.mulf %get3A_63, %dot_general3A_57 : vector<512x1024xf32>
    %add3A_65 = arith.addf %mul3A, %mul3A_64 : vector<512x1024xf32>
    %get3A_66 = arith.constant 0 : index
    %get3A_67 = arith.constant 0 : index
    %get3A_68 = vector.load %arg3[%get3A_66, %get3A_67] : memref<512x1024xf32, #tpu.memory_space<vmem>>, vector<512x1024xf32>
    %mul3A_69 = arith.mulf %get3A_68, %dot_general3A_52 : vector<512x1024xf32>
    %get3A_70 = arith.constant 0 : index
    %get3A_71 = arith.constant 0 : index
    %get3A_72 = vector.load %arg4[%get3A_70, %get3A_71] : memref<512x1024xf32, #tpu.memory_space<vmem>>, vector<512x1024xf32>
    %mul3A_73 = arith.mulf %get3A_72, %dot_general3A_57 : vector<512x1024xf32>
    %add3A_74 = arith.addf %mul3A_69, %mul3A_73 : vector<512x1024xf32>
    %dot_general3A_75 = arith.constant dense<0.000000e+00> : vector<512x32xf32>
    %dot_general3A_76 = tpu.matmul %add3A_65, %convert_element_type3A_49, %dot_general3A_75 {dimension_numbers = #tpu.dot_dimension_numbers<[1], [0], [0], [1], [0, 0, 1, 1], [], []>, transpose_lhs_hint = false} : vector<512x1024xf32>, vector<1024x32xf32>, vector<512x32xf32> -> vector<512x32xf32>
    %get3A_77 = arith.constant 0 : index
    %get3A_78 = arith.constant 0 : index
    %get3A_79 = vector.load %arg5[%get3A_77, %get3A_78] : memref<512x32xf32, #tpu.memory_space<vmem>>, vector<512x32xf32>
    %add3A_80 = arith.addf %dot_general3A_76, %get3A_79 : vector<512x32xf32>
    %get3A_81 = arith.constant 0 : index
    %get3A_82 = arith.constant 0 : index
    %get3A_83 = vector.load %arg6[%get3A_81, %get3A_82] : memref<512x32xf32, #tpu.memory_space<vmem>>, vector<512x32xf32>
    %add3A_84 = arith.addf %add3A_80, %get3A_83 : vector<512x32xf32>
    %dot_general3A_85 = arith.constant dense<0.000000e+00> : vector<512x32xf32>
    %dot_general3A_86 = tpu.matmul %add3A_74, %convert_element_type3A_49, %dot_general3A_85 {dimension_numbers = #tpu.dot_dimension_numbers<[1], [0], [0], [1], [0, 0, 1, 1], [], []>, transpose_lhs_hint = false} : vector<512x1024xf32>, vector<1024x32xf32>, vector<512x32xf32> -> vector<512x32xf32>
    %get3A_87 = arith.constant 0 : index
    %get3A_88 = arith.constant 0 : index
    %get3A_89 = vector.load %arg7[%get3A_87, %get3A_88] : memref<512x32xf32, #tpu.memory_space<vmem>>, vector<512x32xf32>
    %add3A_90 = arith.addf %dot_general3A_86, %get3A_89 : vector<512x32xf32>
    %get3A_91 = arith.constant 0 : index
    %get3A_92 = arith.constant 0 : index
    %get3A_93 = vector.load %arg8[%get3A_91, %get3A_92] : memref<512x32xf32, #tpu.memory_space<vmem>>, vector<512x32xf32>
    %add3A_94 = arith.addf %add3A_90, %get3A_93 : vector<512x32xf32>
    %swap3A = arith.constant 0 : index
    %swap3A_95 = arith.constant 0 : index
    %swap3A_96 = vector.load %arg12[%swap3A, %swap3A_95] : memref<512x32xf32, #tpu.memory_space<vmem>>, vector<512x32xf32>
    tpu.vector_store %arg12[%swap3A, %swap3A_95], %add3A_84 {strides = array<i32>} : memref<512x32xf32, #tpu.memory_space<vmem>>, vector<512x32xf32>,
    %swap3A_97 = arith.constant 0 : index
    %swap3A_98 = arith.constant 0 : index
    %swap3A_99 = vector.load %arg13[%swap3A_97, %swap3A_98] : memref<512x32xf32, #tpu.memory_space<vmem>>, vector<512x32xf32>
    tpu.vector_store %arg13[%swap3A_97, %swap3A_98], %add3A_94 {strides = array<i32>} : memref<512x32xf32, #tpu.memory_space<vmem>>, vector<512x32xf32>,
    %get3A_100 = arith.constant 0 : index
    %get3A_101 = arith.constant 0 : index
    %get3A_102 = vector.load %arg11[%get3A_100, %get3A_101] : memref<512x32xf32, #tpu.memory_space<vmem>>, vector<512x32xf32>
    %mul3A_103 = arith.mulf %add3A_84, %get3A_102 : vector<512x32xf32>
    %iota3A_104 = tpu.iota {dimensions = array<i32: 0>} : vector<32x4xi32>
    %iota3A_105 = tpu.iota {dimensions = array<i32: 1>} : vector<32x4xi32>
    %jit3A_106 = arith.constant 8 : i32
    %div3A_107 = vector.broadcast %jit3A_106 : i32 to vector<32x4xi32>
    %div3A_108 = arith.divsi %iota3A_104, %div3A_107 : vector<32x4xi32>
    %sign3A_109 = arith.constant 0 : i32
    %sign3A_110 = vector.broadcast %sign3A_109 : i32 to vector<32x4xi32>
    %sign3A_111 = arith.cmpi sgt, %iota3A_104, %sign3A_110 : vector<32x4xi32>
    %sign3A_112 = arith.extui %sign3A_111 : vector<32x4xi1> to vector<32x4xi32>
    %sign3A_113 = arith.constant 0 : i32
    %sign3A_114 = vector.broadcast %sign3A_113 : i32 to vector<32x4xi32>
    %sign3A_115 = arith.cmpi slt, %iota3A_104, %sign3A_114 : vector<32x4xi32>
    %sign3A_116 = arith.extui %sign3A_115 : vector<32x4xi1> to vector<32x4xi32>
    %sign3A_117 = arith.subi %sign3A_112, %sign3A_116 : vector<32x4xi32>
    %sign3A_118 = arith.constant 0 : i32
    %sign3A_119 = arith.cmpi sgt, %jit3A_106, %sign3A_118 : i32
    %sign3A_120 = arith.extui %sign3A_119 : i1 to i32
    %sign3A_121 = arith.constant 0 : i32
    %sign3A_122 = arith.cmpi slt, %jit3A_106, %sign3A_121 : i32
    %sign3A_123 = arith.extui %sign3A_122 : i1 to i32
    %sign3A_124 = arith.subi %sign3A_120, %sign3A_123 : i32
    %ne3A_125 = vector.broadcast %sign3A_124 : i32 to vector<32x4xi32>
    %ne3A_126 = arith.cmpi ne, %sign3A_117, %ne3A_125 : vector<32x4xi32>
    %rem3A_127 = vector.broadcast %jit3A_106 : i32 to vector<32x4xi32>
    %rem3A_128 = arith.remsi %iota3A_104, %rem3A_127 : vector<32x4xi32>
    %ne3A_129 = arith.constant 0 : i32
    %ne3A_130 = vector.broadcast %ne3A_129 : i32 to vector<32x4xi32>
    %ne3A_131 = arith.cmpi ne, %rem3A_128, %ne3A_130 : vector<32x4xi32>
    %and3A_132 = arith.andi %ne3A_126, %ne3A_131 : vector<32x4xi1>
    %sub3A_133 = arith.constant 1 : i32
    %sub3A_134 = vector.broadcast %sub3A_133 : i32 to vector<32x4xi32>
    %sub3A_135 = arith.subi %div3A_108, %sub3A_134 : vector<32x4xi32>
    %select_n3A_136 = arith.select %and3A_132, %sub3A_135, %div3A_108 : vector<32x4xi1>, vector<32x4xi32>
    %eq3A_137 = arith.cmpi eq, %select_n3A_136, %iota3A_105 : vector<32x4xi32>
    %convert_element_type3A_138 = arith.extui %eq3A_137 : vector<32x4xi1> to vector<32x4xi32>
    %convert_element_type3A_139 = arith.sitofp %convert_element_type3A_138 : vector<32x4xi32> to vector<32x4xf32>
    %dot_general3A_140 = arith.constant dense<0.000000e+00> : vector<512x4xf32>
    %dot_general3A_141 = tpu.matmul %mul3A_103, %convert_element_type3A_139, %dot_general3A_140 {dimension_numbers = #tpu.dot_dimension_numbers<[1], [0], [0], [1], [0, 0, 1, 1], [], []>, transpose_lhs_hint = false} : vector<512x32xf32>, vector<32x4xf32>, vector<512x4xf32> -> vector<512x4xf32>
    %exp3A = math.exp %dot_general3A_141 : vector<512x4xf32>
    %iota3A_142 = tpu.iota {dimensions = array<i32: 0>} : vector<4x32xi32>
    %iota3A_143 = tpu.iota {dimensions = array<i32: 1>} : vector<4x32xi32>
    %jit3A_144 = arith.constant 8 : i32
    %div3A_145 = vector.broadcast %jit3A_144 : i32 to vector<4x32xi32>
    %div3A_146 = arith.divsi %iota3A_143, %div3A_145 : vector<4x32xi32>
    %sign3A_147 = arith.constant 0 : i32
    %sign3A_148 = vector.broadcast %sign3A_147 : i32 to vector<4x32xi32>
    %sign3A_149 = arith.cmpi sgt, %iota3A_143, %sign3A_148 : vector<4x32xi32>
    %sign3A_150 = arith.extui %sign3A_149 : vector<4x32xi1> to vector<4x32xi32>
    %sign3A_151 = arith.constant 0 : i32
    %sign3A_152 = vector.broadcast %sign3A_151 : i32 to vector<4x32xi32>
    %sign3A_153 = arith.cmpi slt, %iota3A_143, %sign3A_152 : vector<4x32xi32>
    %sign3A_154 = arith.extui %sign3A_153 : vector<4x32xi1> to vector<4x32xi32>
    %sign3A_155 = arith.subi %sign3A_150, %sign3A_154 : vector<4x32xi32>
    %sign3A_156 = arith.constant 0 : i32
    %sign3A_157 = arith.cmpi sgt, %jit3A_144, %sign3A_156 : i32
    %sign3A_158 = arith.extui %sign3A_157 : i1 to i32
    %sign3A_159 = arith.constant 0 : i32
    %sign3A_160 = arith.cmpi slt, %jit3A_144, %sign3A_159 : i32
    %sign3A_161 = arith.extui %sign3A_160 : i1 to i32
    %sign3A_162 = arith.subi %sign3A_158, %sign3A_161 : i32
    %ne3A_163 = vector.broadcast %sign3A_162 : i32 to vector<4x32xi32>
    %ne3A_164 = arith.cmpi ne, %sign3A_155, %ne3A_163 : vector<4x32xi32>
    %rem3A_165 = vector.broadcast %jit3A_144 : i32 to vector<4x32xi32>
    %rem3A_166 = arith.remsi %iota3A_143, %rem3A_165 : vector<4x32xi32>
    %ne3A_167 = arith.constant 0 : i32
    %ne3A_168 = vector.broadcast %ne3A_167 : i32 to vector<4x32xi32>
    %ne3A_169 = arith.cmpi ne, %rem3A_166, %ne3A_168 : vector<4x32xi32>
    %and3A_170 = arith.andi %ne3A_164, %ne3A_169 : vector<4x32xi1>
    %sub3A_171 = arith.constant 1 : i32
    %sub3A_172 = vector.broadcast %sub3A_171 : i32 to vector<4x32xi32>
    %sub3A_173 = arith.subi %div3A_146, %sub3A_172 : vector<4x32xi32>
    %select_n3A_174 = arith.select %and3A_170, %sub3A_173, %div3A_146 : vector<4x32xi1>, vector<4x32xi32>
    %eq3A_175 = arith.cmpi eq, %iota3A_142, %select_n3A_174 : vector<4x32xi32>
    %convert_element_type3A_176 = arith.extui %eq3A_175 : vector<4x32xi1> to vector<4x32xi32>
    %convert_element_type3A_177 = arith.sitofp %convert_element_type3A_176 : vector<4x32xi32> to vector<4x32xf32>
    %dot_general3A_178 = arith.constant dense<0.000000e+00> : vector<512x32xf32>
    %dot_general3A_179 = tpu.matmul %exp3A, %convert_element_type3A_177, %dot_general3A_178 {dimension_numbers = #tpu.dot_dimension_numbers<[1], [0], [0], [1], [0, 0, 1, 1], [], []>, transpose_lhs_hint = false} : vector<512x4xf32>, vector<4x32xf32>, vector<512x32xf32> -> vector<512x32xf32>
    %mul3A_180 = arith.mulf %add3A_94, %dot_general3A_179 : vector<512x32xf32>
    %broadcast_in_dim3A = arith.constant 0.000000e+00 : f32
    %broadcast_in_dim3A_181 = vector.broadcast %broadcast_in_dim3A : f32 to vector<512x12xf32>
    %concatenate3A = tpu.concatenate %mul3A_180, %exp3A, %broadcast_in_dim3A_181 in 1 : vector<512x32xf32>, vector<512x4xf32>, vector<512x12xf32> -> vector<512x48xf32>
    %iota3A_182 = tpu.iota {dimensions = array<i32: 0>} : vector<512x48xi32>
    %mul3A_183 = arith.constant 512 : i32
    %mul3A_184 = arith.muli %arg0, %mul3A_183 : i32
    %add3A_185 = vector.broadcast %mul3A_184 : i32 to vector<512x48xi32>
    %add3A_186 = arith.addi %iota3A_182, %add3A_185 : vector<512x48xi32>
    %lt3A_187 = arith.constant 20000 : i32
    %lt3A_188 = vector.broadcast %lt3A_187 : i32 to vector<512x48xi32>
    %lt3A_189 = arith.cmpi slt, %add3A_186, %lt3A_188 : vector<512x48xi32>
    %jit3A_190 = arith.constant 0.000000e+00 : f32
    %broadcast_in_dim3A_191 = vector.broadcast %jit3A_190 : f32 to vector<512x48xf32>
    %select_n3A_192 = arith.select %lt3A_189, %concatenate3A, %broadcast_in_dim3A_191 : vector<512x48xi1>, vector<512x48xf32>
    %swap3A_193 = arith.constant 0 : index
    %swap3A_194 = arith.constant 0 : index
    %swap3A_195 = vector.load %arg14[%swap3A_193, %swap3A_194] : memref<512x48xf32, #tpu.memory_space<vmem>>, vector<512x48xf32>
    tpu.vector_store %arg14[%swap3A_193, %swap3A_194], %select_n3A_192 {strides = array<i32>} : memref<512x48xf32, #tpu.memory_space<vmem>>, vector<512x48xf32>,
    %iota3A_196 = tpu.iota {dimensions = array<i32: 0>} : vector<512x4xi32>
    %mul3A_197 = arith.constant 512 : i32
    %mul3A_198 = arith.muli %arg0, %mul3A_197 : i32
    %add3A_199 = vector.broadcast %mul3A_198 : i32 to vector<512x4xi32>
    %add3A_200 = arith.addi %iota3A_196, %add3A_199 : vector<512x4xi32>
    %lt3A_201 = arith.constant 20000 : i32
    %lt3A_202 = vector.broadcast %lt3A_201 : i32 to vector<512x4xi32>
    %lt3A_203 = arith.cmpi slt, %add3A_200, %lt3A_202 : vector<512x4xi32>
    %jit3A_204 = arith.constant 0.000000e+00 : f32
    %broadcast_in_dim3A_205 = vector.broadcast %jit3A_204 : f32 to vector<512x4xf32>
    %select_n3A_206 = arith.select %lt3A_203, %exp3A, %broadcast_in_dim3A_205 : vector<512x4xi1>, vector<512x4xf32>
    %swap3A_207 = arith.constant 0 : index
    %swap3A_208 = arith.constant 0 : index
    %swap3A_209 = vector.load %arg15[%swap3A_207, %swap3A_208] : memref<512x4xf32, #tpu.memory_space<vmem>>, vector<512x4xf32>
    tpu.vector_store %arg15[%swap3A_207, %swap3A_208], %select_n3A_206 {strides = array<i32>} : memref<512x4xf32, #tpu.memory_space<vmem>>, vector<512x4xf32>,
    return
  }
  func.func @transform_0(%arg0: i32) -> (i32, i32) {
    %c0_i32 = arith.constant 0 : i32
    %c0_i32_0 = arith.constant 0 : i32
    return %arg0, %c0_i32 : i32, i32
  }
  func.func @transform_1(%arg0: i32) -> (i32, i32) {
    %c0_i32 = arith.constant 0 : i32
    %c0_i32_0 = arith.constant 0 : i32
    return %arg0, %c0_i32 : i32, i32
  }
  func.func @transform_2(%arg0: i32) -> (i32, i32) {
    %c0_i32 = arith.constant 0 : i32
    %c0_i32_0 = arith.constant 0 : i32
    return %arg0, %c0_i32 : i32, i32
  }
  func.func @transform_3(%arg0: i32) -> (i32, i32) {
    %c0_i32 = arith.constant 0 : i32
    %c0_i32_0 = arith.constant 0 : i32
    return %arg0, %c0_i32 : i32, i32
  }
  func.func @transform_4(%arg0: i32) -> (i32, i32) {
    %c0_i32 = arith.constant 0 : i32
    %c0_i32_0 = arith.constant 0 : i32
    return %arg0, %c0_i32 : i32, i32
  }
  func.func @transform_5(%arg0: i32) -> (i32, i32) {
    %c0_i32 = arith.constant 0 : i32
    %c0_i32_0 = arith.constant 0 : i32
    return %arg0, %c0_i32 : i32, i32
  }
  func.func @transform_6(%arg0: i32) -> (i32, i32) {
    %c0_i32 = arith.constant 0 : i32
    %c0_i32_0 = arith.constant 0 : i32
    return %arg0, %c0_i32 : i32, i32
  }
  func.func @transform_7(%arg0: i32) -> (i32, i32) {
    %c0_i32 = arith.constant 0 : i32
    %c0_i32_0 = arith.constant 0 : i32
    return %arg0, %c0_i32 : i32, i32
  }
  func.func @transform_8(%arg0: i32) -> (i32, i32) {
    %c0_i32 = arith.constant 0 : i32
    %c0_i32_0 = arith.constant 0 : i32
    return %arg0, %c0_i32 : i32, i32
  }
  func.func @transform_9(%arg0: i32) -> (i32, i32) {
    %c0_i32 = arith.constant 0 : i32
    %c0_i32_0 = arith.constant 0 : i32
    return %arg0, %c0_i32 : i32, i32
  }
  func.func @transform_10(%arg0: i32) -> (i32, i32) {
    %c0_i32 = arith.constant 0 : i32
    %c0_i32_0 = arith.constant 0 : i32
    return %arg0, %c0_i32 : i32, i32
  }
  func.func @transform_11(%arg0: i32) -> (i32, i32) {
    %c0_i32 = arith.constant 0 : i32
    %c0_i32_0 = arith.constant 0 : i32
    return %arg0, %c0_i32 : i32, i32
  }
  func.func @transform_12(%arg0: i32) -> (i32, i32) {
    %c0_i32 = arith.constant 0 : i32
    %c0_i32_0 = arith.constant 0 : i32
    return %arg0, %c0_i32 : i32, i32
  }
  func.func @transform_13(%arg0: i32) -> (i32, i32) {
    %c0_i32 = arith.constant 0 : i32
    %c0_i32_0 = arith.constant 0 : i32
    return %arg0, %c0_i32 : i32, i32
  }
  func.func @transform_14(%arg0: i32) -> (i32, i32) {
    %c0_i32 = arith.constant 0 : i32
    %c0_i32_0 = arith.constant 0 : i32
    return %arg0, %c0_i32 : i32, i32
  }
}

module attributes {stable_mosaic.version = 14 : i64} {
  func.func @_tc_node_body(%arg0: i32, %arg1: memref<2x400x48xf32, #tpu.memory_space<vmem>>, %arg2: memref<400x1024xf32, #tpu.memory_space<vmem>>, %arg3: memref<400x32xf32, #tpu.memory_space<vmem>>, %arg4: memref<400x32xf32, #tpu.memory_space<vmem>>, %arg5: memref<1x32xf32, #tpu.memory_space<vmem>>, %arg6: memref<1x32xf32, #tpu.memory_space<vmem>>, %arg7: memref<400x32xf32, #tpu.memory_space<vmem>>, %arg8: memref<400x4xf32, #tpu.memory_space<vmem>>) attributes {dimension_semantics = [#tpu.dimension_semantics<arbitrary>], iteration_bounds = array<i64: 25>, scalar_prefetch = 0 : i64, scratch_operands = 0 : i64, tpu.core_type = #tpu.core_type<tc>, window_params = [{transform_indices = @transform_0, window_bounds = array<i64: 2, 400, 48>}, {transform_indices = @transform_1, window_bounds = array<i64: 400, 1024>}, {transform_indices = @transform_2, window_bounds = array<i64: 400, 32>}, {transform_indices = @transform_3, window_bounds = array<i64: 400, 32>}, {pipeline_mode = #tpu.pipeline_mode<synchronous>, transform_indices = @transform_4, window_bounds = array<i64: 1, 32>}, {pipeline_mode = #tpu.pipeline_mode<synchronous>, transform_indices = @transform_5, window_bounds = array<i64: 1, 32>}, {transform_indices = @transform_6, window_bounds = array<i64: 400, 32>}, {transform_indices = @transform_7, window_bounds = array<i64: 400, 4>}]} {
    %get3A = arith.constant 0 : index
    %get3A_0 = arith.constant 0 : index
    %get3A_1 = arith.constant 0 : index
    %get3A_2 = vector.load %arg1[%get3A, %get3A_0, %get3A_1] : memref<2x400x48xf32, #tpu.memory_space<vmem>>, vector<1x400x48xf32>
    %get3A_3 = vector.shape_cast %get3A_2 : vector<1x400x48xf32> to vector<400x48xf32>
    %get3A_4 = arith.constant 1 : index
    %get3A_5 = arith.constant 0 : index
    %get3A_6 = arith.constant 0 : index
    %get3A_7 = vector.load %arg1[%get3A_4, %get3A_5, %get3A_6] : memref<2x400x48xf32, #tpu.memory_space<vmem>>, vector<1x400x48xf32>
    %get3A_8 = vector.shape_cast %get3A_7 : vector<1x400x48xf32> to vector<400x48xf32>
    %add3A = arith.addf %get3A_3, %get3A_8 : vector<400x48xf32>
    %slice3A = vector.extract_strided_slice %add3A {offsets = [0, 0], sizes = [400, 32], strides = [1, 1]} : vector<400x48xf32> to vector<400x32xf32>
    %slice3A_9 = vector.extract_strided_slice %add3A {offsets = [0, 32], sizes = [400, 4], strides = [1, 1]} : vector<400x48xf32> to vector<400x4xf32>
    %swap3A = arith.constant 0 : index
    %swap3A_10 = arith.constant 0 : index
    %swap3A_11 = vector.load %arg8[%swap3A, %swap3A_10] : memref<400x4xf32, #tpu.memory_space<vmem>>, vector<400x4xf32>
    tpu.vector_store %arg8[%swap3A, %swap3A_10], %slice3A_9 {strides = array<i32>} : memref<400x4xf32, #tpu.memory_space<vmem>>, vector<400x4xf32>,
    %gt3A = arith.constant 0.000000e+00 : f32
    %gt3A_12 = vector.broadcast %gt3A : f32 to vector<400x4xf32>
    %gt3A_13 = arith.cmpf ogt, %slice3A_9, %gt3A_12 : vector<400x4xf32>
    %div3A = arith.constant 1.000000e+00 : f32
    %div3A_14 = vector.broadcast %div3A : f32 to vector<400x4xf32>
    %div3A_15 = arith.divf %div3A_14, %slice3A_9 : vector<400x4xf32>
    %jit3A = arith.constant 0.000000e+00 : f32
    %broadcast_in_dim3A = vector.broadcast %jit3A : f32 to vector<400x4xf32>
    %select_n3A = arith.select %gt3A_13, %div3A_15, %broadcast_in_dim3A : vector<400x4xi1>, vector<400x4xf32>
    %iota3A = tpu.iota {dimensions = array<i32: 0>} : vector<4x32xi32>
    %iota3A_16 = tpu.iota {dimensions = array<i32: 1>} : vector<4x32xi32>
    %jit3A_17 = arith.constant 8 : i32
    %div3A_18 = vector.broadcast %jit3A_17 : i32 to vector<4x32xi32>
    %div3A_19 = arith.divsi %iota3A_16, %div3A_18 : vector<4x32xi32>
    %sign3A = arith.constant 0 : i32
    %sign3A_20 = vector.broadcast %sign3A : i32 to vector<4x32xi32>
    %sign3A_21 = arith.cmpi sgt, %iota3A_16, %sign3A_20 : vector<4x32xi32>
    %sign3A_22 = arith.extui %sign3A_21 : vector<4x32xi1> to vector<4x32xi32>
    %sign3A_23 = arith.constant 0 : i32
    %sign3A_24 = vector.broadcast %sign3A_23 : i32 to vector<4x32xi32>
    %sign3A_25 = arith.cmpi slt, %iota3A_16, %sign3A_24 : vector<4x32xi32>
    %sign3A_26 = arith.extui %sign3A_25 : vector<4x32xi1> to vector<4x32xi32>
    %sign3A_27 = arith.subi %sign3A_22, %sign3A_26 : vector<4x32xi32>
    %sign3A_28 = arith.constant 0 : i32
    %sign3A_29 = arith.cmpi sgt, %jit3A_17, %sign3A_28 : i32
    %sign3A_30 = arith.extui %sign3A_29 : i1 to i32
    %sign3A_31 = arith.constant 0 : i32
    %sign3A_32 = arith.cmpi slt, %jit3A_17, %sign3A_31 : i32
    %sign3A_33 = arith.extui %sign3A_32 : i1 to i32
    %sign3A_34 = arith.subi %sign3A_30, %sign3A_33 : i32
    %ne3A = vector.broadcast %sign3A_34 : i32 to vector<4x32xi32>
    %ne3A_35 = arith.cmpi ne, %sign3A_27, %ne3A : vector<4x32xi32>
    %rem3A = vector.broadcast %jit3A_17 : i32 to vector<4x32xi32>
    %rem3A_36 = arith.remsi %iota3A_16, %rem3A : vector<4x32xi32>
    %ne3A_37 = arith.constant 0 : i32
    %ne3A_38 = vector.broadcast %ne3A_37 : i32 to vector<4x32xi32>
    %ne3A_39 = arith.cmpi ne, %rem3A_36, %ne3A_38 : vector<4x32xi32>
    %and3A = arith.andi %ne3A_35, %ne3A_39 : vector<4x32xi1>
    %sub3A = arith.constant 1 : i32
    %sub3A_40 = vector.broadcast %sub3A : i32 to vector<4x32xi32>
    %sub3A_41 = arith.subi %div3A_19, %sub3A_40 : vector<4x32xi32>
    %select_n3A_42 = arith.select %and3A, %sub3A_41, %div3A_19 : vector<4x32xi1>, vector<4x32xi32>
    %eq3A = arith.cmpi eq, %iota3A, %select_n3A_42 : vector<4x32xi32>
    %convert_element_type3A = arith.extui %eq3A : vector<4x32xi1> to vector<4x32xi32>
    %convert_element_type3A_43 = arith.sitofp %convert_element_type3A : vector<4x32xi32> to vector<4x32xf32>
    %dot_general3A = arith.constant dense<0.000000e+00> : vector<400x32xf32>
    %dot_general3A_44 = tpu.matmul %select_n3A, %convert_element_type3A_43, %dot_general3A {dimension_numbers = #tpu.dot_dimension_numbers<[1], [0], [0], [1], [0, 0, 1, 1], [], []>, transpose_lhs_hint = false} : vector<400x4xf32>, vector<4x32xf32>, vector<400x32xf32> -> vector<400x32xf32>
    %mul3A = arith.mulf %slice3A, %dot_general3A_44 : vector<400x32xf32>
    %iota3A_45 = tpu.iota {dimensions = array<i32: 0>} : vector<32x1024xi32>
    %iota3A_46 = tpu.iota {dimensions = array<i32: 1>} : vector<32x1024xi32>
    %jit3A_47 = arith.constant 32 : i32
    %eq3A_48 = arith.constant 0 : i32
    %eq3A_49 = arith.cmpi eq, %jit3A_47, %eq3A_48 : i32
    %jit3A_50 = arith.constant 1 : i32
    %select_n3A_51 = arith.select %eq3A_49, %jit3A_50, %jit3A_47 : i32
    %rem3A_52 = vector.broadcast %select_n3A_51 : i32 to vector<32x1024xi32>
    %rem3A_53 = arith.remsi %iota3A_46, %rem3A_52 : vector<32x1024xi32>
    %ne3A_54 = arith.constant 0 : i32
    %ne3A_55 = vector.broadcast %ne3A_54 : i32 to vector<32x1024xi32>
    %ne3A_56 = arith.cmpi ne, %rem3A_53, %ne3A_55 : vector<32x1024xi32>
    %lt3A = arith.constant 0 : i32
    %lt3A_57 = vector.broadcast %lt3A : i32 to vector<32x1024xi32>
    %lt3A_58 = arith.cmpi slt, %rem3A_53, %lt3A_57 : vector<32x1024xi32>
    %lt3A_59 = arith.constant 0 : i32
    %lt3A_60 = arith.cmpi slt, %select_n3A_51, %lt3A_59 : i32
    %ne3A_61 = vector.broadcast %lt3A_60 : i1 to vector<32x1024xi1>
    %ne3A_62 = vector.broadcast %ne3A_61 : vector<32x1024xi1> to vector<32x1024xi1>
    %ne3A_63 = arith.xori %lt3A_58, %ne3A_62 : vector<32x1024xi1>
    %and3A_64 = arith.andi %ne3A_63, %ne3A_56 : vector<32x1024xi1>
    %add3A_65 = vector.broadcast %select_n3A_51 : i32 to vector<32x1024xi32>
    %add3A_66 = arith.addi %rem3A_53, %add3A_65 : vector<32x1024xi32>
    %select_n3A_67 = arith.select %and3A_64, %add3A_66, %rem3A_53 : vector<32x1024xi1>, vector<32x1024xi32>
    %eq3A_68 = arith.cmpi eq, %select_n3A_67, %iota3A_45 : vector<32x1024xi32>
    %convert_element_type3A_69 = arith.extui %eq3A_68 : vector<32x1024xi1> to vector<32x1024xi32>
    %convert_element_type3A_70 = arith.sitofp %convert_element_type3A_69 : vector<32x1024xi32> to vector<32x1024xf32>
    %dot_general3A_71 = arith.constant dense<0.000000e+00> : vector<400x1024xf32>
    %dot_general3A_72 = tpu.matmul %mul3A, %convert_element_type3A_70, %dot_general3A_71 {dimension_numbers = #tpu.dot_dimension_numbers<[1], [0], [0], [1], [0, 0, 1, 1], [], []>, transpose_lhs_hint = false} : vector<400x32xf32>, vector<32x1024xf32>, vector<400x1024xf32> -> vector<400x1024xf32>
    %get3A_73 = arith.constant 0 : index
    %get3A_74 = arith.constant 0 : index
    %get3A_75 = vector.load %arg2[%get3A_73, %get3A_74] : memref<400x1024xf32, #tpu.memory_space<vmem>>, vector<400x1024xf32>
    %mul3A_76 = arith.mulf %get3A_75, %dot_general3A_72 : vector<400x1024xf32>
    %iota3A_77 = tpu.iota {dimensions = array<i32: 0>} : vector<1024x32xi32>
    %iota3A_78 = tpu.iota {dimensions = array<i32: 1>} : vector<1024x32xi32>
    %jit3A_79 = arith.constant 32 : i32
    %div3A_80 = vector.broadcast %jit3A_79 : i32 to vector<1024x32xi32>
    %div3A_81 = arith.divsi %iota3A_77, %div3A_80 : vector<1024x32xi32>
    %sign3A_82 = arith.constant 0 : i32
    %sign3A_83 = vector.broadcast %sign3A_82 : i32 to vector<1024x32xi32>
    %sign3A_84 = arith.cmpi sgt, %iota3A_77, %sign3A_83 : vector<1024x32xi32>
    %sign3A_85 = arith.extui %sign3A_84 : vector<1024x32xi1> to vector<1024x32xi32>
    %sign3A_86 = arith.constant 0 : i32
    %sign3A_87 = vector.broadcast %sign3A_86 : i32 to vector<1024x32xi32>
    %sign3A_88 = arith.cmpi slt, %iota3A_77, %sign3A_87 : vector<1024x32xi32>
    %sign3A_89 = arith.extui %sign3A_88 : vector<1024x32xi1> to vector<1024x32xi32>
    %sign3A_90 = arith.subi %sign3A_85, %sign3A_89 : vector<1024x32xi32>
    %sign3A_91 = arith.constant 0 : i32
    %sign3A_92 = arith.cmpi sgt, %jit3A_79, %sign3A_91 : i32
    %sign3A_93 = arith.extui %sign3A_92 : i1 to i32
    %sign3A_94 = arith.constant 0 : i32
    %sign3A_95 = arith.cmpi slt, %jit3A_79, %sign3A_94 : i32
    %sign3A_96 = arith.extui %sign3A_95 : i1 to i32
    %sign3A_97 = arith.subi %sign3A_93, %sign3A_96 : i32
    %ne3A_98 = vector.broadcast %sign3A_97 : i32 to vector<1024x32xi32>
    %ne3A_99 = arith.cmpi ne, %sign3A_90, %ne3A_98 : vector<1024x32xi32>
    %rem3A_100 = vector.broadcast %jit3A_79 : i32 to vector<1024x32xi32>
    %rem3A_101 = arith.remsi %iota3A_77, %rem3A_100 : vector<1024x32xi32>
    %ne3A_102 = arith.constant 0 : i32
    %ne3A_103 = vector.broadcast %ne3A_102 : i32 to vector<1024x32xi32>
    %ne3A_104 = arith.cmpi ne, %rem3A_101, %ne3A_103 : vector<1024x32xi32>
    %and3A_105 = arith.andi %ne3A_99, %ne3A_104 : vector<1024x32xi1>
    %sub3A_106 = arith.constant 1 : i32
    %sub3A_107 = vector.broadcast %sub3A_106 : i32 to vector<1024x32xi32>
    %sub3A_108 = arith.subi %div3A_81, %sub3A_107 : vector<1024x32xi32>
    %select_n3A_109 = arith.select %and3A_105, %sub3A_108, %div3A_81 : vector<1024x32xi1>, vector<1024x32xi32>
    %eq3A_110 = arith.cmpi eq, %select_n3A_109, %iota3A_78 : vector<1024x32xi32>
    %convert_element_type3A_111 = arith.extui %eq3A_110 : vector<1024x32xi1> to vector<1024x32xi32>
    %convert_element_type3A_112 = arith.sitofp %convert_element_type3A_111 : vector<1024x32xi32> to vector<1024x32xf32>
    %dot_general3A_113 = arith.constant dense<0.000000e+00> : vector<400x32xf32>
    %dot_general3A_114 = tpu.matmul %mul3A_76, %convert_element_type3A_112, %dot_general3A_113 {dimension_numbers = #tpu.dot_dimension_numbers<[1], [0], [0], [1], [0, 0, 1, 1], [], []>, transpose_lhs_hint = false} : vector<400x1024xf32>, vector<1024x32xf32>, vector<400x32xf32> -> vector<400x32xf32>
    %get3A_115 = arith.constant 0 : index
    %get3A_116 = arith.constant 0 : index
    %get3A_117 = vector.load %arg3[%get3A_115, %get3A_116] : memref<400x32xf32, #tpu.memory_space<vmem>>, vector<400x32xf32>
    %add3A_118 = arith.addf %dot_general3A_114, %get3A_117 : vector<400x32xf32>
    %max3A = arith.constant 0.000000e+00 : f32
    %max3A_119 = vector.broadcast %max3A : f32 to vector<400x32xf32>
    %max3A_120 = arith.maximumf %add3A_118, %max3A_119 : vector<400x32xf32>
    %get3A_121 = arith.constant 0 : index
    %get3A_122 = arith.constant 0 : index
    %get3A_123 = vector.load %arg4[%get3A_121, %get3A_122] : memref<400x32xf32, #tpu.memory_space<vmem>>, vector<400x32xf32>
    %add3A_124 = arith.addf %max3A_120, %get3A_123 : vector<400x32xf32>
    %reduce_sum3A = arith.constant dense<0.000000e+00> : vector<400xf32>
    %reduce_sum3A_125 = vector.multi_reduction <add>, %add3A_124, %reduce_sum3A [1] : vector<400x32xf32> to vector<400xf32>
    %broadcast_in_dim3A_126 = vector.shape_cast %reduce_sum3A_125 : vector<400xf32> to vector<400x1xf32>
    %div3A_127 = arith.constant 3.200000e+01 : f32
    %div3A_128 = vector.broadcast %div3A_127 : f32 to vector<400x1xf32>
    %div3A_129 = arith.divf %broadcast_in_dim3A_126, %div3A_128 : vector<400x1xf32>
    %sub3A_130 = vector.broadcast %div3A_129 : vector<400x1xf32> to vector<400x32xf32>
    %sub3A_131 = arith.subf %add3A_124, %sub3A_130 : vector<400x32xf32>
    %integer_pow3A = arith.mulf %sub3A_131, %sub3A_131 : vector<400x32xf32>
    %reduce_sum3A_132 = arith.constant dense<0.000000e+00> : vector<400xf32>
    %reduce_sum3A_133 = vector.multi_reduction <add>, %integer_pow3A, %reduce_sum3A_132 [1] : vector<400x32xf32> to vector<400xf32>
    %broadcast_in_dim3A_134 = vector.shape_cast %reduce_sum3A_133 : vector<400xf32> to vector<400x1xf32>
    %div3A_135 = arith.constant 3.200000e+01 : f32
    %div3A_136 = vector.broadcast %div3A_135 : f32 to vector<400x1xf32>
    %div3A_137 = arith.divf %broadcast_in_dim3A_134, %div3A_136 : vector<400x1xf32>
    %sub3A_138 = vector.broadcast %div3A_129 : vector<400x1xf32> to vector<400x32xf32>
    %sub3A_139 = arith.subf %add3A_124, %sub3A_138 : vector<400x32xf32>
    %add3A_140 = arith.constant 9.99999974E-6 : f32
    %add3A_141 = vector.broadcast %add3A_140 : f32 to vector<400x1xf32>
    %add3A_142 = arith.addf %div3A_137, %add3A_141 : vector<400x1xf32>
    %sqrt3A = math.sqrt %add3A_142 : vector<400x1xf32>
    %div3A_143 = vector.broadcast %sqrt3A : vector<400x1xf32> to vector<400x32xf32>
    %div3A_144 = arith.divf %sub3A_139, %div3A_143 : vector<400x32xf32>
    %get3A_145 = arith.constant 0 : index
    %get3A_146 = arith.constant 0 : index
    %get3A_147 = vector.load %arg5[%get3A_145, %get3A_146] : memref<1x32xf32, #tpu.memory_space<vmem>>, vector<1x32xf32>
    %mul3A_148 = vector.broadcast %get3A_147 : vector<1x32xf32> to vector<400x32xf32>
    %mul3A_149 = arith.mulf %div3A_144, %mul3A_148 : vector<400x32xf32>
    %get3A_150 = arith.constant 0 : index
    %get3A_151 = arith.constant 0 : index
    %get3A_152 = vector.load %arg6[%get3A_150, %get3A_151] : memref<1x32xf32, #tpu.memory_space<vmem>>, vector<1x32xf32>
    %add3A_153 = vector.broadcast %get3A_152 : vector<1x32xf32> to vector<400x32xf32>
    %add3A_154 = arith.addf %mul3A_149, %add3A_153 : vector<400x32xf32>
    %swap3A_155 = arith.constant 0 : index
    %swap3A_156 = arith.constant 0 : index
    %swap3A_157 = vector.load %arg7[%swap3A_155, %swap3A_156] : memref<400x32xf32, #tpu.memory_space<vmem>>, vector<400x32xf32>
    tpu.vector_store %arg7[%swap3A_155, %swap3A_156], %add3A_154 {strides = array<i32>} : memref<400x32xf32, #tpu.memory_space<vmem>>, vector<400x32xf32>,
    return
  }
  func.func @transform_0(%arg0: i32) -> (i32, i32, i32) {
    %c0_i32 = arith.constant 0 : i32
    %c0_i32_0 = arith.constant 0 : i32
    %c0_i32_1 = arith.constant 0 : i32
    return %c0_i32, %arg0, %c0_i32_0 : i32, i32, i32
  }
  func.func @transform_1(%arg0: i32) -> (i32, i32) {
    %c0_i32 = arith.constant 0 : i32
    %c0_i32_0 = arith.constant 0 : i32
    return %arg0, %c0_i32 : i32, i32
  }
  func.func @transform_2(%arg0: i32) -> (i32, i32) {
    %c0_i32 = arith.constant 0 : i32
    %c0_i32_0 = arith.constant 0 : i32
    return %arg0, %c0_i32 : i32, i32
  }
  func.func @transform_3(%arg0: i32) -> (i32, i32) {
    %c0_i32 = arith.constant 0 : i32
    %c0_i32_0 = arith.constant 0 : i32
    return %arg0, %c0_i32 : i32, i32
  }
  func.func @transform_4(%arg0: i32) -> (i32, i32) {
    %c0_i32 = arith.constant 0 : i32
    %c0_i32_0 = arith.constant 0 : i32
    %c0_i32_1 = arith.constant 0 : i32
    return %c0_i32, %c0_i32_0 : i32, i32
  }
  func.func @transform_5(%arg0: i32) -> (i32, i32) {
    %c0_i32 = arith.constant 0 : i32
    %c0_i32_0 = arith.constant 0 : i32
    %c0_i32_1 = arith.constant 0 : i32
    return %c0_i32, %c0_i32_0 : i32, i32
  }
  func.func @transform_6(%arg0: i32) -> (i32, i32) {
    %c0_i32 = arith.constant 0 : i32
    %c0_i32_0 = arith.constant 0 : i32
    return %arg0, %c0_i32 : i32, i32
  }
  func.func @transform_7(%arg0: i32) -> (i32, i32) {
    %c0_i32 = arith.constant 0 : i32
    %c0_i32_0 = arith.constant 0 : i32
    return %arg0, %c0_i32 : i32, i32
  }
}

</mosaic_0001>

<sc_bundles>
// kernel: kernel.10.cloned.1.call-start
scs
__scs_entry_jumppad:
0x0: {  	(pc) =	sbr.rel $0x88, $3  }
0x1: {  	(tag) =	ssettag $0x0;
	lr =	simm.s32 $0x1  }
0x2: {  	[smem:$0x3F92] =	sst lr;
	_ =	strace $0xD0000000  }
0x3: {  	_ = 	snop  }
0x4: {  	_ = 	snop  }
0x5: {  	_ = 	snop  }
0x6: {  	_ = 	snop  }
0x7: {  	_ = 	snop  }
__scs_overlays_trampoline_lowered:
0x8: {  	[smem:$0x3FA1] =	sst s0  }
0x9: {  	[smem:$0x3FA2] =	sst s1  }
0xa: {  	[smem:$0x3FA3] =	sst s2  }
0xb: {  	[smem:$0x3FA4] =	sst s3  }
0xc: {  	[smem:$0x3FA5] =	sst s4  }
0xd: {  	[smem:$0x3FA6] =	sst s5  }
0xe: {  	[smem:$0x3FA7] =	sst s6  }
0xf: {  	[smem:$0x3FA8] =	sst s7  }
0x10: {  	[smem:$0x3FA9] =	sst s8  }
0x11: {  	[smem:$0x3FAA] =	sst s9;
	s0 =	simm.s32 @!p0 $0x0  }
0x12: {  	s1 =	sld [smem:$0x3F90];
	s0 =	simm.s32 @p0 $0x1  }
0x13: {  	[smem:$0x3FAB] =	sst s0;
	s0 =	simm.s32 @!p1 $0x0  }
0x14: {  	s2 =	sld [smem:$0x3F8F];
	s0 =	simm.s32 @p1 $0x1  }
0x15: {  	[smem:$0x3FAC] =	sst s0;
	s0 =	simm.s32 @!p2 $0x0  }
0x16: {  	s3 =	sld [smem:$0x3FDB];
	s0 =	simm.s32 @p2 $0x1  }
0x17: {  	s4 =	simm.s32 $0x1BF5;
	[smem:$0x3FAE] =	sst s0  }
0x18: {  	s0 =	sld [smem:$0x3F91];
	_ =	swait.ge [sflag:s4], $0x0  }
0x19: {  	s7 =	sld [smem:$0x3F92]  }
0x1a: {  	s8 =	sadd.s32 $0xFFFFE003, lr  }
0x1b: {  	s9 =	sadd.s32 $0xFFFFFEF7, lr;
	s5 =	simm.s32 $0xFFFFFFFF;
	p2 =	slt.u32 s8, $0xFFFFF086  }
0x1c: {  	p1 =	slt.u32 s9, $0xF7A;
	s5 =	simm.s32 @!p2 $0x0  }
0x1d: {  	s5 =	simm.s32 @p1 $0x1;
	p0 =	seq.s32 s7, s2  }
0x1e: {  	s7 =	smul.u32 @!p0 $0xF7A, s2;
	p2 =	seq.s32 @!p0 s5, $0x0  }
0x1f: {  	s9 =	smul.u32 $0xF7A, s1;
	s8 =	simm.s32 @!p0 $0x1BF5;
	p2 =	por !p2, p0  }
0x20: {  	[sflag:s8] =	ssyncset.s32 @!p0 $0xFFFFF086;
	s6 =	sadd.s32 @!p0 s3, s7;
	s7 =	simm.s32 @!p0 $0x108  }
0x21: {  	s3 =	sadd.s32 s3, s9;
	s6 =	sadd.s32 @!p0 $0x88, s6;
	s7 =	simm.s32 @p2 $0x1082  }
0x22: {  	[simem:s7], [sflag:s8] =	dma.local @!p0 [hbm:s6], $0xF7A  }
0x23: {  	s9 =	sor.u32 $0xD0000000, s2;
	s6 =	simm.s32 $0x108;
	_ =	swait.ge @!p0 [sflag:s8], $0x0  }
0x24: {  	s3 =	sadd.s32 $0x88, s3;
	s6 =	simm.s32 @!p1 $0x1082;
	[sflag:s4] =	ssyncset.s32 $0xFFFFF086  }
0x25: {  	[simem:s6], [sflag:s4] =	dma.local [hbm:s3], $0xF7A  }
0x26: {  	[smem:$0x3F92] =	sst s1;
	(tag) =	ssettag s2;
	_ =	strace s9  }
0x27: {  	s1 =	sld [smem:$0x3FA2]  }
0x28: {  	s2 =	sld [smem:$0x3FA3]  }
0x29: {  	s4 =	sld [smem:$0x3FA5]  }
0x2a: {  	p0 =	seq.s32 s5, $0x0;
	s5 =	sld [smem:$0x3FA6]  }
0x2b: {  	s6 =	sld [smem:$0x3FA7]  }
0x2c: {  	s7 =	sld [smem:$0x3FA8]  }
0x2d: {  	s3 =	simm.s32 $0x108;
	s8 =	sld [smem:$0x3FA9]  }
0x2e: {  	s3 =	simm.s32 @!p0 $0x1082;
	s9 =	sld [smem:$0x3FAA]  }
0x2f: {  	lr =	sadd.s32 s0, s3;
	s0 =	sld [smem:$0x3FA1]  }
0x30: {  	s3 =	sld [smem:$0x3FA4]  }
0x31: {  	[smem:$0x3FAD] =	sst s10  }
0x32: {  	s10 =	sld [smem:$0x3FAB];
	_ =	sdelay $0x3  }
0x33: {  	p0 =	seq.s32 s10, $0x1;
	s10 =	sld [smem:$0x3FAD];
	_ =	sdelay $0x3  }
0x34: {  	[smem:$0x3FAD] =	sst s10  }
0x35: {  	s10 =	sld [smem:$0x3FAC];
	_ =	sdelay $0x3  }
0x36: {  	p1 =	seq.s32 s10, $0x1;
	s10 =	sld [smem:$0x3FAD];
	_ =	sdelay $0x3  }
0x37: {  	[smem:$0x3FAD] =	sst s10  }
0x38: {  	s10 =	sld [smem:$0x3FAE]  }
0x39: {  	_ = 	snop;
	(pc) =	sbr.ind lr, $3  }
0x3a: {  	_ = 	snop  }
0x3b: {  	_ = 	snop  }
0x3c: {  	p2 =	seq.s32 s10, $0x1;
	s10 =	sld [smem:$0x3FAD]  }
0x3d: {  	_ =	shalt  }
0x3e: {  	_ =	shalt  }
0x3f: {  	_ =	shalt  }
0x40: {  	_ =	shalt  }
0x41: {  	_ =	shalt  }
0x42: {  	_ =	shalt  }
0x43: {  	_ =	shalt  }
0x44: {  	_ =	shalt  }
0x45: {  	_ =	shalt  }
0x46: {  	_ =	shalt  }
0x47: {  	_ =	shalt  }
0x48: {  	_ =	shalt  }
0x49: {  	_ =	shalt  }
0x4a: {  	_ =	shalt  }
0x4b: {  	_ =	shalt  }
0x4c: {  	_ =	shalt  }
0x4d: {  	_ =	shalt  }
0x4e: {  	_ =	shalt  }
0x4f: {  	_ =	shalt  }
0x50: {  	_ =	shalt  }
0x51: {  	_ =	shalt  }
0x52: {  	_ =	shalt  }
0x53: {  	_ =	shalt  }
0x54: {  	_ =	shalt  }
0x55: {  	_ =	shalt  }
0x56: {  	_ =	shalt  }
0x57: {  	_ =	shalt  }
0x58: {  	_ =	shalt  }
0x59: {  	_ =	shalt  }
0x5a: {  	_ =	shalt  }
0x5b: {  	_ =	shalt  }
0x5c: {  	_ =	shalt  }
0x5d: {  	_ =	shalt  }
0x5e: {  	_ =	shalt  }
0x5f: {  	_ =	shalt  }
0x60: {  	_ =	shalt  }
0x61: {  	_ =	shalt  }
0x62: {  	_ =	shalt  }
0x63: {  	_ =	shalt  }
0x64: {  	_ =	shalt  }
0x65: {  	_ =	shalt  }
0x66: {  	_ =	shalt  }
0x67: {  	_ =	shalt  }
0x68: {  	_ =	shalt  }
0x69: {  	_ =	shalt  }
0x6a: {  	_ =	shalt  }
0x6b: {  	_ =	shalt  }
0x6c: {  	_ =	shalt  }
0x6d: {  	_ =	shalt  }
0x6e: {  	_ =	shalt  }
0x6f: {  	_ =	shalt  }
0x70: {  	_ =	shalt  }
0x71: {  	_ =	shalt  }
0x72: {  	_ =	shalt  }
0x73: {  	_ =	shalt  }
0x74: {  	_ =	shalt  }
0x75: {  	_ =	shalt  }
0x76: {  	_ =	shalt  }
0x77: {  	_ =	shalt  }
0x78: {  	_ =	shalt  }
0x79: {  	_ =	shalt  }
0x7a: {  	_ =	shalt  }
0x7b: {  	_ =	shalt  }
0x7c: {  	_ =	shalt  }
0x7d: {  	_ =	shalt  }
0x7e: {  	_ =	shalt  }
0x7f: {  	_ =	shalt  }
0x80: {  	_ =	shalt  }
0x81: {  	_ =	shalt  }
0x82: {  	_ =	shalt  }
0x83: {  	_ =	shalt  }
0x84: {  	_ =	shalt  }
0x85: {  	_ =	shalt  }
0x86: {  	_ =	shalt  }
0x87: {  	_ =	shalt  }
.Lfunc_end0:
.L_simem_size_0:
called_computation.1_lowered:
.L_overlay_start_0:
0x88: {  	s2 =	sld [smem:$0x3FD9]  }
0x89: {  	s3 =	sld [smem:$0x3FFE];
	_ =	sdelay $0x1  }
0x8a: {  	s1 =	srdreg.scid  }
0x8b: {  	s0 =	sand.u32 $0x1, s1  }
0x8c: {  	s14 =	sshll.u32 s0, $0xA;
	s2 =	sadd.s32 s3, s2  }
0x8d: {  	s2 =	sadd.s32 s2, s14  }
0x8e: {  	[smem:$0x3FB9] =	sst s2  }
0x8f: {  	_ = 	snop  }
0x90: {  	s2 =	sld [smem:$0x3FD0];
	_ =	sdelay $0x2  }
0x91: {  	s15 =	simm.s32 $0xA;
	s4 =	simm.s32 $0x10  }
0x92: {  	[smem:s4], [sflag:s15] =	dma.local [hbm:s2], $0x1  }
0x93: {  	_ =	swait.eq [sflag:s15], $0x1  }
0x94: {  	[sflag:s15] =	ssyncset.done $0x0  }
0x95: {  	[sflag:s15] =	ssyncadd.s32 $0xFFFFFFFF  }
0x96: {  	s16 =	sld [smem:$0x12];
	(tm) =	ssettm $0x1  }
0x97: {  	s17 =	sld [smem:$0x3FFB];
	_ =	sdelay $0x3  }
0x98: {  	_ =	strace s17  }
0x99: {  	s3 =	sld [smem:$0x3FFC];
	_ =	sdelay $0x3  }
0x9a: {  	_ =	strace s3  }
0x9b: {  	s3 =	sld [smem:$0x3FFD];
	_ =	sdelay $0x3  }
0x9c: {  	_ =	strace s3  }
0x9d: {  	_ =	strace $0x8FFFFFFF  }
0x9e: {  	s18 =	sld [smem:$0x3FDB];
	_ =	sdelay $0x1  }
0x9f: {  	s19 =	simm.s32 $_scs_section_size  }
0xa0: {  	s5 =	simm.s32 $_size__tile_overlayer_lowered;
	s6 =	simm.s32 $_tile_overlayer_lowered  }
0xa1: {  	s22 =	simm.s32 $0x1BFF;
	s21 =	sshll.u32 s6, $0x1;
	s3 =	sadd.s32 s19, s18  }
0xa2: {  	s7 =	simm.s32 $0x0;
	s20 =	sshll.u32 s5, $0x1;
	s5 =	sadd.s32 s21, s3  }
0xa3: {  	[timem:s7], [sflag:s22] =	dma.local [hbm:s5], s20  }
0xa4: {  	_ =	swait.ge [sflag:s22], s20  }
0xa5: {  	s4 =	ssub.s32 $0x0, s20;
	[sflag:s22] =	ssyncset.done $0x0  }
0xa6: {  	[sflag:s22] =	ssyncadd.s32 s4;
	_ =	sdelay $0x1  }
0xa7: {  	s23 =	simm.s32 $0x1B8B  }
0xa8: {  	_ =	swait.ge [sflag:s23], $0x1  }
0xa9: {  	[sflag:s23] =	ssyncset.done $0x0  }
0xaa: {  	s25 =	simm.s32 $0x1B8E;
	s24 =	sld [smem:$0x3FFE];
	[sflag:s23] =	ssyncadd.s32 $0xFFFFFFFF  }
0xab: {  	s26 =	simm.s32 $execute0_lowered;
	[smem:$0x3FD2] =	sst s25  }
0xac: {  	s5 =	sshll.u32 s26, $0x1;
	_ =	strace $0x80000049;
	[dreg:$0x1] =	wrdreg $0xFFFFFFFF  }
0xad: {  	s28 =	simm.s32 $_size_execute0_lowered;
	s3 =	sadd.s32 s3, s5;
	[dreg:$0x0] =	wrdreg $0x0  }
0xae: {  	s5 =	sshll.u32 s28, $0x1;
	[dreg:$0x2] =	wrdreg s3  }
0xaf: {  	[dreg:$0x3] =	wrdreg s5  }
0xb0: {  	[dreg:$0x4] =	wrdreg $0xC0  }
0xb1: {  	_ =	task [dreg:s7], $0x5FFFF  }
0xb2: {  	[dreg:$0x1] =	wrdreg $0xFFFFFFFF  }
0xb3: {  	[dreg:$0x0] =	wrdreg $0x60  }
0xb4: {  	[dreg:$0x2] =	wrdreg s24  }
0xb5: {  	[dreg:$0x3] =	wrdreg s16  }
0xb6: {  	[dreg:$0x4] =	wrdreg $0x7A800  }
0xb7: {  	[dreg:$0x5] =	wrdreg $0x9  }
0xb8: {  	_ =	task.clear_ibuf [dreg:s7], $0x6FFFF;
	_ =	strace $0x90000049  }
0xb9: {  	s29 =	simm.s32 $0x9;
	_ =	strace $0x8000004B  }
0xba: {  	_ =	swait.ge [sflag:s29], $0x1  }
0xbb: {  	[sflag:s29] =	ssyncadd.s32 $0xFFFFFFFF  }
0xbc: {  	_ =	strace $0x9000004B  }
0xbd: {  	_ =	sfence  }
0xbe: {  	s30 =	sld [smem:$0x0];
	_ =	sdelay $0x2  }
0xbf: {  	s31 =	sshll.u32 s1, $0xD;
	s1 =	sshrl.u32 s1, $0x2  }
0xc0: {  	s3 =	sand.u32 $0x4000, s31;
	s1 =	sadd.s32 s1, s30  }
0xc1: {  	s0 =	sor.u32 s3, s0;
	s1 =	sshll.u32 s1, $0x11  }
0xc2: {  	s0 =	sor.u32 s1, s0  }
0xc3: {  	s0 =	sadd.s32 $0x8F2B, s0  }
0xc4: {  	[sflag:s0] =	ssyncadd.remote.s32 $0x1  }
0xc5: {  	_ =	sfence.sel $0xFFFF  }
0xc6: {  	[dreg:$0x0] =	wrdreg $0xFFFFFFFF;
	(pc) =	sbr.abs _section_cstart, $3  }
0xc7: {  	[dreg:$0x1] =	wrdreg $0xFFFFFFFF  }
0xc8: {  	_ =	task.clear_ibuf [dreg:s7], $0x2FFFF;
	_ =	strace $0x9FFFFFFF  }
0xc9: {  	(tm) =	ssettm $0x7FFFFFFF  }
tec
execute0_lowered:
.L_overlay_start_1:
0x0: {  	(tag) =	ssettag $0x1  }
0x1: {  	s2 =	rddreg [dreg:$0x0]  }
0x2: {  	s0 =	srdreg.scid;
	s13 =	rddreg [dreg:$0x1]  }
0x3: {  	s8 =	stileid.u32;
	s1 =	rddreg [dreg:$0x2]  }
0x4: {  	s3 =	simm.s32 $0x0;
	s19 =	simm.s32 $0x280;
	s17 =	simm.s32 $0x1A80  }
0x5: {  	s15 =	simm.s32 $0x3280;
	s12 =	simm.s32 $0x4A80;
	p1 =	por $0x0, $0x0  }
0x6: {  	s4 =	sand.u32 $0x1, s0;
	s31 =	sshll.u32 s8, $0x1;
	s0 =	rddreg [dreg:$0x3]  }
0x7: {  	[smem:$0x7FF] =	sst s3;
	s9 =	smul.u32 $0x7530, s8;
	p0 =	sne.s32 s8, $0x0  }
0x8: {  	s8 =	sshll.u32 s8, $0x6;
	s5 =	sor.u32 s4, s31;
	s7 =	smul.u32 $0x75300, s4  }
0x9: {  	_ =	strace $0x8000004A;
	s4 =	ssub.s32 $0x2, s4;
	s23 =	sshrl.u32 @!p0 s1, $0x3  }
0xa: {  	s8 =	sor.u32 $0x1C01, s8;
	s6 =	smul.u32 $0xF00, s5;
	s10 =	sshrl.u32 s4, $0x1  }
0xb: {  	s5 =	smul.u32 $0x280, s5;
	s7 =	sadd.s32 s9, s7;
	s4 =	ssub.s32 s4, s10  }
0xc: {  	s9 =	sadd.s32 s9, s1;
	s10 =	simm.s32 $0x100;
	s11 =	smax.u32 s4, $0x1  }
0xd: {  	s6 =	sadd.s32 s6, s2;
	s5 =	sshrl.u32 s5, $0x3;
	s26 =	sadd.s32 $0xFFFFFFFF, s11  }
0xe: {  	s7 =	sshrl.u32 s7, $0x3;
	s4 =	simm.s32 $0x1;
	p2 =	sne.s32 s26, $0x0  }
.Ltmp0:
0xf: {  	s9 =	sshrl.u32 s9, $0x3;
	s5 =	sadd.s32 s5, s2;
	(pc) =	sbr.rel @!p2 .LBB2_3-.Ltmp0, $4  }
0x10: {  	s2 =	sadd.s32 s7, s2;
	s14 =	sadd.s32 $0x2BE00, s6;
	s7 =	simm.s32 $0x180  }
0x11: {  	s6 =	simm.s32 $0x200;
	s11 =	simm.s32 $0x6280;
	s22 =	sadd.s32 $0x2B400, s5  }
0x12: {  	s21 =	sadd.s32 $0x2B410, s5;
	s20 =	sadd.s32 $0x2B420, s5;
	s18 =	sadd.s32 $0x2B430, s5  }
0x13: {  	s16 =	sadd.s32 $0x2B440, s5;
	s2 =	sadd.s32 $0x49E00, s2;
	s5 =	simm.s32 $0x80  }
0x14: {  	s24 =	simm.s32 @!p0 $0x1C01;
	s25 =	simm.s32 @!p0 $0x1  }
0x15: {  	[spmem:s23], [sflag:s24] =	dma.local @!p0 [hbm:s13], $0xEA60  }
0x16: {  	_ =	swait.ge @!p0 [sflag:s25], $0xEA60  }
0x17: {  	[sflag:s25] =	ssyncset.done @!p0 $0x0  }
0x18: {  	[sflag:s25] =	ssyncadd.s32 @!p0 $0xFFFF15A0  }
0x19: {  	[bflag:$0x0] =	sbarrier.arrive $0xFFFF  }
0x1a: {  	[tilespmem:s3], [sflag:$0x1] =	stream.linear.gather [hbm4b:s22+s3], $0x80, $0x38;
	[tilespmem:$0xEFB0] =	vst v63  }
0x1b: {  	_ =	swait.ge [sflag:s4], $0x80  }
0x1c: {  	[sflag:s4] =	ssyncset.done $0x0  }
0x1d: {  	[sflag:s4] =	ssyncadd.s32 $0xFFFFFF80  }
0x1e: {  	[tilespmem:s5], [sflag:$0x1] =	stream.linear.gather [hbm4b:s21+s3], $0x80, $0x38;
	[tilespmem:$0xEFB0] =	vst v63  }
0x1f: {  	_ =	swait.ge [sflag:s4], $0x80  }
0x20: {  	[sflag:s4] =	ssyncset.done $0x0  }
0x21: {  	[sflag:s4] =	ssyncadd.s32 $0xFFFFFF80  }
0x22: {  	[tilespmem:s10], [sflag:$0x1] =	stream.linear.gather [hbm4b:s20+s3], $0x80, $0x38;
	[tilespmem:$0xEFB0] =	vst v63  }
0x23: {  	_ =	swait.ge [sflag:s4], $0x80  }
0x24: {  	[sflag:s4] =	ssyncset.done $0x0  }
0x25: {  	[sflag:s4] =	ssyncadd.s32 $0xFFFFFF80  }
0x26: {  	[tilespmem:s7], [sflag:$0x1] =	stream.linear.gather [hbm4b:s18+s3], $0x80, $0x38;
	[tilespmem:$0xEFB0] =	vst v63  }
0x27: {  	_ =	swait.ge [sflag:s4], $0x80  }
0x28: {  	[sflag:s4] =	ssyncset.done $0x0  }
0x29: {  	[sflag:s4] =	ssyncadd.s32 $0xFFFFFF80  }
0x2a: {  	[tilespmem:s6], [sflag:$0x1] =	stream.linear.gather [hbm4b:s16+s3], $0x80, $0x38;
	[tilespmem:$0xEFB0] =	vst v63  }
0x2b: {  	_ =	swait.ge [sflag:s4], $0x80  }
0x2c: {  	[sflag:s4] =	ssyncset.done $0x0  }
0x2d: {  	[sflag:s4] =	ssyncadd.s32 $0xFFFFFF80  }
0x2e: {  	[tilespmem:s19], [sflag:$0x1] =	stream.linear.gather [hbm4b:s14+s3], $0x7800, $0x38;
	[tilespmem:$0xEFB0] =	vst v63  }
0x2f: {  	_ =	swait.ge [sflag:s4], $0x7800  }
0x30: {  	[sflag:s4] =	ssyncset.done $0x0  }
0x31: {  	[sflag:s4] =	ssyncadd.s32 $0xFFFF8800  }
0x32: {  	[spmem:s1] =	stream.indirect.scatter.add.f32 [tilespmem:s19], [sflag:$0x1], $0x30, s3, s5, $0xb8;
	[tilespmem:$0xEFB0] =	vst v63  }
0x33: {  	_ =	swait.ge [sflag:s4], $0x1800  }
0x34: {  	[sflag:s4] =	ssyncset.done $0x0  }
0x35: {  	[sflag:s4] =	ssyncadd.s32 $0xFFFFE800  }
0x36: {  	[spmem:s1] =	stream.indirect.scatter.add.f32 [tilespmem:s17], [sflag:$0x1], $0x30, s5, s5, $0xb8;
	[tilespmem:$0xEFB0] =	vst v63  }
0x37: {  	_ =	swait.ge [sflag:s4], $0x1800  }
0x38: {  	[sflag:s4] =	ssyncset.done $0x0  }
0x39: {  	[sflag:s4] =	ssyncadd.s32 $0xFFFFE800  }
0x3a: {  	[spmem:s1] =	stream.indirect.scatter.add.f32 [tilespmem:s15], [sflag:$0x1], $0x30, s10, s5, $0xb8;
	[tilespmem:$0xEFB0] =	vst v63  }
0x3b: {  	_ =	swait.ge [sflag:s4], $0x1800  }
0x3c: {  	[sflag:s4] =	ssyncset.done $0x0  }
0x3d: {  	[sflag:s4] =	ssyncadd.s32 $0xFFFFE800  }
0x3e: {  	[spmem:s1] =	stream.indirect.scatter.add.f32 [tilespmem:s12], [sflag:$0x1], $0x30, s7, s5, $0xb8;
	[tilespmem:$0xEFB0] =	vst v63  }
0x3f: {  	_ =	swait.ge [sflag:s4], $0x1800  }
0x40: {  	[sflag:s4] =	ssyncset.done $0x0  }
0x41: {  	[sflag:s4] =	ssyncadd.s32 $0xFFFFE800  }
0x42: {  	[spmem:s1] =	stream.indirect.scatter.add.f32 [tilespmem:s11], [sflag:$0x1], $0x30, s6, s5, $0xb8;
	[tilespmem:$0xEFB0] =	vst v63  }
0x43: {  	s26 =	sadd.s32 $0xFFFFFFFF, s26;
	_ =	swait.ge [sflag:s4], $0x1800  }
0x44: {  	p2 =	sne.s32 s26, $0x0;
	[sflag:s4] =	ssyncset.done $0x0  }
.Ltmp1:
0x45: {  	[sflag:s4] =	ssyncadd.s32 $0xFFFFE800;
	(pc) =	sbr.rel @!p2 .LBB2_3-.Ltmp1, $4  }
0x46: {  	[bflag:$0x0] =	sbarrier.arrive $0xFFFF  }
0x47: {  	[hbm:s2], [sflag:s8] =	dma.local [spmem:s9], $0xEA6  }
0x48: {  	_ =	swait.ge [sflag:s4], $0xEA6  }
0x49: {  	p1 =	por $0x1, $0x1;
	[sflag:s4] =	ssyncset.done $0x0  }
.LBB2_2:
0x4a: {  	[sflag:s4] =	ssyncadd.s32 $0xFFFFF15A  }
0x4b: {  	[spmem:s23], [sflag:s24] =	dma.local @!p0 [hbm:s13], $0xEA60  }
0x4c: {  	s26 =	sadd.s32 $0xFFFFFFFF, s26;
	_ =	swait.ge @!p0 [sflag:s25], $0xEA60  }
0x4d: {  	p2 =	sne.s32 s26, $0x0;
	[sflag:s25] =	ssyncset.done @!p0 $0x0  }
0x4e: {  	[sflag:s25] =	ssyncadd.s32 @!p0 $0xFFFF15A0  }
0x4f: {  	[bflag:$0x0] =	sbarrier.arrive $0xFFFF  }
0x50: {  	[tilespmem:s3], [sflag:$0x1] =	stream.linear.gather [hbm4b:s22+s3], $0x80, $0x38;
	[tilespmem:$0xEFB0] =	vst v63  }
0x51: {  	_ =	swait.ge [sflag:s4], $0x80  }
0x52: {  	[sflag:s4] =	ssyncset.done $0x0  }
0x53: {  	[sflag:s4] =	ssyncadd.s32 $0xFFFFFF80  }
0x54: {  	[tilespmem:s5], [sflag:$0x1] =	stream.linear.gather [hbm4b:s21+s3], $0x80, $0x38;
	[tilespmem:$0xEFB0] =	vst v63  }
0x55: {  	_ =	swait.ge [sflag:s4], $0x80  }
0x56: {  	[sflag:s4] =	ssyncset.done $0x0  }
0x57: {  	[sflag:s4] =	ssyncadd.s32 $0xFFFFFF80  }
0x58: {  	[tilespmem:s10], [sflag:$0x1] =	stream.linear.gather [hbm4b:s20+s3], $0x80, $0x38;
	[tilespmem:$0xEFB0] =	vst v63  }
0x59: {  	_ =	swait.ge [sflag:s4], $0x80  }
0x5a: {  	[sflag:s4] =	ssyncset.done $0x0  }
0x5b: {  	[sflag:s4] =	ssyncadd.s32 $0xFFFFFF80  }
0x5c: {  	[tilespmem:s7], [sflag:$0x1] =	stream.linear.gather [hbm4b:s18+s3], $0x80, $0x38;
	[tilespmem:$0xEFB0] =	vst v63  }
0x5d: {  	_ =	swait.ge [sflag:s4], $0x80  }
0x5e: {  	[sflag:s4] =	ssyncset.done $0x0  }
0x5f: {  	[sflag:s4] =	ssyncadd.s32 $0xFFFFFF80  }
0x60: {  	[tilespmem:s6], [sflag:$0x1] =	stream.linear.gather [hbm4b:s16+s3], $0x80, $0x38;
	[tilespmem:$0xEFB0] =	vst v63  }
0x61: {  	_ =	swait.ge [sflag:s4], $0x80  }
0x62: {  	[sflag:s4] =	ssyncset.done $0x0  }
0x63: {  	[sflag:s4] =	ssyncadd.s32 $0xFFFFFF80  }
0x64: {  	[tilespmem:s19], [sflag:$0x1] =	stream.linear.gather [hbm4b:s14+s3], $0x7800, $0x38;
	[tilespmem:$0xEFB0] =	vst v63  }
0x65: {  	_ =	swait.ge [sflag:s4], $0x7800  }
0x66: {  	[sflag:s4] =	ssyncset.done $0x0  }
0x67: {  	[sflag:s4] =	ssyncadd.s32 $0xFFFF8800  }
0x68: {  	[spmem:s1] =	stream.indirect.scatter.add.f32 [tilespmem:s19], [sflag:$0x1], $0x30, s3, s5, $0xb8;
	[tilespmem:$0xEFB0] =	vst v63  }
0x69: {  	_ =	swait.ge [sflag:s4], $0x1800  }
0x6a: {  	[sflag:s4] =	ssyncset.done $0x0  }
0x6b: {  	[sflag:s4] =	ssyncadd.s32 $0xFFFFE800  }
0x6c: {  	[spmem:s1] =	stream.indirect.scatter.add.f32 [tilespmem:s17], [sflag:$0x1], $0x30, s5, s5, $0xb8;
	[tilespmem:$0xEFB0] =	vst v63  }
0x6d: {  	_ =	swait.ge [sflag:s4], $0x1800  }
0x6e: {  	[sflag:s4] =	ssyncset.done $0x0  }
0x6f: {  	[sflag:s4] =	ssyncadd.s32 $0xFFFFE800  }
0x70: {  	[spmem:s1] =	stream.indirect.scatter.add.f32 [tilespmem:s15], [sflag:$0x1], $0x30, s10, s5, $0xb8;
	[tilespmem:$0xEFB0] =	vst v63  }
0x71: {  	_ =	swait.ge [sflag:s4], $0x1800  }
0x72: {  	[sflag:s4] =	ssyncset.done $0x0  }
0x73: {  	[sflag:s4] =	ssyncadd.s32 $0xFFFFE800  }
0x74: {  	[spmem:s1] =	stream.indirect.scatter.add.f32 [tilespmem:s12], [sflag:$0x1], $0x30, s7, s5, $0xb8;
	[tilespmem:$0xEFB0] =	vst v63  }
0x75: {  	_ =	swait.ge [sflag:s4], $0x1800  }
0x76: {  	[sflag:s4] =	ssyncset.done $0x0  }
0x77: {  	[sflag:s4] =	ssyncadd.s32 $0xFFFFE800  }
0x78: {  	[spmem:s1] =	stream.indirect.scatter.add.f32 [tilespmem:s11], [sflag:$0x1], $0x30, s6, s5, $0xb8;
	[tilespmem:$0xEFB0] =	vst v63  }
0x79: {  	_ =	swait.ge [sflag:s4], $0x1800  }
0x7a: {  	[sflag:s4] =	ssyncset.done $0x0  }
.Ltmp2:
0x7b: {  	[sflag:s4] =	ssyncadd.s32 $0xFFFFE800;
	(pc) =	sbr.rel @p2 .LBB2_2-.Ltmp2, $4  }
0x7c: {  	[bflag:$0x0] =	sbarrier.arrive $0xFFFF  }
0x7d: {  	[hbm:s2], [sflag:s8] =	dma.local [spmem:s9], $0xEA6  }
0x7e: {  	_ =	swait.ge [sflag:s4], $0xEA6  }
0x7f: {  	[sflag:s4] =	ssyncset.done $0x0  }
.LBB2_3:
0x80: {  	s24 =	simm.s32 @!p0 $0x1C01;
	s25 =	simm.s32 @!p0 $0x1;
	[sflag:s4] =	ssyncadd.s32 @p1 $0xFFFFF15A  }
0x81: {  	[spmem:s23], [sflag:s24] =	dma.local @!p0 [hbm:s13], $0xEA60  }
0x82: {  	_ =	swait.ge @!p0 [sflag:s25], $0xEA60  }
0x83: {  	[sflag:s25] =	ssyncset.done @!p0 $0x0  }
0x84: {  	[sflag:s25] =	ssyncadd.s32 @!p0 $0xFFFF15A0  }
0x85: {  	[bflag:$0x0] =	sbarrier.arrive $0xFFFF  }
0x86: {  	[tilespmem:s3], [sflag:$0x1] =	stream.linear.gather [hbm4b:s22+s3], $0x80, $0x38;
	[tilespmem:$0xEFB0] =	vst v63  }
0x87: {  	_ =	swait.ge [sflag:s4], $0x80  }
0x88: {  	[sflag:s4] =	ssyncset.done $0x0  }
0x89: {  	[sflag:s4] =	ssyncadd.s32 $0xFFFFFF80  }
0x8a: {  	[tilespmem:s5], [sflag:$0x1] =	stream.linear.gather [hbm4b:s21+s3], $0x80, $0x38;
	[tilespmem:$0xEFB0] =	vst v63  }
0x8b: {  	_ =	swait.ge [sflag:s4], $0x80  }
0x8c: {  	[sflag:s4] =	ssyncset.done $0x0  }
0x8d: {  	[sflag:s4] =	ssyncadd.s32 $0xFFFFFF80  }
0x8e: {  	[tilespmem:s10], [sflag:$0x1] =	stream.linear.gather [hbm4b:s20+s3], $0x80, $0x38;
	[tilespmem:$0xEFB0] =	vst v63  }
0x8f: {  	_ =	swait.ge [sflag:s4], $0x80  }
0x90: {  	[sflag:s4] =	ssyncset.done $0x0  }
0x91: {  	[sflag:s4] =	ssyncadd.s32 $0xFFFFFF80  }
0x92: {  	[tilespmem:s7], [sflag:$0x1] =	stream.linear.gather [hbm4b:s18+s3], $0x80, $0x38;
	[tilespmem:$0xEFB0] =	vst v63  }
0x93: {  	_ =	swait.ge [sflag:s4], $0x80  }
0x94: {  	[sflag:s4] =	ssyncset.done $0x0  }
0x95: {  	[sflag:s4] =	ssyncadd.s32 $0xFFFFFF80  }
0x96: {  	[tilespmem:s6], [sflag:$0x1] =	stream.linear.gather [hbm4b:s16+s3], $0x80, $0x38;
	[tilespmem:$0xEFB0] =	vst v63  }
0x97: {  	_ =	swait.ge [sflag:s4], $0x80  }
0x98: {  	[sflag:s4] =	ssyncset.done $0x0  }
0x99: {  	[sflag:s4] =	ssyncadd.s32 $0xFFFFFF80  }
0x9a: {  	[tilespmem:s19], [sflag:$0x1] =	stream.linear.gather [hbm4b:s14+s3], $0x7800, $0x38;
	[tilespmem:$0xEFB0] =	vst v63  }
0x9b: {  	_ =	swait.ge [sflag:s4], $0x7800  }
0x9c: {  	[sflag:s4] =	ssyncset.done $0x0  }
0x9d: {  	[sflag:s4] =	ssyncadd.s32 $0xFFFF8800  }
0x9e: {  	[spmem:s1] =	stream.indirect.scatter.add.f32 [tilespmem:s19], [sflag:$0x1], $0x30, s3, s5, $0xb8;
	[tilespmem:$0xEFB0] =	vst v63  }
0x9f: {  	_ =	swait.ge [sflag:s4], $0x1800  }
0xa0: {  	[sflag:s4] =	ssyncset.done $0x0  }
0xa1: {  	[sflag:s4] =	ssyncadd.s32 $0xFFFFE800  }
0xa2: {  	[spmem:s1] =	stream.indirect.scatter.add.f32 [tilespmem:s17], [sflag:$0x1], $0x30, s5, s5, $0xb8;
	[tilespmem:$0xEFB0] =	vst v63  }
0xa3: {  	_ =	swait.ge [sflag:s4], $0x1800  }
0xa4: {  	[sflag:s4] =	ssyncset.done $0x0  }
0xa5: {  	[sflag:s4] =	ssyncadd.s32 $0xFFFFE800  }
0xa6: {  	[spmem:s1] =	stream.indirect.scatter.add.f32 [tilespmem:s15], [sflag:$0x1], $0x30, s10, s5, $0xb8;
	[tilespmem:$0xEFB0] =	vst v63  }
0xa7: {  	_ =	swait.ge [sflag:s4], $0x1800  }
0xa8: {  	[sflag:s4] =	ssyncset.done $0x0  }
0xa9: {  	[sflag:s4] =	ssyncadd.s32 $0xFFFFE800  }
0xaa: {  	[spmem:s1] =	stream.indirect.scatter.add.f32 [tilespmem:s12], [sflag:$0x1], $0x30, s7, s5, $0xb8;
	[tilespmem:$0xEFB0] =	vst v63  }
0xab: {  	_ =	swait.ge [sflag:s4], $0x1800  }
0xac: {  	[sflag:s4] =	ssyncset.done $0x0  }
0xad: {  	[sflag:s4] =	ssyncadd.s32 $0xFFFFE800  }
0xae: {  	[spmem:s1] =	stream.indirect.scatter.add.f32 [tilespmem:s11], [sflag:$0x1], $0x30, s6, s5, $0xb8;
	[tilespmem:$0xEFB0] =	vst v63  }
0xaf: {  	_ =	swait.ge [sflag:s4], $0x1800  }
0xb0: {  	[sflag:s4] =	ssyncset.done $0x0  }
0xb1: {  	[sflag:s4] =	ssyncadd.s32 $0xFFFFE800  }
0xb2: {  	[bflag:$0x0] =	sbarrier.arrive $0xFFFF  }
0xb3: {  	[hbm:s2], [sflag:s8] =	dma.local [spmem:s9], $0xEA6  }
0xb4: {  	_ =	swait.ge [sflag:s4], $0xEA6  }
0xb5: {  	[sflag:s4] =	ssyncset.done $0x0  }
0xb6: {  	[sflag:s4] =	ssyncadd.s32 $0xFFFFF15A  }
0xb7: {  	_ =	sfence.sel $0x180000  }
0xb8: {  	[bflag:$0x0] =	sbarrier.arrive $0xFFFF  }
0xb9: {  	_ =	strace $0x9000004A  }
0xba: {  	s0 =	sadd.s32 @!p0 $0x100000, s0;
	[bflag:$0x2] =	sbarrier.arrive $0xFFFF  }
0xbb: {  	[sflag:s0] =	ssyncadd.tile.s32 @!p0 $0x1;
	_ =	shalt  }
.Lfunc_end2:
_tile_overlayer_lowered:
.L_overlay_start_2:
0xbc: {  	(tag) =	ssettag $0x2  }
0xbd: {  	s0 =	rddreg [dreg:$0x0];
	s2 =	stileid.u32  }
0xbe: {  	s1 =	rddreg [dreg:$0x1];
	p0 =	sne.s32 s2, $0x0  }
0xbf: {  	s3 =	rddreg [dreg:$0x2];
	[bflag:$0x3] =	sbarrier.arrive $0xFFFF;
	s2 =	simm.s32 @!p0 $0x1C01  }
0xc0: {  	[timem:s3], [sflag:s2] =	dma.local @!p0 [hbm:s0], s1  }
0xc1: {  	s0 =	simm.s32 @!p0 $0x1  }
0xc2: {  	_ =	swait.ge @!p0 [sflag:s0], s1  }
0xc3: {  	s1 =	ssub.s32 @!p0 $0x0, s1;
	[sflag:s0] =	ssyncset.done @!p0 $0x0  }
0xc4: {  	[sflag:s0] =	ssyncadd.s32 @!p0 s1  }
0xc5: {  	[bflag:$0x3] =	sbarrier.arrive $0xFFFF  }
0xc6: {  	_ =	shalt  }

// kernel: kernel.13.cloned.1.call-start
scs
__scs_entry_jumppad:
0x0: {  	(pc) =	sbr.rel $0x88, $3  }
0x1: {  	(tag) =	ssettag $0x0;
	lr =	simm.s32 $0x1  }
0x2: {  	[smem:$0x3F92] =	sst lr;
	_ =	strace $0xD0000000  }
0x3: {  	_ = 	snop  }
0x4: {  	_ = 	snop  }
0x5: {  	_ = 	snop  }
0x6: {  	_ = 	snop  }
0x7: {  	_ = 	snop  }
__scs_overlays_trampoline_lowered:
0x8: {  	[smem:$0x3FA1] =	sst s0  }
0x9: {  	[smem:$0x3FA2] =	sst s1  }
0xa: {  	[smem:$0x3FA3] =	sst s2  }
0xb: {  	[smem:$0x3FA4] =	sst s3  }
0xc: {  	[smem:$0x3FA5] =	sst s4  }
0xd: {  	[smem:$0x3FA6] =	sst s5  }
0xe: {  	[smem:$0x3FA7] =	sst s6  }
0xf: {  	[smem:$0x3FA8] =	sst s7  }
0x10: {  	[smem:$0x3FA9] =	sst s8  }
0x11: {  	[smem:$0x3FAA] =	sst s9;
	s0 =	simm.s32 @!p0 $0x0  }
0x12: {  	s1 =	sld [smem:$0x3F90];
	s0 =	simm.s32 @p0 $0x1  }
0x13: {  	[smem:$0x3FAB] =	sst s0;
	s0 =	simm.s32 @!p1 $0x0  }
0x14: {  	s2 =	sld [smem:$0x3F8F];
	s0 =	simm.s32 @p1 $0x1  }
0x15: {  	[smem:$0x3FAC] =	sst s0;
	s0 =	simm.s32 @!p2 $0x0  }
0x16: {  	s3 =	sld [smem:$0x3FDB];
	s0 =	simm.s32 @p2 $0x1  }
0x17: {  	s4 =	simm.s32 $0x1BF5;
	[smem:$0x3FAE] =	sst s0  }
0x18: {  	s0 =	sld [smem:$0x3F91];
	_ =	swait.ge [sflag:s4], $0x0  }
0x19: {  	s7 =	sld [smem:$0x3F92]  }
0x1a: {  	s8 =	sadd.s32 $0xFFFFE003, lr  }
0x1b: {  	s9 =	sadd.s32 $0xFFFFFEF7, lr;
	s5 =	simm.s32 $0xFFFFFFFF;
	p2 =	slt.u32 s8, $0xFFFFF086  }
0x1c: {  	p1 =	slt.u32 s9, $0xF7A;
	s5 =	simm.s32 @!p2 $0x0  }
0x1d: {  	s5 =	simm.s32 @p1 $0x1;
	p0 =	seq.s32 s7, s2  }
0x1e: {  	s7 =	smul.u32 @!p0 $0xF7A, s2;
	p2 =	seq.s32 @!p0 s5, $0x0  }
0x1f: {  	s9 =	smul.u32 $0xF7A, s1;
	s8 =	simm.s32 @!p0 $0x1BF5;
	p2 =	por !p2, p0  }
0x20: {  	[sflag:s8] =	ssyncset.s32 @!p0 $0xFFFFF086;
	s6 =	sadd.s32 @!p0 s3, s7;
	s7 =	simm.s32 @!p0 $0x108  }
0x21: {  	s3 =	sadd.s32 s3, s9;
	s6 =	sadd.s32 @!p0 $0x88, s6;
	s7 =	simm.s32 @p2 $0x1082  }
0x22: {  	[simem:s7], [sflag:s8] =	dma.local @!p0 [hbm:s6], $0xF7A  }
0x23: {  	s9 =	sor.u32 $0xD0000000, s2;
	s6 =	simm.s32 $0x108;
	_ =	swait.ge @!p0 [sflag:s8], $0x0  }
0x24: {  	s3 =	sadd.s32 $0x88, s3;
	s6 =	simm.s32 @!p1 $0x1082;
	[sflag:s4] =	ssyncset.s32 $0xFFFFF086  }
0x25: {  	[simem:s6], [sflag:s4] =	dma.local [hbm:s3], $0xF7A  }
0x26: {  	[smem:$0x3F92] =	sst s1;
	(tag) =	ssettag s2;
	_ =	strace s9  }
0x27: {  	s1 =	sld [smem:$0x3FA2]  }
0x28: {  	s2 =	sld [smem:$0x3FA3]  }
0x29: {  	s4 =	sld [smem:$0x3FA5]  }
0x2a: {  	p0 =	seq.s32 s5, $0x0;
	s5 =	sld [smem:$0x3FA6]  }
0x2b: {  	s6 =	sld [smem:$0x3FA7]  }
0x2c: {  	s7 =	sld [smem:$0x3FA8]  }
0x2d: {  	s3 =	simm.s32 $0x108;
	s8 =	sld [smem:$0x3FA9]  }
0x2e: {  	s3 =	simm.s32 @!p0 $0x1082;
	s9 =	sld [smem:$0x3FAA]  }
0x2f: {  	lr =	sadd.s32 s0, s3;
	s0 =	sld [smem:$0x3FA1]  }
0x30: {  	s3 =	sld [smem:$0x3FA4]  }
0x31: {  	[smem:$0x3FAD] =	sst s10  }
0x32: {  	s10 =	sld [smem:$0x3FAB];
	_ =	sdelay $0x3  }
0x33: {  	p0 =	seq.s32 s10, $0x1;
	s10 =	sld [smem:$0x3FAD];
	_ =	sdelay $0x3  }
0x34: {  	[smem:$0x3FAD] =	sst s10  }
0x35: {  	s10 =	sld [smem:$0x3FAC];
	_ =	sdelay $0x3  }
0x36: {  	p1 =	seq.s32 s10, $0x1;
	s10 =	sld [smem:$0x3FAD];
	_ =	sdelay $0x3  }
0x37: {  	[smem:$0x3FAD] =	sst s10  }
0x38: {  	s10 =	sld [smem:$0x3FAE]  }
0x39: {  	_ = 	snop;
	(pc) =	sbr.ind lr, $3  }
0x3a: {  	_ = 	snop  }
0x3b: {  	_ = 	snop  }
0x3c: {  	p2 =	seq.s32 s10, $0x1;
	s10 =	sld [smem:$0x3FAD]  }
0x3d: {  	_ =	shalt  }
0x3e: {  	_ =	shalt  }
0x3f: {  	_ =	shalt  }
0x40: {  	_ =	shalt  }
0x41: {  	_ =	shalt  }
0x42: {  	_ =	shalt  }
0x43: {  	_ =	shalt  }
0x44: {  	_ =	shalt  }
0x45: {  	_ =	shalt  }
0x46: {  	_ =	shalt  }
0x47: {  	_ =	shalt  }
0x48: {  	_ =	shalt  }
0x49: {  	_ =	shalt  }
0x4a: {  	_ =	shalt  }
0x4b: {  	_ =	shalt  }
0x4c: {  	_ =	shalt  }
0x4d: {  	_ =	shalt  }
0x4e: {  	_ =	shalt  }
0x4f: {  	_ =	shalt  }
0x50: {  	_ =	shalt  }
0x51: {  	_ =	shalt  }
0x52: {  	_ =	shalt  }
0x53: {  	_ =	shalt  }
0x54: {  	_ =	shalt  }
0x55: {  	_ =	shalt  }
0x56: {  	_ =	shalt  }
0x57: {  	_ =	shalt  }
0x58: {  	_ =	shalt  }
0x59: {  	_ =	shalt  }
0x5a: {  	_ =	shalt  }
0x5b: {  	_ =	shalt  }
0x5c: {  	_ =	shalt  }
0x5d: {  	_ =	shalt  }
0x5e: {  	_ =	shalt  }
0x5f: {  	_ =	shalt  }
0x60: {  	_ =	shalt  }
0x61: {  	_ =	shalt  }
0x62: {  	_ =	shalt  }
0x63: {  	_ =	shalt  }
0x64: {  	_ =	shalt  }
0x65: {  	_ =	shalt  }
0x66: {  	_ =	shalt  }
0x67: {  	_ =	shalt  }
0x68: {  	_ =	shalt  }
0x69: {  	_ =	shalt  }
0x6a: {  	_ =	shalt  }
0x6b: {  	_ =	shalt  }
0x6c: {  	_ =	shalt  }
0x6d: {  	_ =	shalt  }
0x6e: {  	_ =	shalt  }
0x6f: {  	_ =	shalt  }
0x70: {  	_ =	shalt  }
0x71: {  	_ =	shalt  }
0x72: {  	_ =	shalt  }
0x73: {  	_ =	shalt  }
0x74: {  	_ =	shalt  }
0x75: {  	_ =	shalt  }
0x76: {  	_ =	shalt  }
0x77: {  	_ =	shalt  }
0x78: {  	_ =	shalt  }
0x79: {  	_ =	shalt  }
0x7a: {  	_ =	shalt  }
0x7b: {  	_ =	shalt  }
0x7c: {  	_ =	shalt  }
0x7d: {  	_ =	shalt  }
0x7e: {  	_ =	shalt  }
0x7f: {  	_ =	shalt  }
0x80: {  	_ =	shalt  }
0x81: {  	_ =	shalt  }
0x82: {  	_ =	shalt  }
0x83: {  	_ =	shalt  }
0x84: {  	_ =	shalt  }
0x85: {  	_ =	shalt  }
0x86: {  	_ =	shalt  }
0x87: {  	_ =	shalt  }
.Lfunc_end0:
.L_simem_size_0:
called_computation.2_lowered:
.L_overlay_start_0:
0x88: {  	s2 =	sld [smem:$0x3FD9]  }
0x89: {  	s3 =	sld [smem:$0x3FFE];
	_ =	sdelay $0x1  }
0x8a: {  	s1 =	srdreg.scid  }
0x8b: {  	s0 =	sand.u32 $0x1, s1  }
0x8c: {  	s14 =	sshll.u32 s0, $0xA;
	s2 =	sadd.s32 s3, s2  }
0x8d: {  	s2 =	sadd.s32 s2, s14  }
0x8e: {  	[smem:$0x3FB9] =	sst s2  }
0x8f: {  	_ = 	snop  }
0x90: {  	s2 =	sld [smem:$0x3FD0];
	_ =	sdelay $0x2  }
0x91: {  	s15 =	simm.s32 $0xA;
	s4 =	simm.s32 $0x10  }
0x92: {  	[smem:s4], [sflag:s15] =	dma.local [hbm:s2], $0x1  }
0x93: {  	_ =	swait.eq [sflag:s15], $0x1  }
0x94: {  	[sflag:s15] =	ssyncset.done $0x0  }
0x95: {  	[sflag:s15] =	ssyncadd.s32 $0xFFFFFFFF  }
0x96: {  	s16 =	sld [smem:$0x13];
	(tm) =	ssettm $0x1  }
0x97: {  	s17 =	sld [smem:$0x3FFB];
	_ =	sdelay $0x3  }
0x98: {  	_ =	strace s17  }
0x99: {  	s3 =	sld [smem:$0x3FFC];
	_ =	sdelay $0x3  }
0x9a: {  	_ =	strace s3  }
0x9b: {  	s3 =	sld [smem:$0x3FFD];
	_ =	sdelay $0x3  }
0x9c: {  	_ =	strace s3  }
0x9d: {  	_ =	strace $0x8FFFFFFF  }
0x9e: {  	s18 =	sld [smem:$0x3FDB];
	_ =	sdelay $0x1  }
0x9f: {  	s19 =	simm.s32 $_scs_section_size  }
0xa0: {  	s5 =	simm.s32 $_size__tile_overlayer_lowered;
	s6 =	simm.s32 $_tile_overlayer_lowered  }
0xa1: {  	s22 =	simm.s32 $0x1BFF;
	s21 =	sshll.u32 s6, $0x1;
	s3 =	sadd.s32 s19, s18  }
0xa2: {  	s7 =	simm.s32 $0x0;
	s20 =	sshll.u32 s5, $0x1;
	s5 =	sadd.s32 s21, s3  }
0xa3: {  	[timem:s7], [sflag:s22] =	dma.local [hbm:s5], s20  }
0xa4: {  	_ =	swait.ge [sflag:s22], s20  }
0xa5: {  	s4 =	ssub.s32 $0x0, s20;
	[sflag:s22] =	ssyncset.done $0x0  }
0xa6: {  	[sflag:s22] =	ssyncadd.s32 s4;
	_ =	sdelay $0x1  }
0xa7: {  	s23 =	simm.s32 $0x1B8B  }
0xa8: {  	_ =	swait.ge [sflag:s23], $0x1  }
0xa9: {  	[sflag:s23] =	ssyncset.done $0x0  }
0xaa: {  	s25 =	simm.s32 $0x1B8E;
	s24 =	sld [smem:$0x3FFE];
	[sflag:s23] =	ssyncadd.s32 $0xFFFFFFFF  }
0xab: {  	s26 =	simm.s32 $execute0_lowered;
	[smem:$0x3FD2] =	sst s25  }
0xac: {  	s5 =	sshll.u32 s26, $0x1;
	_ =	strace $0x8000004C;
	[dreg:$0x1] =	wrdreg $0xFFFFFFFF  }
0xad: {  	s28 =	simm.s32 $_size_execute0_lowered;
	s3 =	sadd.s32 s3, s5;
	[dreg:$0x0] =	wrdreg $0x0  }
0xae: {  	s5 =	sshll.u32 s28, $0x1;
	[dreg:$0x2] =	wrdreg s3  }
0xaf: {  	[dreg:$0x3] =	wrdreg s5  }
0xb0: {  	[dreg:$0x4] =	wrdreg $0xC0  }
0xb1: {  	_ =	task [dreg:s7], $0x5FFFF  }
0xb2: {  	[dreg:$0x1] =	wrdreg $0xFFFFFFFF  }
0xb3: {  	[dreg:$0x0] =	wrdreg $0x60  }
0xb4: {  	[dreg:$0x2] =	wrdreg s24  }
0xb5: {  	[dreg:$0x3] =	wrdreg s16  }
0xb6: {  	[dreg:$0x4] =	wrdreg $0x9  }
0xb7: {  	_ =	task.clear_ibuf [dreg:s7], $0x5FFFF;
	_ =	strace $0x9000004C  }
0xb8: {  	s29 =	simm.s32 $0x9;
	_ =	strace $0x8000004E  }
0xb9: {  	_ =	swait.ge [sflag:s29], $0x1  }
0xba: {  	[sflag:s29] =	ssyncadd.s32 $0xFFFFFFFF  }
0xbb: {  	_ =	strace $0x9000004E  }
0xbc: {  	_ =	sfence  }
0xbd: {  	s30 =	sld [smem:$0x0];
	_ =	sdelay $0x2  }
0xbe: {  	s31 =	sshll.u32 s1, $0xD;
	s1 =	sshrl.u32 s1, $0x2  }
0xbf: {  	s3 =	sand.u32 $0x4000, s31;
	s1 =	sadd.s32 s1, s30  }
0xc0: {  	s0 =	sor.u32 s3, s0;
	s1 =	sshll.u32 s1, $0x11  }
0xc1: {  	s0 =	sor.u32 s1, s0  }
0xc2: {  	s0 =	sadd.s32 $0x8F2B, s0  }
0xc3: {  	[sflag:s0] =	ssyncadd.remote.s32 $0x1  }
0xc4: {  	_ =	sfence.sel $0xFFFF  }
0xc5: {  	[dreg:$0x0] =	wrdreg $0xFFFFFFFF;
	(pc) =	sbr.abs _section_cstart, $3  }
0xc6: {  	[dreg:$0x1] =	wrdreg $0xFFFFFFFF  }
0xc7: {  	_ =	task.clear_ibuf [dreg:s7], $0x2FFFF;
	_ =	strace $0x9FFFFFFF  }
0xc8: {  	(tm) =	ssettm $0x7FFFFFFF  }
0xc9: {  	_ =	shalt  }
tec
execute0_lowered:
.L_overlay_start_1:
0x0: {  	(tag) =	ssettag $0x1  }
0x1: {  	s1 =	srdreg.scid  }
0x2: {  	s0 =	stileid.u32;
	s4 =	rddreg [dreg:$0x0]  }
0x3: {  	s2 =	rddreg [dreg:$0x1];
	s5 =	sand.u32 $0x1, s1;
	s31 =	sshll.u32 s0, $0x1  }
0x4: {  	s3 =	simm.s32 $0x0;
	s9 =	simm.s32 $0x1;
	s6 =	sor.u32 s5, s31  }
0x5: {  	s10 =	simm.s32 $0xA00;
	s11 =	simm.s32 $0xA8C0;
	s7 =	smul.u32 $0x50, s6  }
0x6: {  	s12 =	simm.s32 $0x0;
	[smem:$0x7FF] =	sst s3;
	s6 =	smul.u32 $0x140, s6  }
0x7: {  	s1 =	rddreg [dreg:$0x2];
	s5 =	ssub.s32 $0x2, s5;
	_ =	strace $0x8000004D  }
0x8: {  	s8 =	sshrl.u32 s5, $0x1;
	s7 =	sadd.s32 s7, s4;
	s6 =	sadd.s32 s6, s4  }
0x9: {  	v1 =	vlaneseq.u32;
	s8 =	ssub.s32 s5, s8;
	s4 =	sadd.s32 $0x19FC00, s6;
	s5 =	sadd.s32 $0x2B400, s7  }
0xa: {  	v0 =	vshrl.u32 v1, $0x2;
	v1 =	vand.u32 $0x3, v1;
	s6 =	sadd.s32 $0x4200, s6;
	s7 =	smax.u32 s8, $0x1;
	s8 =	simm.s32 $0xC80  }
.LBB2_1:
0xb: {  	[tilespmem:s8], [sflag:$0x1] =	stream.linear.gather [hbm4b:s2+s3], $0x9C40, $0x38;
	[tilespmem:$0xB2C0] =	vst v63  }
0xc: {  	_ =	swait.ge [sflag:s9], $0x9C40  }
0xd: {  	[sflag:s9] =	ssyncset.done $0x0  }
0xe: {  	[sflag:s9] =	ssyncadd.s32 $0xFFFF63C0  }
0xf: {  	[tilespmem:s3], [sflag:$0x1] =	stream.linear.gather [hbm4b:s4+s3], $0xA00, $0x38;
	[tilespmem:$0xB2C0] =	vst v63  }
0x10: {  	_ =	swait.ge [sflag:s9], $0xA00  }
0x11: {  	[sflag:s9] =	ssyncset.done $0x0  }
0x12: {  	v2 =	vor.u32 s3, v0;
	[sflag:s9] =	ssyncadd.s32 $0xFFFFF600  }
0x13: {  	[tilespmem:s10], [sflag:$0x1] =	stream.linear.gather [hbm4b:s5+s3], $0x280, $0x38;
	[tilespmem:$0xB2C0] =	vst v63  }
0x14: {  	_ =	swait.ge [sflag:s9], $0x280  }
0x15: {  	[sflag:s9] =	ssyncset.done $0x0  }
0x16: {  	[sflag:s9] =	ssyncadd.s32 $0xFFFFFD80  }
0x17: {  	v2 =	vld.idx.msk [tilespmem:v2+s10+$0x0], $0xffff;
	_ =	sdelay $0x4  }
0x18: {  	v2 =	vshll.u32 v2, $0x2  }
0x19: {  	v2 =	vor.u32 v1, v2;
	_ =	sdelay $0x4  }
0x1a: {  	v2 =	vld.idx.msk [tilespmem:v2+s8+$0x0], $0xffff;
	_ =	sdelay $0x4  }
0x1b: {  	(erf) = vrcp.f32 v2;
	_ =	sdelay $0x4  }
0x1c: {  	v2 =	vld [tilespmem:s3+$0x0];
	_ =	sdelay $0x1  }
0x1d: {  	s13 =	simm.s32 $0x4  }
0x1e: {  	v3 =	vor.u32 s13, v0  }
0x1f: {  	v4 =	vpop (erf)  }
0x20: {  	v2 =	vmul.f32 v4, v2;
	_ =	sdelay $0x1  }
0x21: {  	[tilespmem:s11+$0x0] =	vst v2  }
0x22: {  	v2 =	vld.idx.msk [tilespmem:v3+s10+$0x0], $0xffff;
	_ =	sdelay $0x4  }
0x23: {  	v2 =	vshll.u32 v2, $0x2  }
0x24: {  	v2 =	vor.u32 v1, v2;
	_ =	sdelay $0x4  }
0x25: {  	v2 =	vld.idx.msk [tilespmem:v2+s8+$0x0], $0xffff;
	_ =	sdelay $0x4  }
0x26: {  	(erf) = vrcp.f32 v2;
	_ =	sdelay $0x3  }
0x27: {  	s13 =	simm.s32 $0x10  }
0x28: {  	v3 =	vld [tilespmem:s13+$0x0];
	_ =	sdelay $0x1  }
0x29: {  	s14 =	simm.s32 $0x8  }
0x2a: {  	s15 =	simm.s32 $0xC;
	v2 =	vor.u32 s14, v0;
	s14 =	simm.s32 $0xA8C0  }
.LBB2_2:
0x2b: {  	p0 =	sne.s32 s15, $0x27C;
	v4 =	vpop (erf)  }
0x2c: {  	v3 =	vmul.f32 v4, v3  }
0x2d: {  	s14 =	sadd.s32 $0x10, s14  }
0x2e: {  	[tilespmem:s14+$0x0] =	vst v3  }
0x2f: {  	v2 =	vld.idx.msk [tilespmem:v2+s10+$0x0], $0xffff;
	_ =	sdelay $0x5  }
0x30: {  	v2 =	vshll.u32 v2, $0x2  }
0x31: {  	v2 =	vor.u32 v1, v2;
	_ =	sdelay $0x4  }
0x32: {  	v2 =	vld.idx.msk [tilespmem:v2+s8+$0x0], $0xffff;
	_ =	sdelay $0x5  }
0x33: {  	(erf) = vrcp.f32 v2;
	_ =	sdelay $0x3  }
.Ltmp0:
0x34: {  	s13 =	sadd.s32 $0x10, s13;
	(pc) =	sbr.rel @p0 .LBB2_2-.Ltmp0, $2  }
0x35: {  	v3 =	vld [tilespmem:s13+$0x0];
	_ =	sdelay $0x2  }
0x36: {  	v2 =	vor.u32 s15, v0;
	s15 =	sadd.s32 $0x4, s15  }
0x37: {  	v4 =	vpop (erf)  }
0x38: {  	v3 =	vmul.f32 v4, v3  }
0x39: {  	s14 =	sadd.s32 $0x10, s14  }
0x3a: {  	[tilespmem:s14+$0x0] =	vst v3  }
0x3b: {  	v2 =	vld.idx.msk [tilespmem:v2+s10+$0x0], $0xffff;
	_ =	sdelay $0x4  }
0x3c: {  	v2 =	vshll.u32 v2, $0x2  }
0x3d: {  	v2 =	vor.u32 v1, v2;
	_ =	sdelay $0x4  }
0x3e: {  	v2 =	vld.idx.msk [tilespmem:v2+s8+$0x0], $0xffff;
	_ =	sdelay $0x4  }
0x3f: {  	(erf) = vrcp.f32 v2;
	_ =	sdelay $0x3  }
0x40: {  	s13 =	sadd.s32 $0x10, s13  }
0x41: {  	v2 =	vld [tilespmem:s13+$0x0];
	_ =	sdelay $0x3  }
0x42: {  	v3 =	vpop (erf)  }
0x43: {  	s12 =	sadd.s32 $0x1, s12;
	v2 =	vmul.f32 v3, v2  }
0x44: {  	s31 =	sadd.s32 $0x10, s14;
	p0 =	sne.s32 s12, s7  }
.Ltmp1:
0x45: {  	[tilespmem:s31+$0x0] =	vst v2;
	(pc) =	sbr.rel @p0 .LBB2_1-.Ltmp1, $4  }
0x46: {  	[hbm4b:s6+s3] =	stream.linear.scatter [tilespmem:s11], [sflag:$0x1], $0xA00, $0x38;
	[tilespmem:$0xB2C0] =	vst v63  }
0x47: {  	_ =	swait.ge [sflag:s9], $0xA00  }
0x48: {  	[sflag:s9] =	ssyncset.done $0x0  }
0x49: {  	[sflag:s9] =	ssyncadd.s32 $0xFFFFF600  }
0x4a: {  	_ =	sfence.sel $0x180000  }
0x4b: {  	[bflag:$0x0] =	sbarrier.arrive $0xFFFF  }
0x4c: {  	p0 =	sne.s32 s0, $0x0;
	_ =	strace $0x9000004D  }
0x4d: {  	s0 =	sadd.s32 @!p0 $0x100000, s1;
	[bflag:$0x2] =	sbarrier.arrive $0xFFFF  }
0x4e: {  	[sflag:s0] =	ssyncadd.tile.s32 @!p0 $0x1;
	_ =	shalt  }
.Lfunc_end2:
_tile_overlayer_lowered:
.L_overlay_start_2:
0x4f: {  	(tag) =	ssettag $0x2  }
0x50: {  	s0 =	rddreg [dreg:$0x0];
	s2 =	stileid.u32  }
0x51: {  	s1 =	rddreg [dreg:$0x1];
	p0 =	sne.s32 s2, $0x0  }
0x52: {  	s3 =	rddreg [dreg:$0x2];
	[bflag:$0x3] =	sbarrier.arrive $0xFFFF;
	s2 =	simm.s32 @!p0 $0x1C01  }
0x53: {  	[timem:s3], [sflag:s2] =	dma.local @!p0 [hbm:s0], s1  }
0x54: {  	s0 =	simm.s32 @!p0 $0x1  }
0x55: {  	_ =	swait.ge @!p0 [sflag:s0], s1  }
0x56: {  	s1 =	ssub.s32 @!p0 $0x0, s1;
	[sflag:s0] =	ssyncset.done @!p0 $0x0  }
0x57: {  	[sflag:s0] =	ssyncadd.s32 @!p0 s1  }
0x58: {  	[bflag:$0x3] =	sbarrier.arrive $0xFFFF  }
0x59: {  	_ =	shalt  }

// kernel: kernel.7.cloned.1.call-start
scs
__scs_entry_jumppad:
0x0: {  	(pc) =	sbr.rel $0x88, $3  }
0x1: {  	(tag) =	ssettag $0x0;
	lr =	simm.s32 $0x1  }
0x2: {  	[smem:$0x3F92] =	sst lr;
	_ =	strace $0xD0000000  }
0x3: {  	_ = 	snop  }
0x4: {  	_ = 	snop  }
0x5: {  	_ = 	snop  }
0x6: {  	_ = 	snop  }
0x7: {  	_ = 	snop  }
__scs_overlays_trampoline_lowered:
0x8: {  	[smem:$0x3FA1] =	sst s0  }
0x9: {  	[smem:$0x3FA2] =	sst s1  }
0xa: {  	[smem:$0x3FA3] =	sst s2  }
0xb: {  	[smem:$0x3FA4] =	sst s3  }
0xc: {  	[smem:$0x3FA5] =	sst s4  }
0xd: {  	[smem:$0x3FA6] =	sst s5  }
0xe: {  	[smem:$0x3FA7] =	sst s6  }
0xf: {  	[smem:$0x3FA8] =	sst s7  }
0x10: {  	[smem:$0x3FA9] =	sst s8  }
0x11: {  	[smem:$0x3FAA] =	sst s9;
	s0 =	simm.s32 @!p0 $0x0  }
0x12: {  	s1 =	sld [smem:$0x3F90];
	s0 =	simm.s32 @p0 $0x1  }
0x13: {  	[smem:$0x3FAB] =	sst s0;
	s0 =	simm.s32 @!p1 $0x0  }
0x14: {  	s2 =	sld [smem:$0x3F8F];
	s0 =	simm.s32 @p1 $0x1  }
0x15: {  	[smem:$0x3FAC] =	sst s0;
	s0 =	simm.s32 @!p2 $0x0  }
0x16: {  	s3 =	sld [smem:$0x3FDB];
	s0 =	simm.s32 @p2 $0x1  }
0x17: {  	s4 =	simm.s32 $0x1BF5;
	[smem:$0x3FAE] =	sst s0  }
0x18: {  	s0 =	sld [smem:$0x3F91];
	_ =	swait.ge [sflag:s4], $0x0  }
0x19: {  	s7 =	sld [smem:$0x3F92]  }
0x1a: {  	s8 =	sadd.s32 $0xFFFFE003, lr  }
0x1b: {  	s9 =	sadd.s32 $0xFFFFFEF7, lr;
	s5 =	simm.s32 $0xFFFFFFFF;
	p2 =	slt.u32 s8, $0xFFFFF086  }
0x1c: {  	p1 =	slt.u32 s9, $0xF7A;
	s5 =	simm.s32 @!p2 $0x0  }
0x1d: {  	s5 =	simm.s32 @p1 $0x1;
	p0 =	seq.s32 s7, s2  }
0x1e: {  	s7 =	smul.u32 @!p0 $0xF7A, s2;
	p2 =	seq.s32 @!p0 s5, $0x0  }
0x1f: {  	s9 =	smul.u32 $0xF7A, s1;
	s8 =	simm.s32 @!p0 $0x1BF5;
	p2 =	por !p2, p0  }
0x20: {  	[sflag:s8] =	ssyncset.s32 @!p0 $0xFFFFF086;
	s6 =	sadd.s32 @!p0 s3, s7;
	s7 =	simm.s32 @!p0 $0x108  }
0x21: {  	s3 =	sadd.s32 s3, s9;
	s6 =	sadd.s32 @!p0 $0x88, s6;
	s7 =	simm.s32 @p2 $0x1082  }
0x22: {  	[simem:s7], [sflag:s8] =	dma.local @!p0 [hbm:s6], $0xF7A  }
0x23: {  	s9 =	sor.u32 $0xD0000000, s2;
	s6 =	simm.s32 $0x108;
	_ =	swait.ge @!p0 [sflag:s8], $0x0  }
0x24: {  	s3 =	sadd.s32 $0x88, s3;
	s6 =	simm.s32 @!p1 $0x1082;
	[sflag:s4] =	ssyncset.s32 $0xFFFFF086  }
0x25: {  	[simem:s6], [sflag:s4] =	dma.local [hbm:s3], $0xF7A  }
0x26: {  	[smem:$0x3F92] =	sst s1;
	(tag) =	ssettag s2;
	_ =	strace s9  }
0x27: {  	s1 =	sld [smem:$0x3FA2]  }
0x28: {  	s2 =	sld [smem:$0x3FA3]  }
0x29: {  	s4 =	sld [smem:$0x3FA5]  }
0x2a: {  	p0 =	seq.s32 s5, $0x0;
	s5 =	sld [smem:$0x3FA6]  }
0x2b: {  	s6 =	sld [smem:$0x3FA7]  }
0x2c: {  	s7 =	sld [smem:$0x3FA8]  }
0x2d: {  	s3 =	simm.s32 $0x108;
	s8 =	sld [smem:$0x3FA9]  }
0x2e: {  	s3 =	simm.s32 @!p0 $0x1082;
	s9 =	sld [smem:$0x3FAA]  }
0x2f: {  	lr =	sadd.s32 s0, s3;
	s0 =	sld [smem:$0x3FA1]  }
0x30: {  	s3 =	sld [smem:$0x3FA4]  }
0x31: {  	[smem:$0x3FAD] =	sst s10  }
0x32: {  	s10 =	sld [smem:$0x3FAB];
	_ =	sdelay $0x3  }
0x33: {  	p0 =	seq.s32 s10, $0x1;
	s10 =	sld [smem:$0x3FAD];
	_ =	sdelay $0x3  }
0x34: {  	[smem:$0x3FAD] =	sst s10  }
0x35: {  	s10 =	sld [smem:$0x3FAC];
	_ =	sdelay $0x3  }
0x36: {  	p1 =	seq.s32 s10, $0x1;
	s10 =	sld [smem:$0x3FAD];
	_ =	sdelay $0x3  }
0x37: {  	[smem:$0x3FAD] =	sst s10  }
0x38: {  	s10 =	sld [smem:$0x3FAE]  }
0x39: {  	_ = 	snop;
	(pc) =	sbr.ind lr, $3  }
0x3a: {  	_ = 	snop  }
0x3b: {  	_ = 	snop  }
0x3c: {  	p2 =	seq.s32 s10, $0x1;
	s10 =	sld [smem:$0x3FAD]  }
0x3d: {  	_ =	shalt  }
0x3e: {  	_ =	shalt  }
0x3f: {  	_ =	shalt  }
0x40: {  	_ =	shalt  }
0x41: {  	_ =	shalt  }
0x42: {  	_ =	shalt  }
0x43: {  	_ =	shalt  }
0x44: {  	_ =	shalt  }
0x45: {  	_ =	shalt  }
0x46: {  	_ =	shalt  }
0x47: {  	_ =	shalt  }
0x48: {  	_ =	shalt  }
0x49: {  	_ =	shalt  }
0x4a: {  	_ =	shalt  }
0x4b: {  	_ =	shalt  }
0x4c: {  	_ =	shalt  }
0x4d: {  	_ =	shalt  }
0x4e: {  	_ =	shalt  }
0x4f: {  	_ =	shalt  }
0x50: {  	_ =	shalt  }
0x51: {  	_ =	shalt  }
0x52: {  	_ =	shalt  }
0x53: {  	_ =	shalt  }
0x54: {  	_ =	shalt  }
0x55: {  	_ =	shalt  }
0x56: {  	_ =	shalt  }
0x57: {  	_ =	shalt  }
0x58: {  	_ =	shalt  }
0x59: {  	_ =	shalt  }
0x5a: {  	_ =	shalt  }
0x5b: {  	_ =	shalt  }
0x5c: {  	_ =	shalt  }
0x5d: {  	_ =	shalt  }
0x5e: {  	_ =	shalt  }
0x5f: {  	_ =	shalt  }
0x60: {  	_ =	shalt  }
0x61: {  	_ =	shalt  }
0x62: {  	_ =	shalt  }
0x63: {  	_ =	shalt  }
0x64: {  	_ =	shalt  }
0x65: {  	_ =	shalt  }
0x66: {  	_ =	shalt  }
0x67: {  	_ =	shalt  }
0x68: {  	_ =	shalt  }
0x69: {  	_ =	shalt  }
0x6a: {  	_ =	shalt  }
0x6b: {  	_ =	shalt  }
0x6c: {  	_ =	shalt  }
0x6d: {  	_ =	shalt  }
0x6e: {  	_ =	shalt  }
0x6f: {  	_ =	shalt  }
0x70: {  	_ =	shalt  }
0x71: {  	_ =	shalt  }
0x72: {  	_ =	shalt  }
0x73: {  	_ =	shalt  }
0x74: {  	_ =	shalt  }
0x75: {  	_ =	shalt  }
0x76: {  	_ =	shalt  }
0x77: {  	_ =	shalt  }
0x78: {  	_ =	shalt  }
0x79: {  	_ =	shalt  }
0x7a: {  	_ =	shalt  }
0x7b: {  	_ =	shalt  }
0x7c: {  	_ =	shalt  }
0x7d: {  	_ =	shalt  }
0x7e: {  	_ =	shalt  }
0x7f: {  	_ =	shalt  }
0x80: {  	_ =	shalt  }
0x81: {  	_ =	shalt  }
0x82: {  	_ =	shalt  }
0x83: {  	_ =	shalt  }
0x84: {  	_ =	shalt  }
0x85: {  	_ =	shalt  }
0x86: {  	_ =	shalt  }
0x87: {  	_ =	shalt  }
.Lfunc_end0:
.L_simem_size_0:
called_computation_lowered:
.L_overlay_start_0:
0x88: {  	s2 =	sld [smem:$0x3FD9]  }
0x89: {  	s3 =	sld [smem:$0x3FFE];
	_ =	sdelay $0x1  }
0x8a: {  	s1 =	srdreg.scid  }
0x8b: {  	s0 =	sand.u32 $0x1, s1  }
0x8c: {  	s14 =	sshll.u32 s0, $0xA;
	s2 =	sadd.s32 s3, s2  }
0x8d: {  	s2 =	sadd.s32 s2, s14  }
0x8e: {  	[smem:$0x3FB9] =	sst s2  }
0x8f: {  	_ = 	snop  }
0x90: {  	s2 =	sld [smem:$0x3FD0];
	_ =	sdelay $0x2  }
0x91: {  	s15 =	simm.s32 $0xA;
	s4 =	simm.s32 $0x10  }
0x92: {  	[smem:s4], [sflag:s15] =	dma.local [hbm:s2], $0x1  }
0x93: {  	_ =	swait.eq [sflag:s15], $0x1  }
0x94: {  	s16 =	sld [smem:$0x10];
	[sflag:s15] =	ssyncset.done $0x0  }
0x95: {  	s17 =	sld [smem:$0x12];
	[sflag:s15] =	ssyncadd.s32 $0xFFFFFFFF  }
0x96: {  	s18 =	sld [smem:$0x13];
	(tm) =	ssettm $0x1  }
0x97: {  	s5 =	sld [smem:$0x3FFB];
	_ =	sdelay $0x3  }
0x98: {  	_ =	strace s5  }
0x99: {  	s5 =	sld [smem:$0x3FFC];
	_ =	sdelay $0x3  }
0x9a: {  	_ =	strace s5  }
0x9b: {  	s5 =	sld [smem:$0x3FFD];
	_ =	sdelay $0x3  }
0x9c: {  	_ =	strace s5  }
0x9d: {  	_ =	strace $0x8FFFFFFF  }
0x9e: {  	s19 =	sld [smem:$0x3FDB];
	_ =	sdelay $0x1  }
0x9f: {  	s6 =	simm.s32 $_scs_section_size  }
0xa0: {  	s7 =	simm.s32 $_size__tile_overlayer_lowered;
	s8 =	simm.s32 $_tile_overlayer_lowered  }
0xa1: {  	s22 =	simm.s32 $0x1BFF;
	s21 =	sshll.u32 s8, $0x1;
	s5 =	sadd.s32 s6, s19  }
0xa2: {  	s9 =	simm.s32 $0x0;
	s20 =	sshll.u32 s7, $0x1;
	s7 =	sadd.s32 s21, s5  }
0xa3: {  	[timem:s9], [sflag:s22] =	dma.local [hbm:s7], s20  }
0xa4: {  	_ =	swait.ge [sflag:s22], s20  }
0xa5: {  	s6 =	ssub.s32 $0x0, s20;
	[sflag:s22] =	ssyncset.done $0x0  }
0xa6: {  	[sflag:s22] =	ssyncadd.s32 s6;
	_ =	sdelay $0x1  }
0xa7: {  	s23 =	simm.s32 $0x1B8B  }
0xa8: {  	_ =	swait.ge [sflag:s23], $0x1  }
0xa9: {  	[sflag:s23] =	ssyncset.done $0x0  }
0xaa: {  	s25 =	simm.s32 $0x1B8E;
	s24 =	sld [smem:$0x3FFE];
	[sflag:s23] =	ssyncadd.s32 $0xFFFFFFFF  }
0xab: {  	s26 =	simm.s32 $execute0_lowered;
	[smem:$0x3FD2] =	sst s25  }
0xac: {  	s7 =	sshll.u32 s26, $0x1;
	_ =	strace $0x80000046;
	[dreg:$0x1] =	wrdreg $0xFFFFFFFF  }
0xad: {  	s28 =	simm.s32 $_size_execute0_lowered;
	s5 =	sadd.s32 s5, s7;
	[dreg:$0x0] =	wrdreg $0x0  }
0xae: {  	s7 =	sshll.u32 s28, $0x1;
	[dreg:$0x2] =	wrdreg s5  }
0xaf: {  	[dreg:$0x3] =	wrdreg s7  }
0xb0: {  	[dreg:$0x4] =	wrdreg $0xC0  }
0xb1: {  	_ =	task [dreg:s9], $0x5FFFF  }
0xb2: {  	[dreg:$0x1] =	wrdreg $0xFFFFFFFF  }
0xb3: {  	[dreg:$0x0] =	wrdreg $0x60  }
0xb4: {  	[dreg:$0x2] =	wrdreg s16  }
0xb5: {  	[dreg:$0x3] =	wrdreg s17  }
0xb6: {  	[dreg:$0x4] =	wrdreg s18  }
0xb7: {  	[dreg:$0x5] =	wrdreg s24  }
0xb8: {  	[dreg:$0x6] =	wrdreg $0x9  }
0xb9: {  	_ =	task.clear_ibuf [dreg:s9], $0x7FFFF;
	_ =	strace $0x90000046  }
0xba: {  	s29 =	simm.s32 $0x9;
	_ =	strace $0x80000048  }
0xbb: {  	_ =	swait.ge [sflag:s29], $0x1  }
0xbc: {  	[sflag:s29] =	ssyncadd.s32 $0xFFFFFFFF  }
0xbd: {  	_ =	strace $0x90000048  }
0xbe: {  	_ =	sfence  }
0xbf: {  	s30 =	sld [smem:$0x0];
	_ =	sdelay $0x2  }
0xc0: {  	s31 =	sshll.u32 s1, $0xD;
	s1 =	sshrl.u32 s1, $0x2  }
0xc1: {  	s3 =	sand.u32 $0x4000, s31;
	s1 =	sadd.s32 s1, s30  }
0xc2: {  	s0 =	sor.u32 s3, s0;
	s1 =	sshll.u32 s1, $0x11  }
0xc3: {  	s0 =	sor.u32 s1, s0  }
0xc4: {  	s0 =	sadd.s32 $0x8F2B, s0  }
0xc5: {  	[sflag:s0] =	ssyncadd.remote.s32 $0x1  }
0xc6: {  	_ =	sfence.sel $0xFFFF  }
0xc7: {  	[dreg:$0x0] =	wrdreg $0xFFFFFFFF;
	(pc) =	sbr.abs _section_cstart, $3  }
0xc8: {  	[dreg:$0x1] =	wrdreg $0xFFFFFFFF  }
0xc9: {  	_ =	task.clear_ibuf [dreg:s9], $0x2FFFF;
	_ =	strace $0x9FFFFFFF  }
0xca: {  	(tm) =	ssettm $0x7FFFFFFF  }
0xcb: {  	_ =	shalt  }
tec
execute0_lowered:
.L_overlay_start_1:
0x0: {  	(tag) =	ssettag $0x1  }
0x1: {  	s4 =	rddreg [dreg:$0x0]  }
0x2: {  	s5 =	rddreg [dreg:$0x1]  }
0x3: {  	s0 =	srdreg.scid;
	s3 =	rddreg [dreg:$0x2]  }
0x4: {  	s1 =	stileid.u32;
	s6 =	rddreg [dreg:$0x3];
	s2 =	simm.s32 $0x0  }
0x5: {  	s12 =	simm.s32 $0x400;
	s13 =	simm.s32 $0x200;
	s11 =	simm.s32 $0x480  }
0x6: {  	p0 =	por $0x0, $0x0;
	s28 =	simm.s32 $0xD500;
	s29 =	simm.s32 $0x4500  }
0x7: {  	s30 =	simm.s32 $0x9500;
	s0 =	sand.u32 $0x1, s0;
	s1 =	sshll.u32 s1, $0x1  }
0x8: {  	s31 =	simm.s32 $0xE500;
	[smem:$0x7FF] =	sst s2;
	s1 =	sor.u32 s0, s1  }
0x9: {  	s8 =	sadd.s32 $0x2B400, s6;
	s0 =	ssub.s32 $0x2, s0;
	s7 =	smul.u32 $0x280, s1  }
0xa: {  	_ =	strace $0x80000047;
	s1 =	smul.u32 $0xA00, s1;
	s25 =	sshrl.u32 s0, $0x1  }
0xb: {  	s0 =	ssub.s32 s0, s25;
	s25 =	simm.s32 $0x3500;
	s7 =	sshrl.u32 s7, $0x3  }
0xc: {  	s1 =	sadd.s32 s1, s6;
	s0 =	smax.u32 s0, $0x1;
	s6 =	simm.s32 $0xA500  }
0xd: {  	s9 =	sadd.s32 s3, s7;
	s14 =	sadd.s32 s8, s7;
	s10 =	sadd.s32 $0x10, s7  }
0xe: {  	s17 =	sadd.s32 $0x20, s7;
	s20 =	sadd.s32 $0x30, s7;
	[dreg:$0x5] =	wrdreg s9  }
0xf: {  	s7 =	sadd.s32 $0x40, s7;
	s24 =	sadd.s32 $0x53E00, s1;
	[dreg:$0x6] =	wrdreg s14  }
0x10: {  	s26 =	sadd.s32 $0x3FE00, s1;
	s1 =	sadd.s32 $0x2BE00, s1;
	[dreg:$0xf] =	wrdreg s24  }
0x11: {  	p1 =	sne.s32 s0, $0x1;
	s15 =	sadd.s32 s3, s10;
	[dreg:$0x10] =	wrdreg s26  }
0x12: {  	s16 =	sadd.s32 s8, s10;
	s18 =	sadd.s32 s3, s17;
	[dreg:$0x11] =	wrdreg s1  }
0x13: {  	s19 =	sadd.s32 s8, s17;
	s21 =	sadd.s32 s3, s20;
	[dreg:$0x7] =	wrdreg s15  }
0x14: {  	s22 =	sadd.s32 s8, s20;
	s3 =	sadd.s32 s3, s7;
	[dreg:$0x8] =	wrdreg s16  }
0x15: {  	s23 =	sadd.s32 s8, s7;
	s10 =	simm.s32 $0x80;
	[dreg:$0x9] =	wrdreg s18  }
0x16: {  	s17 =	simm.s32 $0x100;
	s14 =	simm.s32 $0x380;
	[dreg:$0xa] =	wrdreg s19  }
0x17: {  	s8 =	simm.s32 $0x500;
	s7 =	simm.s32 $0x5500;
	[dreg:$0xb] =	wrdreg s21  }
0x18: {  	s20 =	simm.s32 $0x6500;
	s24 =	simm.s32 $0xC500;
	[dreg:$0xc] =	wrdreg s22  }
.Ltmp0:
0x19: {  	s1 =	sadd.s32 $0xFFFFFFFF, s0;
	[dreg:$0xd] =	wrdreg s3;
	(pc) =	sbr.rel @!p1 .LBB2_3-.Ltmp0, $4  }
0x1a: {  	s26 =	simm.s32 $0x8500;
	s9 =	simm.s32 $0x1;
	[dreg:$0xe] =	wrdreg s23  }
0x1b: {  	s3 =	simm.s32 $0x2;
	s18 =	simm.s32 $0x280;
	s16 =	simm.s32 $0x300  }
0x1c: {  	s15 =	simm.s32 $0x180;
	s19 =	simm.s32 $0x1500;
	s21 =	simm.s32 $0xB500  }
0x1d: {  	s22 =	simm.s32 $0x2500;
	s23 =	simm.s32 $0x7500;
	s0 =	rddreg [dreg:$0x5]  }
0x1e: {  	[tilespmem:s2], [sflag:$0x2] =	stream.linear.gather [hbm4b:s0+s2], $0x80, $0x38;
	[tilespmem:$0xF500] =	vst v63  }
0x1f: {  	_ =	swait.ge [sflag:s3], $0x80  }
0x20: {  	[sflag:s3] =	ssyncset.done $0x0  }
0x21: {  	s0 =	rddreg [dreg:$0x6];
	[sflag:s3] =	ssyncadd.s32 $0xFFFFFF80  }
0x22: {  	[tilespmem:s18], [sflag:$0x2] =	stream.linear.gather [hbm4b:s0+s2], $0x80, $0x38;
	[tilespmem:$0xF500] =	vst v63  }
0x23: {  	_ =	swait.ge [sflag:s3], $0x80  }
0x24: {  	[sflag:s3] =	ssyncset.done $0x0  }
0x25: {  	s0 =	rddreg [dreg:$0x7];
	[sflag:s3] =	ssyncadd.s32 $0xFFFFFF80  }
0x26: {  	[tilespmem:s10], [sflag:$0x2] =	stream.linear.gather [hbm4b:s0+s2], $0x80, $0x38;
	[tilespmem:$0xF500] =	vst v63  }
0x27: {  	_ =	swait.ge [sflag:s3], $0x80  }
0x28: {  	[sflag:s3] =	ssyncset.done $0x0  }
0x29: {  	s0 =	rddreg [dreg:$0x8];
	[sflag:s3] =	ssyncadd.s32 $0xFFFFFF80  }
0x2a: {  	[tilespmem:s16], [sflag:$0x2] =	stream.linear.gather [hbm4b:s0+s2], $0x80, $0x38;
	[tilespmem:$0xF500] =	vst v63  }
0x2b: {  	_ =	swait.ge [sflag:s3], $0x80  }
0x2c: {  	[sflag:s3] =	ssyncset.done $0x0  }
0x2d: {  	s0 =	rddreg [dreg:$0x9];
	[sflag:s3] =	ssyncadd.s32 $0xFFFFFF80  }
0x2e: {  	[tilespmem:s17], [sflag:$0x2] =	stream.linear.gather [hbm4b:s0+s2], $0x80, $0x38;
	[tilespmem:$0xF500] =	vst v63  }
0x2f: {  	_ =	swait.ge [sflag:s3], $0x80  }
0x30: {  	[sflag:s3] =	ssyncset.done $0x0  }
0x31: {  	s0 =	rddreg [dreg:$0xa];
	[sflag:s3] =	ssyncadd.s32 $0xFFFFFF80  }
0x32: {  	[tilespmem:s14], [sflag:$0x2] =	stream.linear.gather [hbm4b:s0+s2], $0x80, $0x38;
	[tilespmem:$0xF500] =	vst v63  }
0x33: {  	_ =	swait.ge [sflag:s3], $0x80  }
0x34: {  	[sflag:s3] =	ssyncset.done $0x0  }
0x35: {  	s0 =	rddreg [dreg:$0xb];
	[sflag:s3] =	ssyncadd.s32 $0xFFFFFF80  }
0x36: {  	[tilespmem:s15], [sflag:$0x2] =	stream.linear.gather [hbm4b:s0+s2], $0x80, $0x38;
	[tilespmem:$0xF500] =	vst v63  }
0x37: {  	_ =	swait.ge [sflag:s3], $0x80  }
0x38: {  	[sflag:s3] =	ssyncset.done $0x0  }
0x39: {  	s0 =	rddreg [dreg:$0xc];
	[sflag:s3] =	ssyncadd.s32 $0xFFFFFF80  }
0x3a: {  	[tilespmem:s12], [sflag:$0x2] =	stream.linear.gather [hbm4b:s0+s2], $0x80, $0x38;
	[tilespmem:$0xF500] =	vst v63  }
0x3b: {  	_ =	swait.ge [sflag:s3], $0x80  }
0x3c: {  	[sflag:s3] =	ssyncset.done $0x0  }
0x3d: {  	s0 =	rddreg [dreg:$0xd];
	[sflag:s3] =	ssyncadd.s32 $0xFFFFFF80  }
0x3e: {  	[tilespmem:s13], [sflag:$0x2] =	stream.linear.gather [hbm4b:s0+s2], $0x80, $0x38;
	[tilespmem:$0xF500] =	vst v63  }
0x3f: {  	_ =	swait.ge [sflag:s3], $0x80  }
0x40: {  	[sflag:s3] =	ssyncset.done $0x0  }
0x41: {  	s0 =	rddreg [dreg:$0xe];
	[sflag:s3] =	ssyncadd.s32 $0xFFFFFF80  }
0x42: {  	[tilespmem:s11], [sflag:$0x2] =	stream.linear.gather [hbm4b:s0+s2], $0x80, $0x38;
	[tilespmem:$0xF500] =	vst v63  }
0x43: {  	_ =	swait.ge [sflag:s3], $0x80  }
0x44: {  	[sflag:s3] =	ssyncset.done $0x0  }
0x45: {  	[sflag:s3] =	ssyncadd.s32 $0xFFFFFF80  }
0x46: {  	[tilespmem:s8], [sflag:$0x1] =	stream.indirect.gather [hbm4b:s4+s10], $0x20, s2, s10, $0xb8;
	[tilespmem:$0xF500] =	vst v63  }
0x47: {  	_ = 	snop  }
0x48: {  	[tilespmem:s7], [sflag:$0x1] =	stream.indirect.gather [hbm4b:s4+s10], $0x20, s18, s10, $0xb8;
	[tilespmem:$0xF500] =	vst v63  }
0x49: {  	_ = 	snop  }
0x4a: {  	[tilespmem:s6], [sflag:$0x1] =	stream.indirect.gather [hbm4b:s5+s10], $0x20, s18, s10, $0xb8;
	[tilespmem:$0xF500] =	vst v63  }
0x4b: {  	_ = 	snop  }
0x4c: {  	[tilespmem:s19], [sflag:$0x1] =	stream.indirect.gather [hbm4b:s4+s10], $0x20, s10, s10, $0xb8;
	[tilespmem:$0xF500] =	vst v63  }
0x4d: {  	_ = 	snop  }
0x4e: {  	[tilespmem:s20], [sflag:$0x1] =	stream.indirect.gather [hbm4b:s4+s10], $0x20, s16, s10, $0xb8;
	[tilespmem:$0xF500] =	vst v63  }
0x4f: {  	_ = 	snop  }
0x50: {  	[tilespmem:s21], [sflag:$0x1] =	stream.indirect.gather [hbm4b:s5+s10], $0x20, s16, s10, $0xb8;
	[tilespmem:$0xF500] =	vst v63  }
0x51: {  	_ = 	snop  }
0x52: {  	[tilespmem:s22], [sflag:$0x1] =	stream.indirect.gather [hbm4b:s4+s10], $0x20, s17, s10, $0xb8;
	[tilespmem:$0xF500] =	vst v63  }
0x53: {  	_ = 	snop  }
0x54: {  	[tilespmem:s23], [sflag:$0x1] =	stream.indirect.gather [hbm4b:s4+s10], $0x20, s14, s10, $0xb8;
	[tilespmem:$0xF500] =	vst v63  }
0x55: {  	_ = 	snop  }
0x56: {  	[tilespmem:s24], [sflag:$0x1] =	stream.indirect.gather [hbm4b:s5+s10], $0x20, s14, s10, $0xb8;
	[tilespmem:$0xF500] =	vst v63  }
0x57: {  	_ = 	snop  }
0x58: {  	[tilespmem:s25], [sflag:$0x1] =	stream.indirect.gather [hbm4b:s4+s10], $0x20, s15, s10, $0xb8;
	[tilespmem:$0xF500] =	vst v63  }
0x59: {  	_ = 	snop  }
0x5a: {  	[tilespmem:s26], [sflag:$0x1] =	stream.indirect.gather [hbm4b:s4+s10], $0x20, s12, s10, $0xb8;
	[tilespmem:$0xF500] =	vst v63  }
0x5b: {  	_ = 	snop  }
0x5c: {  	[tilespmem:s28], [sflag:$0x1] =	stream.indirect.gather [hbm4b:s5+s10], $0x20, s12, s10, $0xb8;
	[tilespmem:$0xF500] =	vst v63  }
0x5d: {  	_ = 	snop  }
0x5e: {  	[tilespmem:s29], [sflag:$0x1] =	stream.indirect.gather [hbm4b:s4+s10], $0x20, s13, s10, $0xb8;
	[tilespmem:$0xF500] =	vst v63  }
0x5f: {  	_ = 	snop  }
0x60: {  	[tilespmem:s30], [sflag:$0x1] =	stream.indirect.gather [hbm4b:s4+s10], $0x20, s11, s10, $0xb8;
	[tilespmem:$0xF500] =	vst v63  }
0x61: {  	_ = 	snop  }
0x62: {  	[tilespmem:s31], [sflag:$0x1] =	stream.indirect.gather [hbm4b:s5+s10], $0x20, s11, s10, $0xb8;
	[tilespmem:$0xF500] =	vst v63  }
0x63: {  	_ =	swait.ge [sflag:s9], $0x1000  }
0x64: {  	[sflag:s9] =	ssyncset.done $0x0  }
0x65: {  	[sflag:s9] =	ssyncadd.s32 $0xFFFFF000  }
0x66: {  	_ =	swait.ge [sflag:s9], $0x1000  }
0x67: {  	[sflag:s9] =	ssyncset.done $0x0  }
0x68: {  	[sflag:s9] =	ssyncadd.s32 $0xFFFFF000  }
0x69: {  	_ =	swait.ge [sflag:s9], $0x1000  }
0x6a: {  	[sflag:s9] =	ssyncset.done $0x0  }
0x6b: {  	[sflag:s9] =	ssyncadd.s32 $0xFFFFF000  }
0x6c: {  	_ =	swait.ge [sflag:s9], $0x1000  }
0x6d: {  	[sflag:s9] =	ssyncset.done $0x0  }
0x6e: {  	[sflag:s9] =	ssyncadd.s32 $0xFFFFF000  }
0x6f: {  	_ =	swait.ge [sflag:s9], $0x1000  }
0x70: {  	[sflag:s9] =	ssyncset.done $0x0  }
0x71: {  	[sflag:s9] =	ssyncadd.s32 $0xFFFFF000  }
0x72: {  	_ =	swait.ge [sflag:s9], $0x1000  }
0x73: {  	[sflag:s9] =	ssyncset.done $0x0  }
0x74: {  	[sflag:s9] =	ssyncadd.s32 $0xFFFFF000  }
0x75: {  	_ =	swait.ge [sflag:s9], $0x1000  }
0x76: {  	[sflag:s9] =	ssyncset.done $0x0  }
0x77: {  	[sflag:s9] =	ssyncadd.s32 $0xFFFFF000  }
0x78: {  	_ =	swait.ge [sflag:s9], $0x1000  }
0x79: {  	[sflag:s9] =	ssyncset.done $0x0  }
0x7a: {  	[sflag:s9] =	ssyncadd.s32 $0xFFFFF000  }
0x7b: {  	_ =	swait.ge [sflag:s9], $0x1000  }
0x7c: {  	[sflag:s9] =	ssyncset.done $0x0  }
0x7d: {  	[sflag:s9] =	ssyncadd.s32 $0xFFFFF000  }
0x7e: {  	_ =	swait.ge [sflag:s9], $0x1000  }
0x7f: {  	[sflag:s9] =	ssyncset.done $0x0  }
0x80: {  	[sflag:s9] =	ssyncadd.s32 $0xFFFFF000  }
0x81: {  	_ =	swait.ge [sflag:s9], $0x1000  }
0x82: {  	[sflag:s9] =	ssyncset.done $0x0  }
0x83: {  	[sflag:s9] =	ssyncadd.s32 $0xFFFFF000  }
0x84: {  	_ =	swait.ge [sflag:s9], $0x1000  }
0x85: {  	[sflag:s9] =	ssyncset.done $0x0  }
0x86: {  	[sflag:s9] =	ssyncadd.s32 $0xFFFFF000  }
0x87: {  	_ =	swait.ge [sflag:s9], $0x1000  }
0x88: {  	[sflag:s9] =	ssyncset.done $0x0  }
0x89: {  	[sflag:s9] =	ssyncadd.s32 $0xFFFFF000  }
0x8a: {  	_ =	swait.ge [sflag:s9], $0x1000  }
0x8b: {  	[sflag:s9] =	ssyncset.done $0x0  }
0x8c: {  	[sflag:s9] =	ssyncadd.s32 $0xFFFFF000  }
0x8d: {  	_ =	swait.ge [sflag:s9], $0x1000  }
0x8e: {  	[sflag:s9] =	ssyncset.done $0x0  }
0x8f: {  	s0 =	rddreg [dreg:$0xf];
	[sflag:s9] =	ssyncadd.s32 $0xFFFFF000  }
0x90: {  	[hbm4b:s0+s2] =	stream.linear.scatter [tilespmem:s8], [sflag:$0x2], $0x5000, $0x38;
	[tilespmem:$0xF500] =	vst v63  }
0x91: {  	_ =	swait.ge [sflag:s3], $0x5000  }
0x92: {  	[sflag:s3] =	ssyncset.done $0x0  }
0x93: {  	s0 =	rddreg [dreg:$0x10];
	[sflag:s3] =	ssyncadd.s32 $0xFFFFB000  }
0x94: {  	[hbm4b:s0+s2] =	stream.linear.scatter [tilespmem:s7], [sflag:$0x2], $0x5000, $0x38;
	[tilespmem:$0xF500] =	vst v63  }
0x95: {  	p1 =	sne.s32 s1, $0x1;
	_ =	swait.ge [sflag:s3], $0x5000  }
.Ltmp1:
0x96: {  	[sflag:s3] =	ssyncset.done $0x0;
	(pc) =	sbr.rel @!p1 .LBB2_3-.Ltmp1, $4  }
0x97: {  	s0 =	rddreg [dreg:$0x11];
	[sflag:s3] =	ssyncadd.s32 $0xFFFFB000  }
0x98: {  	[hbm4b:s0+s2] =	stream.linear.scatter [tilespmem:s6], [sflag:$0x2], $0x5000, $0x38;
	[tilespmem:$0xF500] =	vst v63  }
0x99: {  	s1 =	sadd.s32 $0xFFFFFFFF, s1;
	_ =	swait.ge [sflag:s3], $0x5000  }
0x9a: {  	p0 =	por $0x1, $0x1;
	s0 =	rddreg [dreg:$0x5];
	[sflag:s3] =	ssyncset.done $0x0  }
.LBB2_2:
0x9b: {  	[sflag:s3] =	ssyncadd.s32 $0xFFFFB000  }
0x9c: {  	[tilespmem:s2], [sflag:$0x2] =	stream.linear.gather [hbm4b:s0+s2], $0x80, $0x38;
	[tilespmem:$0xF500] =	vst v63  }
0x9d: {  	_ =	swait.ge [sflag:s3], $0x80  }
0x9e: {  	[sflag:s3] =	ssyncset.done $0x0  }
0x9f: {  	s0 =	rddreg [dreg:$0x6];
	[sflag:s3] =	ssyncadd.s32 $0xFFFFFF80  }
0xa0: {  	[tilespmem:s18], [sflag:$0x2] =	stream.linear.gather [hbm4b:s0+s2], $0x80, $0x38;
	[tilespmem:$0xF500] =	vst v63  }
0xa1: {  	_ =	swait.ge [sflag:s3], $0x80  }
0xa2: {  	[sflag:s3] =	ssyncset.done $0x0  }
0xa3: {  	s0 =	rddreg [dreg:$0x7];
	[sflag:s3] =	ssyncadd.s32 $0xFFFFFF80  }
0xa4: {  	[tilespmem:s10], [sflag:$0x2] =	stream.linear.gather [hbm4b:s0+s2], $0x80, $0x38;
	[tilespmem:$0xF500] =	vst v63  }
0xa5: {  	_ =	swait.ge [sflag:s3], $0x80  }
0xa6: {  	[sflag:s3] =	ssyncset.done $0x0  }
0xa7: {  	s0 =	rddreg [dreg:$0x8];
	[sflag:s3] =	ssyncadd.s32 $0xFFFFFF80  }
0xa8: {  	[tilespmem:s16], [sflag:$0x2] =	stream.linear.gather [hbm4b:s0+s2], $0x80, $0x38;
	[tilespmem:$0xF500] =	vst v63  }
0xa9: {  	_ =	swait.ge [sflag:s3], $0x80  }
0xaa: {  	[sflag:s3] =	ssyncset.done $0x0  }
0xab: {  	s0 =	rddreg [dreg:$0x9];
	[sflag:s3] =	ssyncadd.s32 $0xFFFFFF80  }
0xac: {  	[tilespmem:s17], [sflag:$0x2] =	stream.linear.gather [hbm4b:s0+s2], $0x80, $0x38;
	[tilespmem:$0xF500] =	vst v63  }
0xad: {  	_ =	swait.ge [sflag:s3], $0x80  }
0xae: {  	[sflag:s3] =	ssyncset.done $0x0  }
0xaf: {  	s0 =	rddreg [dreg:$0xa];
	[sflag:s3] =	ssyncadd.s32 $0xFFFFFF80  }
0xb0: {  	[tilespmem:s14], [sflag:$0x2] =	stream.linear.gather [hbm4b:s0+s2], $0x80, $0x38;
	[tilespmem:$0xF500] =	vst v63  }
0xb1: {  	_ =	swait.ge [sflag:s3], $0x80  }
0xb2: {  	[sflag:s3] =	ssyncset.done $0x0  }
0xb3: {  	s0 =	rddreg [dreg:$0xb];
	[sflag:s3] =	ssyncadd.s32 $0xFFFFFF80  }
0xb4: {  	[tilespmem:s15], [sflag:$0x2] =	stream.linear.gather [hbm4b:s0+s2], $0x80, $0x38;
	[tilespmem:$0xF500] =	vst v63  }
0xb5: {  	_ =	swait.ge [sflag:s3], $0x80  }
0xb6: {  	[sflag:s3] =	ssyncset.done $0x0  }
0xb7: {  	s0 =	rddreg [dreg:$0xc];
	[sflag:s3] =	ssyncadd.s32 $0xFFFFFF80  }
0xb8: {  	[tilespmem:s12], [sflag:$0x2] =	stream.linear.gather [hbm4b:s0+s2], $0x80, $0x38;
	[tilespmem:$0xF500] =	vst v63  }
0xb9: {  	_ =	swait.ge [sflag:s3], $0x80  }
0xba: {  	[sflag:s3] =	ssyncset.done $0x0  }
0xbb: {  	s0 =	rddreg [dreg:$0xd];
	[sflag:s3] =	ssyncadd.s32 $0xFFFFFF80  }
0xbc: {  	[tilespmem:s13], [sflag:$0x2] =	stream.linear.gather [hbm4b:s0+s2], $0x80, $0x38;
	[tilespmem:$0xF500] =	vst v63  }
0xbd: {  	_ =	swait.ge [sflag:s3], $0x80  }
0xbe: {  	[sflag:s3] =	ssyncset.done $0x0  }
0xbf: {  	s0 =	rddreg [dreg:$0xe];
	[sflag:s3] =	ssyncadd.s32 $0xFFFFFF80  }
0xc0: {  	[tilespmem:s11], [sflag:$0x2] =	stream.linear.gather [hbm4b:s0+s2], $0x80, $0x38;
	[tilespmem:$0xF500] =	vst v63  }
0xc1: {  	_ =	swait.ge [sflag:s3], $0x80  }
0xc2: {  	[sflag:s3] =	ssyncset.done $0x0  }
0xc3: {  	[sflag:s3] =	ssyncadd.s32 $0xFFFFFF80  }
0xc4: {  	[tilespmem:s8], [sflag:$0x1] =	stream.indirect.gather [hbm4b:s4+s10], $0x20, s2, s10, $0xb8;
	[tilespmem:$0xF500] =	vst v63  }
0xc5: {  	_ = 	snop  }
0xc6: {  	[tilespmem:s7], [sflag:$0x1] =	stream.indirect.gather [hbm4b:s4+s10], $0x20, s18, s10, $0xb8;
	[tilespmem:$0xF500] =	vst v63  }
0xc7: {  	_ = 	snop  }
0xc8: {  	[tilespmem:s6], [sflag:$0x1] =	stream.indirect.gather [hbm4b:s5+s10], $0x20, s18, s10, $0xb8;
	[tilespmem:$0xF500] =	vst v63  }
0xc9: {  	_ = 	snop  }
0xca: {  	[tilespmem:s19], [sflag:$0x1] =	stream.indirect.gather [hbm4b:s4+s10], $0x20, s10, s10, $0xb8;
	[tilespmem:$0xF500] =	vst v63  }
0xcb: {  	_ = 	snop  }
0xcc: {  	[tilespmem:s20], [sflag:$0x1] =	stream.indirect.gather [hbm4b:s4+s10], $0x20, s16, s10, $0xb8;
	[tilespmem:$0xF500] =	vst v63  }
0xcd: {  	_ = 	snop  }
0xce: {  	[tilespmem:s21], [sflag:$0x1] =	stream.indirect.gather [hbm4b:s5+s10], $0x20, s16, s10, $0xb8;
	[tilespmem:$0xF500] =	vst v63  }
0xcf: {  	_ = 	snop  }
0xd0: {  	[tilespmem:s22], [sflag:$0x1] =	stream.indirect.gather [hbm4b:s4+s10], $0x20, s17, s10, $0xb8;
	[tilespmem:$0xF500] =	vst v63  }
0xd1: {  	_ = 	snop  }
0xd2: {  	[tilespmem:s23], [sflag:$0x1] =	stream.indirect.gather [hbm4b:s4+s10], $0x20, s14, s10, $0xb8;
	[tilespmem:$0xF500] =	vst v63  }
0xd3: {  	_ = 	snop  }
0xd4: {  	[tilespmem:s24], [sflag:$0x1] =	stream.indirect.gather [hbm4b:s5+s10], $0x20, s14, s10, $0xb8;
	[tilespmem:$0xF500] =	vst v63  }
0xd5: {  	_ = 	snop  }
0xd6: {  	[tilespmem:s25], [sflag:$0x1] =	stream.indirect.gather [hbm4b:s4+s10], $0x20, s15, s10, $0xb8;
	[tilespmem:$0xF500] =	vst v63  }
0xd7: {  	_ = 	snop  }
0xd8: {  	[tilespmem:s26], [sflag:$0x1] =	stream.indirect.gather [hbm4b:s4+s10], $0x20, s12, s10, $0xb8;
	[tilespmem:$0xF500] =	vst v63  }
0xd9: {  	_ = 	snop  }
0xda: {  	[tilespmem:s28], [sflag:$0x1] =	stream.indirect.gather [hbm4b:s5+s10], $0x20, s12, s10, $0xb8;
	[tilespmem:$0xF500] =	vst v63  }
0xdb: {  	_ = 	snop  }
0xdc: {  	[tilespmem:s29], [sflag:$0x1] =	stream.indirect.gather [hbm4b:s4+s10], $0x20, s13, s10, $0xb8;
	[tilespmem:$0xF500] =	vst v63  }
0xdd: {  	_ = 	snop  }
0xde: {  	[tilespmem:s30], [sflag:$0x1] =	stream.indirect.gather [hbm4b:s4+s10], $0x20, s11, s10, $0xb8;
	[tilespmem:$0xF500] =	vst v63  }
0xdf: {  	_ = 	snop  }
0xe0: {  	[tilespmem:s31], [sflag:$0x1] =	stream.indirect.gather [hbm4b:s5+s10], $0x20, s11, s10, $0xb8;
	[tilespmem:$0xF500] =	vst v63  }
0xe1: {  	_ =	swait.ge [sflag:s9], $0x1000  }
0xe2: {  	[sflag:s9] =	ssyncset.done $0x0  }
0xe3: {  	[sflag:s9] =	ssyncadd.s32 $0xFFFFF000  }
0xe4: {  	_ =	swait.ge [sflag:s9], $0x1000  }
0xe5: {  	[sflag:s9] =	ssyncset.done $0x0  }
0xe6: {  	[sflag:s9] =	ssyncadd.s32 $0xFFFFF000  }
0xe7: {  	_ =	swait.ge [sflag:s9], $0x1000  }
0xe8: {  	[sflag:s9] =	ssyncset.done $0x0  }
0xe9: {  	[sflag:s9] =	ssyncadd.s32 $0xFFFFF000  }
0xea: {  	_ =	swait.ge [sflag:s9], $0x1000  }
0xeb: {  	[sflag:s9] =	ssyncset.done $0x0  }
0xec: {  	[sflag:s9] =	ssyncadd.s32 $0xFFFFF000  }
0xed: {  	_ =	swait.ge [sflag:s9], $0x1000  }
0xee: {  	[sflag:s9] =	ssyncset.done $0x0  }
0xef: {  	[sflag:s9] =	ssyncadd.s32 $0xFFFFF000  }
0xf0: {  	_ =	swait.ge [sflag:s9], $0x1000  }
0xf1: {  	[sflag:s9] =	ssyncset.done $0x0  }
0xf2: {  	[sflag:s9] =	ssyncadd.s32 $0xFFFFF000  }
0xf3: {  	_ =	swait.ge [sflag:s9], $0x1000  }
0xf4: {  	[sflag:s9] =	ssyncset.done $0x0  }
0xf5: {  	[sflag:s9] =	ssyncadd.s32 $0xFFFFF000  }
0xf6: {  	_ =	swait.ge [sflag:s9], $0x1000  }
0xf7: {  	[sflag:s9] =	ssyncset.done $0x0  }
0xf8: {  	[sflag:s9] =	ssyncadd.s32 $0xFFFFF000  }
0xf9: {  	_ =	swait.ge [sflag:s9], $0x1000  }
0xfa: {  	[sflag:s9] =	ssyncset.done $0x0  }
0xfb: {  	[sflag:s9] =	ssyncadd.s32 $0xFFFFF000  }
0xfc: {  	_ =	swait.ge [sflag:s9], $0x1000  }
0xfd: {  	[sflag:s9] =	ssyncset.done $0x0  }
0xfe: {  	[sflag:s9] =	ssyncadd.s32 $0xFFFFF000  }
0xff: {  	_ =	swait.ge [sflag:s9], $0x1000  }
0x100: {  	[sflag:s9] =	ssyncset.done $0x0  }
0x101: {  	[sflag:s9] =	ssyncadd.s32 $0xFFFFF000  }
0x102: {  	_ =	swait.ge [sflag:s9], $0x1000  }
0x103: {  	[sflag:s9] =	ssyncset.done $0x0  }
0x104: {  	[sflag:s9] =	ssyncadd.s32 $0xFFFFF000  }
0x105: {  	_ =	swait.ge [sflag:s9], $0x1000  }
0x106: {  	[sflag:s9] =	ssyncset.done $0x0  }
0x107: {  	[sflag:s9] =	ssyncadd.s32 $0xFFFFF000  }
0x108: {  	_ =	swait.ge [sflag:s9], $0x1000  }
0x109: {  	[sflag:s9] =	ssyncset.done $0x0  }
0x10a: {  	[sflag:s9] =	ssyncadd.s32 $0xFFFFF000  }
0x10b: {  	_ =	swait.ge [sflag:s9], $0x1000  }
0x10c: {  	[sflag:s9] =	ssyncset.done $0x0  }
0x10d: {  	s0 =	rddreg [dreg:$0xf];
	[sflag:s9] =	ssyncadd.s32 $0xFFFFF000  }
0x10e: {  	[hbm4b:s0+s2] =	stream.linear.scatter [tilespmem:s8], [sflag:$0x2], $0x5000, $0x38;
	[tilespmem:$0xF500] =	vst v63  }
0x10f: {  	_ =	swait.ge [sflag:s3], $0x5000  }
0x110: {  	[sflag:s3] =	ssyncset.done $0x0  }
0x111: {  	s0 =	rddreg [dreg:$0x10];
	[sflag:s3] =	ssyncadd.s32 $0xFFFFB000  }
0x112: {  	[hbm4b:s0+s2] =	stream.linear.scatter [tilespmem:s7], [sflag:$0x2], $0x5000, $0x38;
	[tilespmem:$0xF500] =	vst v63  }
0x113: {  	p1 =	sne.s32 s1, $0x1;
	_ =	swait.ge [sflag:s3], $0x5000  }
.Ltmp2:
0x114: {  	[sflag:s3] =	ssyncset.done $0x0;
	(pc) =	sbr.rel @p1 .LBB2_2-.Ltmp2, $4  }
0x115: {  	s0 =	rddreg [dreg:$0x11];
	[sflag:s3] =	ssyncadd.s32 $0xFFFFB000  }
0x116: {  	[hbm4b:s0+s2] =	stream.linear.scatter [tilespmem:s6], [sflag:$0x2], $0x5000, $0x38;
	[tilespmem:$0xF500] =	vst v63  }
0x117: {  	_ =	swait.ge [sflag:s3], $0x5000  }
0x118: {  	s1 =	sadd.s32 $0xFFFFFFFF, s1;
	s0 =	rddreg [dreg:$0x5];
	[sflag:s3] =	ssyncset.done $0x0  }
.LBB2_3:
0x119: {  	[sflag:s3] =	ssyncadd.s32 @p0 $0xFFFFB000  }
0x11a: {  	[tilespmem:s2], [sflag:$0x2] =	stream.linear.gather [hbm4b:s0+s2], $0x80, $0x38;
	[tilespmem:$0xF500] =	vst v63  }
0x11b: {  	_ =	swait.ge [sflag:s3], $0x80  }
0x11c: {  	[sflag:s3] =	ssyncset.done $0x0  }
0x11d: {  	s1 =	rddreg [dreg:$0x6];
	[sflag:s3] =	ssyncadd.s32 $0xFFFFFF80  }
0x11e: {  	[tilespmem:s18], [sflag:$0x2] =	stream.linear.gather [hbm4b:s1+s2], $0x80, $0x38;
	[tilespmem:$0xF500] =	vst v63  }
0x11f: {  	_ =	swait.ge [sflag:s3], $0x80  }
0x120: {  	[sflag:s3] =	ssyncset.done $0x0  }
0x121: {  	s1 =	rddreg [dreg:$0x7];
	[sflag:s3] =	ssyncadd.s32 $0xFFFFFF80  }
0x122: {  	[tilespmem:s10], [sflag:$0x2] =	stream.linear.gather [hbm4b:s1+s2], $0x80, $0x38;
	[tilespmem:$0xF500] =	vst v63  }
0x123: {  	_ =	swait.ge [sflag:s3], $0x80  }
0x124: {  	[sflag:s3] =	ssyncset.done $0x0  }
0x125: {  	s1 =	rddreg [dreg:$0x8];
	[sflag:s3] =	ssyncadd.s32 $0xFFFFFF80  }
0x126: {  	[tilespmem:s16], [sflag:$0x2] =	stream.linear.gather [hbm4b:s1+s2], $0x80, $0x38;
	[tilespmem:$0xF500] =	vst v63  }
0x127: {  	_ =	swait.ge [sflag:s3], $0x80  }
0x128: {  	[sflag:s3] =	ssyncset.done $0x0  }
0x129: {  	s1 =	rddreg [dreg:$0x9];
	[sflag:s3] =	ssyncadd.s32 $0xFFFFFF80  }
0x12a: {  	[tilespmem:s17], [sflag:$0x2] =	stream.linear.gather [hbm4b:s1+s2], $0x80, $0x38;
	[tilespmem:$0xF500] =	vst v63  }
0x12b: {  	_ =	swait.ge [sflag:s3], $0x80  }
0x12c: {  	[sflag:s3] =	ssyncset.done $0x0  }
0x12d: {  	s1 =	rddreg [dreg:$0xa];
	[sflag:s3] =	ssyncadd.s32 $0xFFFFFF80  }
0x12e: {  	[tilespmem:s14], [sflag:$0x2] =	stream.linear.gather [hbm4b:s1+s2], $0x80, $0x38;
	[tilespmem:$0xF500] =	vst v63  }
0x12f: {  	_ =	swait.ge [sflag:s3], $0x80  }
0x130: {  	[sflag:s3] =	ssyncset.done $0x0  }
0x131: {  	s1 =	rddreg [dreg:$0xb];
	[sflag:s3] =	ssyncadd.s32 $0xFFFFFF80  }
0x132: {  	[tilespmem:s15], [sflag:$0x2] =	stream.linear.gather [hbm4b:s1+s2], $0x80, $0x38;
	[tilespmem:$0xF500] =	vst v63  }
0x133: {  	_ =	swait.ge [sflag:s3], $0x80  }
0x134: {  	[sflag:s3] =	ssyncset.done $0x0  }
0x135: {  	s1 =	rddreg [dreg:$0xc];
	[sflag:s3] =	ssyncadd.s32 $0xFFFFFF80  }
0x136: {  	[tilespmem:s12], [sflag:$0x2] =	stream.linear.gather [hbm4b:s1+s2], $0x80, $0x38;
	[tilespmem:$0xF500] =	vst v63  }
0x137: {  	_ =	swait.ge [sflag:s3], $0x80  }
0x138: {  	[sflag:s3] =	ssyncset.done $0x0  }
0x139: {  	s1 =	rddreg [dreg:$0xd];
	[sflag:s3] =	ssyncadd.s32 $0xFFFFFF80  }
0x13a: {  	[tilespmem:s13], [sflag:$0x2] =	stream.linear.gather [hbm4b:s1+s2], $0x80, $0x38;
	[tilespmem:$0xF500] =	vst v63  }
0x13b: {  	_ =	swait.ge [sflag:s3], $0x80  }
0x13c: {  	[sflag:s3] =	ssyncset.done $0x0  }
0x13d: {  	s1 =	rddreg [dreg:$0xe];
	[sflag:s3] =	ssyncadd.s32 $0xFFFFFF80  }
0x13e: {  	[tilespmem:s11], [sflag:$0x2] =	stream.linear.gather [hbm4b:s1+s2], $0x80, $0x38;
	[tilespmem:$0xF500] =	vst v63  }
0x13f: {  	_ =	swait.ge [sflag:s3], $0x80  }
0x140: {  	[sflag:s3] =	ssyncset.done $0x0  }
0x141: {  	[sflag:s3] =	ssyncadd.s32 $0xFFFFFF80  }
0x142: {  	[tilespmem:s8], [sflag:$0x1] =	stream.indirect.gather [hbm4b:s4+s10], $0x20, s2, s10, $0xb8;
	[tilespmem:$0xF500] =	vst v63  }
0x143: {  	_ = 	snop  }
0x144: {  	[tilespmem:s7], [sflag:$0x1] =	stream.indirect.gather [hbm4b:s4+s10], $0x20, s18, s10, $0xb8;
	[tilespmem:$0xF500] =	vst v63  }
0x145: {  	_ = 	snop  }
0x146: {  	[tilespmem:s6], [sflag:$0x1] =	stream.indirect.gather [hbm4b:s5+s10], $0x20, s18, s10, $0xb8;
	[tilespmem:$0xF500] =	vst v63  }
0x147: {  	_ = 	snop  }
0x148: {  	[tilespmem:s19], [sflag:$0x1] =	stream.indirect.gather [hbm4b:s4+s10], $0x20, s10, s10, $0xb8;
	[tilespmem:$0xF500] =	vst v63  }
0x149: {  	_ = 	snop  }
0x14a: {  	[tilespmem:s20], [sflag:$0x1] =	stream.indirect.gather [hbm4b:s4+s10], $0x20, s16, s10, $0xb8;
	[tilespmem:$0xF500] =	vst v63  }
0x14b: {  	_ = 	snop  }
0x14c: {  	[tilespmem:s21], [sflag:$0x1] =	stream.indirect.gather [hbm4b:s5+s10], $0x20, s16, s10, $0xb8;
	[tilespmem:$0xF500] =	vst v63  }
0x14d: {  	_ = 	snop  }
0x14e: {  	[tilespmem:s22], [sflag:$0x1] =	stream.indirect.gather [hbm4b:s4+s10], $0x20, s17, s10, $0xb8;
	[tilespmem:$0xF500] =	vst v63  }
0x14f: {  	_ = 	snop  }
0x150: {  	[tilespmem:s23], [sflag:$0x1] =	stream.indirect.gather [hbm4b:s4+s10], $0x20, s14, s10, $0xb8;
	[tilespmem:$0xF500] =	vst v63  }
0x151: {  	_ = 	snop  }
0x152: {  	[tilespmem:s24], [sflag:$0x1] =	stream.indirect.gather [hbm4b:s5+s10], $0x20, s14, s10, $0xb8;
	[tilespmem:$0xF500] =	vst v63  }
0x153: {  	_ = 	snop  }
0x154: {  	[tilespmem:s25], [sflag:$0x1] =	stream.indirect.gather [hbm4b:s4+s10], $0x20, s15, s10, $0xb8;
	[tilespmem:$0xF500] =	vst v63  }
0x155: {  	_ = 	snop  }
0x156: {  	[tilespmem:s26], [sflag:$0x1] =	stream.indirect.gather [hbm4b:s4+s10], $0x20, s12, s10, $0xb8;
	[tilespmem:$0xF500] =	vst v63  }
0x157: {  	_ = 	snop  }
0x158: {  	[tilespmem:s28], [sflag:$0x1] =	stream.indirect.gather [hbm4b:s5+s10], $0x20, s12, s10, $0xb8;
	[tilespmem:$0xF500] =	vst v63  }
0x159: {  	_ = 	snop  }
0x15a: {  	[tilespmem:s29], [sflag:$0x1] =	stream.indirect.gather [hbm4b:s4+s10], $0x20, s13, s10, $0xb8;
	[tilespmem:$0xF500] =	vst v63  }
0x15b: {  	_ = 	snop  }
0x15c: {  	[tilespmem:s30], [sflag:$0x1] =	stream.indirect.gather [hbm4b:s4+s10], $0x20, s11, s10, $0xb8;
	[tilespmem:$0xF500] =	vst v63  }
0x15d: {  	_ = 	snop  }
0x15e: {  	[tilespmem:s31], [sflag:$0x1] =	stream.indirect.gather [hbm4b:s5+s10], $0x20, s11, s10, $0xb8;
	[tilespmem:$0xF500] =	vst v63  }
0x15f: {  	_ =	swait.ge [sflag:s9], $0x1000  }
0x160: {  	[sflag:s9] =	ssyncset.done $0x0  }
0x161: {  	[sflag:s9] =	ssyncadd.s32 $0xFFFFF000  }
0x162: {  	_ =	swait.ge [sflag:s9], $0x1000  }
0x163: {  	[sflag:s9] =	ssyncset.done $0x0  }
0x164: {  	[sflag:s9] =	ssyncadd.s32 $0xFFFFF000  }
0x165: {  	_ =	swait.ge [sflag:s9], $0x1000  }
0x166: {  	[sflag:s9] =	ssyncset.done $0x0  }
0x167: {  	[sflag:s9] =	ssyncadd.s32 $0xFFFFF000  }
0x168: {  	_ =	swait.ge [sflag:s9], $0x1000  }
0x169: {  	[sflag:s9] =	ssyncset.done $0x0  }
0x16a: {  	[sflag:s9] =	ssyncadd.s32 $0xFFFFF000  }
0x16b: {  	_ =	swait.ge [sflag:s9], $0x1000  }
0x16c: {  	[sflag:s9] =	ssyncset.done $0x0  }
0x16d: {  	[sflag:s9] =	ssyncadd.s32 $0xFFFFF000  }
0x16e: {  	_ =	swait.ge [sflag:s9], $0x1000  }
0x16f: {  	[sflag:s9] =	ssyncset.done $0x0  }
0x170: {  	[sflag:s9] =	ssyncadd.s32 $0xFFFFF000  }
0x171: {  	_ =	swait.ge [sflag:s9], $0x1000  }
0x172: {  	[sflag:s9] =	ssyncset.done $0x0  }
0x173: {  	[sflag:s9] =	ssyncadd.s32 $0xFFFFF000  }
0x174: {  	_ =	swait.ge [sflag:s9], $0x1000  }
0x175: {  	[sflag:s9] =	ssyncset.done $0x0  }
0x176: {  	[sflag:s9] =	ssyncadd.s32 $0xFFFFF000  }
0x177: {  	_ =	swait.ge [sflag:s9], $0x1000  }
0x178: {  	[sflag:s9] =	ssyncset.done $0x0  }
0x179: {  	[sflag:s9] =	ssyncadd.s32 $0xFFFFF000  }
0x17a: {  	_ =	swait.ge [sflag:s9], $0x1000  }
0x17b: {  	[sflag:s9] =	ssyncset.done $0x0  }
0x17c: {  	[sflag:s9] =	ssyncadd.s32 $0xFFFFF000  }
0x17d: {  	_ =	swait.ge [sflag:s9], $0x1000  }
0x17e: {  	[sflag:s9] =	ssyncset.done $0x0  }
0x17f: {  	[sflag:s9] =	ssyncadd.s32 $0xFFFFF000  }
0x180: {  	_ =	swait.ge [sflag:s9], $0x1000  }
0x181: {  	[sflag:s9] =	ssyncset.done $0x0  }
0x182: {  	[sflag:s9] =	ssyncadd.s32 $0xFFFFF000  }
0x183: {  	_ =	swait.ge [sflag:s9], $0x1000  }
0x184: {  	[sflag:s9] =	ssyncset.done $0x0  }
0x185: {  	[sflag:s9] =	ssyncadd.s32 $0xFFFFF000  }
0x186: {  	_ =	swait.ge [sflag:s9], $0x1000  }
0x187: {  	[sflag:s9] =	ssyncset.done $0x0  }
0x188: {  	[sflag:s9] =	ssyncadd.s32 $0xFFFFF000  }
0x189: {  	_ =	swait.ge [sflag:s9], $0x1000  }
0x18a: {  	[sflag:s9] =	ssyncset.done $0x0  }
0x18b: {  	s28 =	rddreg [dreg:$0xf];
	[sflag:s9] =	ssyncadd.s32 $0xFFFFF000  }
0x18c: {  	[hbm4b:s28+s2] =	stream.linear.scatter [tilespmem:s8], [sflag:$0x2], $0x5000, $0x38;
	[tilespmem:$0xF500] =	vst v63  }
0x18d: {  	_ =	swait.ge [sflag:s3], $0x5000  }
0x18e: {  	[sflag:s3] =	ssyncset.done $0x0  }
0x18f: {  	s29 =	rddreg [dreg:$0x10];
	[sflag:s3] =	ssyncadd.s32 $0xFFFFB000  }
0x190: {  	[hbm4b:s29+s2] =	stream.linear.scatter [tilespmem:s7], [sflag:$0x2], $0x5000, $0x38;
	[tilespmem:$0xF500] =	vst v63  }
0x191: {  	_ =	swait.ge [sflag:s3], $0x5000  }
0x192: {  	[sflag:s3] =	ssyncset.done $0x0  }
0x193: {  	s30 =	rddreg [dreg:$0x11];
	[sflag:s3] =	ssyncadd.s32 $0xFFFFB000  }
0x194: {  	[hbm4b:s30+s2] =	stream.linear.scatter [tilespmem:s6], [sflag:$0x2], $0x5000, $0x38;
	[tilespmem:$0xF500] =	vst v63  }
0x195: {  	_ =	swait.ge [sflag:s3], $0x5000  }
0x196: {  	[sflag:s3] =	ssyncset.done $0x0  }
0x197: {  	[sflag:s3] =	ssyncadd.s32 $0xFFFFB000  }
0x198: {  	_ =	sfence.sel $0x180000  }
0x199: {  	[bflag:$0x0] =	sbarrier.arrive $0xFFFF  }
0x19a: {  	_ =	strace $0x90000047  }
0x19b: {  	s31 =	stileid.u32;
	[bflag:$0x2] =	sbarrier.arrive $0xFFFF  }
0x19c: {  	p0 =	sne.s32 s31, $0x0;
	s0 =	rddreg [dreg:$0x4]  }
0x19d: {  	s0 =	sadd.s32 @!p0 $0x100000, s0  }
0x19e: {  	[sflag:s0] =	ssyncadd.tile.s32 @!p0 $0x1;
	_ =	shalt  }
.Lfunc_end2:
_tile_overlayer_lowered:
.L_overlay_start_2:
0x19f: {  	(tag) =	ssettag $0x2  }
0x1a0: {  	s0 =	rddreg [dreg:$0x0];
	s2 =	stileid.u32  }
0x1a1: {  	s1 =	rddreg [dreg:$0x1];
	p0 =	sne.s32 s2, $0x0  }
0x1a2: {  	s3 =	rddreg [dreg:$0x2];
	[bflag:$0x3] =	sbarrier.arrive $0xFFFF;
	s2 =	simm.s32 @!p0 $0x1C02  }
0x1a3: {  	[timem:s3], [sflag:s2] =	dma.local @!p0 [hbm:s0], s1  }
0x1a4: {  	s0 =	simm.s32 @!p0 $0x2  }
0x1a5: {  	_ =	swait.ge @!p0 [sflag:s0], s1  }
0x1a6: {  	s1 =	ssub.s32 @!p0 $0x0, s1;
	[sflag:s0] =	ssyncset.done @!p0 $0x0  }
0x1a7: {  	[sflag:s0] =	ssyncadd.s32 @!p0 s1  }
0x1a8: {  	[bflag:$0x3] =	sbarrier.arrive $0xFFFF  }
0x1a9: {  	_ =	shalt  }

</sc_bundles>
